<compile_context>
chip_gen: v7x
topology: tpu7x:2x2x1
jax: 0.10.2.dev20260603
libtpu: 0.0.44.dev20260713+nightly
codegen_flags: <defaults>
</compile_context>

<pallas_src>
import functools

import jax
import jax.numpy as jnp
from jax import lax
from jax.experimental import pallas as pl
from jax.experimental.pallas import tpu as pltpu
from jax.experimental.pallas import tpu_sc as plsc

N = 10000
E = 320000
D = 128

NC = 2
NS = 16
NW = NC * NS

CHUNK = 128
CH = 80
TOT_CH = NW * CH
E_PAD = TOT_CH * CHUNK
N_PAD = 10240
ROWS_PER_TILE = N_PAD // NS
IDX_BLK = 32
DEG_L = 128
DEG_CH = E_PAD // NW // CHUNK

_mesh = plsc.VectorSubcoreMesh(core_axis_name="c", subcore_axis_name="s")


@functools.partial(
    pl.kernel,
    out_type=jax.ShapeDtypeStruct((NC, N_PAD, D), jnp.float32),
    mesh=_mesh,
    scratch_types=[
        pltpu.VMEM((IDX_BLK, CHUNK), jnp.int32),
        pltpu.VMEM((IDX_BLK, CHUNK), jnp.int32),
        pltpu.VMEM((CHUNK, D), jnp.float32),
        pltpu.VMEM((CHUNK, D), jnp.float32),
        pltpu.VMEM_SHARED((N_PAD, D), jnp.float32),
        pltpu.SemaphoreType.DMA,
        pltpu.SemaphoreType.DMA,
    ],
)
def _sc_aggregate(x_hbm, src_hbm, dst_hbm, sum_out,
                  src_v, dst_v, rows_a, rows_b, acc_sh, sem_a, sem_b):
    c = lax.axis_index("c")
    s = lax.axis_index("s")

    zero16 = jnp.zeros((16,), jnp.float32)

    def _zrows(i, carry):
        rows_a[i // (D // 16), pl.ds((i % (D // 16)) * 16, 16)] = zero16
        return carry
    lax.fori_loop(0, CHUNK * (D // 16), _zrows, 0)

    row0 = s * ROWS_PER_TILE
    for k in range(ROWS_PER_TILE // CHUNK):
        pltpu.sync_copy(rows_a, acc_sh.at[pl.ds(row0 + k * CHUNK, CHUNK)])

    plsc.subcore_barrier()

    tbase = (c * NS + s) * CH

    def _blk(bi, carry):
        b0 = tbase + bi * IDX_BLK
        pltpu.sync_copy(src_hbm.at[pl.ds(b0, IDX_BLK)], src_v)
        pltpu.sync_copy(dst_hbm.at[pl.ds(b0, IDX_BLK)], dst_v)

        def _edge(i, c2):
            j0 = 2 * i
            j1 = j0 + 1
            ca = pltpu.async_copy(x_hbm.at[src_v.at[j0]], rows_a, sem_a)
            cb = pltpu.async_copy(x_hbm.at[src_v.at[j1]], rows_b, sem_b)
            ca.wait()
            pltpu.sync_copy(rows_a, acc_sh.at[dst_v.at[j0]], add=True)
            cb.wait()
            pltpu.sync_copy(rows_b, acc_sh.at[dst_v.at[j1]], add=True)
            return c2
        lax.fori_loop(0, IDX_BLK // 2, _edge, 0)
        return carry
    lax.fori_loop(0, CH // IDX_BLK, _blk, 0)

    plsc.subcore_barrier()

    for k in range(ROWS_PER_TILE // CHUNK):
        r0 = row0 + k * CHUNK
        pltpu.sync_copy(acc_sh.at[pl.ds(r0, CHUNK)], rows_a)
        pltpu.sync_copy(rows_a, sum_out.at[c, pl.ds(r0, CHUNK)])


@functools.partial(
    pl.kernel,
    out_type=jax.ShapeDtypeStruct((NC, N_PAD, DEG_L), jnp.float32),
    mesh=_mesh,
    scratch_types=[
        pltpu.VMEM((DEG_CH, CHUNK), jnp.int32),
        pltpu.VMEM((CHUNK, DEG_L), jnp.float32),
        pltpu.VMEM_SHARED((N_PAD, DEG_L), jnp.float32),
        pltpu.SemaphoreType.DMA,
    ],
)
def _sc_degree(dst_hbm, deg_out, dst_v, ones_v, deg_sh, sem):
    c = lax.axis_index("c")
    s = lax.axis_index("s")
    w = c * NS + s

    zero16 = jnp.zeros((16,), jnp.float32)
    one16 = jnp.ones((16,), jnp.float32)

    def _zones(i, carry):
        ones_v[i // (DEG_L // 16), pl.ds((i % (DEG_L // 16)) * 16, 16)] = zero16
        return carry
    lax.fori_loop(0, CHUNK * (DEG_L // 16), _zones, 0)

    row0 = s * ROWS_PER_TILE
    for k in range(ROWS_PER_TILE // CHUNK):
        pltpu.sync_copy(ones_v, deg_sh.at[pl.ds(row0 + k * CHUNK, CHUNK)])

    def _sones(i, carry):
        ones_v[i // (DEG_L // 16), pl.ds((i % (DEG_L // 16)) * 16, 16)] = one16
        return carry
    lax.fori_loop(0, CHUNK * (DEG_L // 16), _sones, 0)

    pltpu.sync_copy(dst_hbm.at[pl.ds(w * DEG_CH, DEG_CH)], dst_v)

    plsc.subcore_barrier()

    def _edge(j, carry):
        pltpu.sync_copy(ones_v, deg_sh.at[dst_v.at[j]], add=True)
        return carry
    lax.fori_loop(0, DEG_CH, _edge, 0)

    plsc.subcore_barrier()

    for k in range(ROWS_PER_TILE // CHUNK):
        r0 = row0 + k * CHUNK
        pltpu.sync_copy(deg_sh.at[pl.ds(r0, CHUNK)], ones_v)
        pltpu.sync_copy(ones_v, deg_out.at[c, pl.ds(r0, CHUNK)])


def _tc_body(sum_ref, deg_ref, x_ref, wl_ref, b_ref, wr_ref, out_ref):
    sums = sum_ref[...]
    total = sums[0] + sums[1]
    dd = deg_ref[...]
    deg = dd[0, :, 0:1] + dd[1, :, 0:1]
    mean = total / jnp.maximum(deg, 1.0)
    acc = jnp.dot(mean, wl_ref[...], preferred_element_type=jnp.float32)
    acc += jnp.dot(x_ref[...], wr_ref[...], preferred_element_type=jnp.float32)
    out_ref[...] = jnp.maximum(acc + b_ref[...], 0.0)


_TC_B = 1024

_tc_layer = pl.pallas_call(
    _tc_body,
    grid=(N_PAD // _TC_B,),
    in_specs=[
        pl.BlockSpec((NC, _TC_B, D), lambda i: (0, i, 0)),
        pl.BlockSpec((NC, _TC_B, DEG_L), lambda i: (0, i, 0)),
        pl.BlockSpec((_TC_B, D), lambda i: (i, 0)),
        pl.BlockSpec((D, D), lambda i: (0, 0)),
        pl.BlockSpec((1, D), lambda i: (0, 0)),
        pl.BlockSpec((D, D), lambda i: (0, 0)),
    ],
    out_specs=pl.BlockSpec((_TC_B, D), lambda i: (i, 0)),
    out_shape=jax.ShapeDtypeStruct((N_PAD, D), jnp.float32),
)


def kernel(x, edge_index, W1_l, b1, W1_r, W2_l, b2, W2_r):
    src = edge_index[0]
    dst = edge_index[1]
    pad = E_PAD - E
    src_p = jnp.concatenate([src, jnp.zeros((pad,), jnp.int32)])
    dst_p = jnp.concatenate([dst, jnp.full((pad,), N, jnp.int32)])
    src2 = src_p.reshape(TOT_CH, CHUNK)
    dst2 = dst_p.reshape(TOT_CH, CHUNK)

    xp = jnp.concatenate([x, jnp.zeros((N_PAD - N, D), jnp.float32)])
    b1r = b1.reshape(1, D)
    b2r = b2.reshape(1, D)

    deg = _sc_degree(dst2)
    sums1 = _sc_aggregate(xp, src2, dst2)
    h1 = _tc_layer(sums1, deg, xp, W1_l, b1r, W1_r)
    sums2 = _sc_aggregate(h1, src2, dst2)
    h2 = _tc_layer(sums2, deg, h1, W2_l, b2r, W2_r)
    return h2[:N]

# --- scband reference (transcript-rebuilt; emitter-appended) ---
"""Pipeline reference for scband-graph-sageencoder-26336739459482 (READ-ONLY COPY).

The authoritative reference and input builder live on the scoring server;
editing this copy changes nothing except your own understanding.
"""

import jax, jax.numpy as jnp
import numpy as np

N = 10000
E = 320000
D_IN = 128
D_HID = 128


def _glorot(key, fan_in, fan_out):
    s = jnp.sqrt(2.0 / (fan_in + fan_out))
    return jax.random.normal(key, (fan_in, fan_out), dtype=jnp.float32) * s


def setup_inputs(seed: int = 0) -> dict:
    key = jax.random.key(seed)
    ks = jax.random.split(key, 8)
    x = jax.random.normal(ks[0], (N, D_IN), dtype=jnp.float32)
    edge_index = jax.random.randint(ks[1], (2, E), 0, N, dtype=jnp.int32)
    # SAGEConv layer 1 params: lin_l (applied to aggregated neighbors, with bias), lin_r (root, no bias)
    W1_l = _glorot(ks[2], D_IN, D_HID)
    b1 = jnp.zeros((D_HID,), dtype=jnp.float32)
    W1_r = _glorot(ks[3], D_IN, D_HID)
    # SAGEConv layer 2 params
    W2_l = _glorot(ks[4], D_HID, D_HID)
    b2 = jnp.zeros((D_HID,), dtype=jnp.float32)
    W2_r = _glorot(ks[5], D_HID, D_HID)
    return {"x": x, "edge_index": edge_index, "W1_l": W1_l, "b1": b1, "W1_r": W1_r,
            "W2_l": W2_l, "b2": b2, "W2_r": W2_r}


def _sage_conv(x, edge_index, W_l, b, W_r):
    # PyG SAGEConv with mean aggregation:
    #   out = lin_l(mean_{j in N(i)} x_j) + lin_r(x_i)
    src = edge_index[0]
    dst = edge_index[1]
    msgs = jnp.take(x, src, axis=0)                      # gather  [E, d]
    summed = jax.ops.segment_sum(msgs, dst, num_segments=N)   # scatter-add [N, d]
    deg = jax.ops.segment_sum(jnp.ones((edge_index.shape[1],), dtype=x.dtype), dst,
                              num_segments=N)
    mean = summed / jnp.clip(deg, 1.0, None)[:, None]
    return mean @ W_l + b + x @ W_r


def reference(x, edge_index, W1_l, b1, W1_r, W2_l, b2, W2_r):
    h = jax.nn.relu(_sage_conv(x, edge_index, W1_l, b1, W1_r))
    h = jax.nn.relu(_sage_conv(h, edge_index, W2_l, b2, W2_r))
    return h

if __name__ == "__main__":
    import jax
    _d = setup_inputs()
    print(jax.jit(kernel)(*tuple(_d.values())))

</pallas_src>

<mosaic_0001>
#map = affine_map<(d0, d1) -> (0, 0)>
#map1 = affine_map<(d0, d1) -> (0, 0, 0)>
module attributes {stable_mosaic.version = 14 : i64} {
  func.func @_sc_aggregate(%arg0: i32, %arg1: i32, %arg2: memref<10240x128xf32, #tpu.memory_space<hbm>>, %arg3: memref<2560x128xi32, #tpu.memory_space<hbm>>, %arg4: memref<2560x128xi32, #tpu.memory_space<hbm>>, %arg5: memref<2x10240x128xf32, #tpu.memory_space<hbm>>, %arg6: memref<32x128xi32, #tpu.memory_space<vmem>>, %arg7: memref<32x128xi32, #tpu.memory_space<vmem>>, %arg8: memref<128x128xf32, #tpu.memory_space<vmem>>, %arg9: memref<128x128xf32, #tpu.memory_space<vmem>>, %arg10: memref<10240x128xf32, #tpu.memory_space<vmem_shared>>, %arg11: memref<!tpu.dma_semaphore, #tpu.memory_space<semaphore_mem>>, %arg12: memref<!tpu.dma_semaphore, #tpu.memory_space<semaphore_mem>>) attributes {dimension_semantics = [#tpu.dimension_semantics<core_parallel>, #tpu.dimension_semantics<subcore_parallel>], iteration_bounds = array<i64: 2, 16>, scalar_prefetch = 0 : i64, scratch_operands = 7 : i64, tpu.core_type = #tpu.core_type<sc_vector_subcore>, window_params = [{transform_indices = #map}, {transform_indices = #map}, {transform_indices = #map}, {transform_indices = #map1}]} {
    %broadcast_in_dim3A = arith.constant 0.000000e+00 : f32
    %broadcast_in_dim3A_0 = vector.broadcast %broadcast_in_dim3A : f32 to vector<16xf32>
    %scan3A = arith.constant 0 : i32
    %scan3A_1 = arith.constant 0 : i32
    %scan3A_2 = arith.constant 1024 : i32
    %scan3A_3 = arith.addi %scan3A_1, %scan3A_2 : i32
    %scan3A_4 = arith.constant 1 : i32
    scf.for %scan3A_38 = %scan3A_1 to %scan3A_3 step %scan3A_4  : i32 {
      %jit3A = arith.constant 8 : i32
      %div3A = arith.divsi %scan3A_38, %jit3A : i32
      %sign3A = arith.constant 0 : i32
      %sign3A_39 = arith.cmpi sgt, %scan3A_38, %sign3A : i32
      %sign3A_40 = arith.extui %sign3A_39 : i1 to i32
      %sign3A_41 = arith.constant 0 : i32
      %sign3A_42 = arith.cmpi slt, %scan3A_38, %sign3A_41 : i32
      %sign3A_43 = arith.extui %sign3A_42 : i1 to i32
      %sign3A_44 = arith.subi %sign3A_40, %sign3A_43 : i32
      %sign3A_45 = arith.constant 0 : i32
      %sign3A_46 = arith.cmpi sgt, %jit3A, %sign3A_45 : i32
      %sign3A_47 = arith.extui %sign3A_46 : i1 to i32
      %sign3A_48 = arith.constant 0 : i32
      %sign3A_49 = arith.cmpi slt, %jit3A, %sign3A_48 : i32
      %sign3A_50 = arith.extui %sign3A_49 : i1 to i32
      %sign3A_51 = arith.subi %sign3A_47, %sign3A_50 : i32
      %ne3A = arith.cmpi ne, %sign3A_44, %sign3A_51 : i32
      %rem3A = arith.remsi %scan3A_38, %jit3A : i32
      %ne3A_52 = arith.constant 0 : i32
      %ne3A_53 = arith.cmpi ne, %rem3A, %ne3A_52 : i32
      %and3A = arith.andi %ne3A, %ne3A_53 : i1
      %sub3A = arith.constant 1 : i32
      %sub3A_54 = arith.subi %div3A, %sub3A : i32
      %select_n3A = arith.select %and3A, %sub3A_54, %div3A : i32
      %jit3A_55 = arith.constant 8 : i32
      %eq3A = arith.constant 0 : i32
      %eq3A_56 = arith.cmpi eq, %jit3A_55, %eq3A : i32
      %jit3A_57 = arith.constant 1 : i32
      %select_n3A_58 = arith.select %eq3A_56, %jit3A_57, %jit3A_55 : i32
      %rem3A_59 = arith.remsi %scan3A_38, %select_n3A_58 : i32
      %ne3A_60 = arith.constant 0 : i32
      %ne3A_61 = arith.cmpi ne, %rem3A_59, %ne3A_60 : i32
      %lt3A = arith.constant 0 : i32
      %lt3A_62 = arith.cmpi slt, %rem3A_59, %lt3A : i32
      %lt3A_63 = arith.constant 0 : i32
      %lt3A_64 = arith.cmpi slt, %select_n3A_58, %lt3A_63 : i32
      %ne3A_65 = arith.xori %lt3A_62, %lt3A_64 : i1
      %and3A_66 = arith.andi %ne3A_65, %ne3A_61 : i1
      %add3A_67 = arith.addi %rem3A_59, %select_n3A_58 : i32
      %select_n3A_68 = arith.select %and3A_66, %add3A_67, %rem3A_59 : i32
      %mul3A_69 = arith.constant 16 : i32
      %mul3A_70 = arith.muli %select_n3A_68, %mul3A_69 : i32
      %swap3A = arith.index_cast %select_n3A : i32 to index
      %swap3A_71 = arith.index_cast %mul3A_70 : i32 to index
      %swap3A_72 = tpu.vector_load %arg8[%swap3A, %swap3A_71] {strides = array<i32>} : memref<128x128xf32, #tpu.memory_space<vmem>>, vector<1x16xf32>,
      %swap3A_73 = vector.shape_cast %swap3A_72 : vector<1x16xf32> to vector<16xf32>
      %swap3A_74 = vector.shape_cast %broadcast_in_dim3A_0 : vector<16xf32> to vector<1x16xf32>
      tpu.vector_store %arg8[%swap3A, %swap3A_71], %swap3A_74 {strides = array<i32>} : memref<128x128xf32, #tpu.memory_space<vmem>>, vector<1x16xf32>,
    }
    %scan3A_5 = arith.constant 1024 : i32
    %mul3A = arith.constant 640 : i32
    %mul3A_6 = arith.muli %arg1, %mul3A : i32
    %add3A = arith.constant 0 : i32
    %add3A_7 = arith.addi %mul3A_6, %add3A : i32
    "tpu.region"() ({
      %run_scoped3A = tpu.sem_alloc : memref<!tpu.dma_semaphore, #tpu.memory_space<semaphore_mem>>
      %dma_start3A = arith.constant 0 : i32
      %dma_start3A_38 = tpu.memref_slice %arg10[%add3A_7, %dma_start3A] : memref<10240x128xf32, #tpu.memory_space<vmem_shared>> -> memref<128x128xf32, #tpu.memory_space<vmem_shared>>
      %dma_start3A_39 = arith.constant 0 : i32
      %dma_start3A_40 = tpu.memref_slice %arg10[%add3A_7, %dma_start3A_39] : memref<10240x128xf32, #tpu.memory_space<vmem_shared>> -> memref<128x128xf32, #tpu.memory_space<vmem_shared>>
      tpu.enqueue_dma source(%arg8 : memref<128x128xf32, #tpu.memory_space<vmem>>) target(%dma_start3A_40 : memref<128x128xf32, #tpu.memory_space<vmem_shared>>) target_semaphore(%run_scoped3A : memref<!tpu.dma_semaphore, #tpu.memory_space<semaphore_mem>>)
      %dma_wait3A = arith.constant 0 : i32
      %dma_wait3A_41 = tpu.memref_slice %arg10[%add3A_7, %dma_wait3A] : memref<10240x128xf32, #tpu.memory_space<vmem_shared>> -> memref<128x128xf32, #tpu.memory_space<vmem_shared>>
      %dma_wait3A_42 = arith.constant 0 : i32
      %dma_wait3A_43 = tpu.memref_slice %arg10[%add3A_7, %dma_wait3A_42] : memref<10240x128xf32, #tpu.memory_space<vmem_shared>> -> memref<128x128xf32, #tpu.memory_space<vmem_shared>>
      tpu.wait_dma2 semaphore(%run_scoped3A : memref<!tpu.dma_semaphore, #tpu.memory_space<semaphore_mem>>) src(%arg8 : memref<128x128xf32, #tpu.memory_space<vmem>>) dst(%dma_wait3A_43 : memref<128x128xf32, #tpu.memory_space<vmem_shared>>)
      tpu.yield
    }) : () -> ()
    %add3A_8 = arith.constant 128 : i32
    %add3A_9 = arith.addi %mul3A_6, %add3A_8 : i32
    "tpu.region"() ({
      %run_scoped3A = tpu.sem_alloc : memref<!tpu.dma_semaphore, #tpu.memory_space<semaphore_mem>>
      %dma_start3A = arith.constant 0 : i32
      %dma_start3A_38 = tpu.memref_slice %arg10[%add3A_9, %dma_start3A] : memref<10240x128xf32, #tpu.memory_space<vmem_shared>> -> memref<128x128xf32, #tpu.memory_space<vmem_shared>>
      %dma_start3A_39 = arith.constant 0 : i32
      %dma_start3A_40 = tpu.memref_slice %arg10[%add3A_9, %dma_start3A_39] : memref<10240x128xf32, #tpu.memory_space<vmem_shared>> -> memref<128x128xf32, #tpu.memory_space<vmem_shared>>
      tpu.enqueue_dma source(%arg8 : memref<128x128xf32, #tpu.memory_space<vmem>>) target(%dma_start3A_40 : memref<128x128xf32, #tpu.memory_space<vmem_shared>>) target_semaphore(%run_scoped3A : memref<!tpu.dma_semaphore, #tpu.memory_space<semaphore_mem>>)
      %dma_wait3A = arith.constant 0 : i32
      %dma_wait3A_41 = tpu.memref_slice %arg10[%add3A_9, %dma_wait3A] : memref<10240x128xf32, #tpu.memory_space<vmem_shared>> -> memref<128x128xf32, #tpu.memory_space<vmem_shared>>
      %dma_wait3A_42 = arith.constant 0 : i32
      %dma_wait3A_43 = tpu.memref_slice %arg10[%add3A_9, %dma_wait3A_42] : memref<10240x128xf32, #tpu.memory_space<vmem_shared>> -> memref<128x128xf32, #tpu.memory_space<vmem_shared>>
      tpu.wait_dma2 semaphore(%run_scoped3A : memref<!tpu.dma_semaphore, #tpu.memory_space<semaphore_mem>>) src(%arg8 : memref<128x128xf32, #tpu.memory_space<vmem>>) dst(%dma_wait3A_43 : memref<128x128xf32, #tpu.memory_space<vmem_shared>>)
      tpu.yield
    }) : () -> ()
    %add3A_10 = arith.constant 256 : i32
    %add3A_11 = arith.addi %mul3A_6, %add3A_10 : i32
    "tpu.region"() ({
      %run_scoped3A = tpu.sem_alloc : memref<!tpu.dma_semaphore, #tpu.memory_space<semaphore_mem>>
      %dma_start3A = arith.constant 0 : i32
      %dma_start3A_38 = tpu.memref_slice %arg10[%add3A_11, %dma_start3A] : memref<10240x128xf32, #tpu.memory_space<vmem_shared>> -> memref<128x128xf32, #tpu.memory_space<vmem_shared>>
      %dma_start3A_39 = arith.constant 0 : i32
      %dma_start3A_40 = tpu.memref_slice %arg10[%add3A_11, %dma_start3A_39] : memref<10240x128xf32, #tpu.memory_space<vmem_shared>> -> memref<128x128xf32, #tpu.memory_space<vmem_shared>>
      tpu.enqueue_dma source(%arg8 : memref<128x128xf32, #tpu.memory_space<vmem>>) target(%dma_start3A_40 : memref<128x128xf32, #tpu.memory_space<vmem_shared>>) target_semaphore(%run_scoped3A : memref<!tpu.dma_semaphore, #tpu.memory_space<semaphore_mem>>)
      %dma_wait3A = arith.constant 0 : i32
      %dma_wait3A_41 = tpu.memref_slice %arg10[%add3A_11, %dma_wait3A] : memref<10240x128xf32, #tpu.memory_space<vmem_shared>> -> memref<128x128xf32, #tpu.memory_space<vmem_shared>>
      %dma_wait3A_42 = arith.constant 0 : i32
      %dma_wait3A_43 = tpu.memref_slice %arg10[%add3A_11, %dma_wait3A_42] : memref<10240x128xf32, #tpu.memory_space<vmem_shared>> -> memref<128x128xf32, #tpu.memory_space<vmem_shared>>
      tpu.wait_dma2 semaphore(%run_scoped3A : memref<!tpu.dma_semaphore, #tpu.memory_space<semaphore_mem>>) src(%arg8 : memref<128x128xf32, #tpu.memory_space<vmem>>) dst(%dma_wait3A_43 : memref<128x128xf32, #tpu.memory_space<vmem_shared>>)
      tpu.yield
    }) : () -> ()
    %add3A_12 = arith.constant 384 : i32
    %add3A_13 = arith.addi %mul3A_6, %add3A_12 : i32
    "tpu.region"() ({
      %run_scoped3A = tpu.sem_alloc : memref<!tpu.dma_semaphore, #tpu.memory_space<semaphore_mem>>
      %dma_start3A = arith.constant 0 : i32
      %dma_start3A_38 = tpu.memref_slice %arg10[%add3A_13, %dma_start3A] : memref<10240x128xf32, #tpu.memory_space<vmem_shared>> -> memref<128x128xf32, #tpu.memory_space<vmem_shared>>
      %dma_start3A_39 = arith.constant 0 : i32
      %dma_start3A_40 = tpu.memref_slice %arg10[%add3A_13, %dma_start3A_39] : memref<10240x128xf32, #tpu.memory_space<vmem_shared>> -> memref<128x128xf32, #tpu.memory_space<vmem_shared>>
      tpu.enqueue_dma source(%arg8 : memref<128x128xf32, #tpu.memory_space<vmem>>) target(%dma_start3A_40 : memref<128x128xf32, #tpu.memory_space<vmem_shared>>) target_semaphore(%run_scoped3A : memref<!tpu.dma_semaphore, #tpu.memory_space<semaphore_mem>>)
      %dma_wait3A = arith.constant 0 : i32
      %dma_wait3A_41 = tpu.memref_slice %arg10[%add3A_13, %dma_wait3A] : memref<10240x128xf32, #tpu.memory_space<vmem_shared>> -> memref<128x128xf32, #tpu.memory_space<vmem_shared>>
      %dma_wait3A_42 = arith.constant 0 : i32
      %dma_wait3A_43 = tpu.memref_slice %arg10[%add3A_13, %dma_wait3A_42] : memref<10240x128xf32, #tpu.memory_space<vmem_shared>> -> memref<128x128xf32, #tpu.memory_space<vmem_shared>>
      tpu.wait_dma2 semaphore(%run_scoped3A : memref<!tpu.dma_semaphore, #tpu.memory_space<semaphore_mem>>) src(%arg8 : memref<128x128xf32, #tpu.memory_space<vmem>>) dst(%dma_wait3A_43 : memref<128x128xf32, #tpu.memory_space<vmem_shared>>)
      tpu.yield
    }) : () -> ()
    %add3A_14 = arith.constant 512 : i32
    %add3A_15 = arith.addi %mul3A_6, %add3A_14 : i32
    "tpu.region"() ({
      %run_scoped3A = tpu.sem_alloc : memref<!tpu.dma_semaphore, #tpu.memory_space<semaphore_mem>>
      %dma_start3A = arith.constant 0 : i32
      %dma_start3A_38 = tpu.memref_slice %arg10[%add3A_15, %dma_start3A] : memref<10240x128xf32, #tpu.memory_space<vmem_shared>> -> memref<128x128xf32, #tpu.memory_space<vmem_shared>>
      %dma_start3A_39 = arith.constant 0 : i32
      %dma_start3A_40 = tpu.memref_slice %arg10[%add3A_15, %dma_start3A_39] : memref<10240x128xf32, #tpu.memory_space<vmem_shared>> -> memref<128x128xf32, #tpu.memory_space<vmem_shared>>
      tpu.enqueue_dma source(%arg8 : memref<128x128xf32, #tpu.memory_space<vmem>>) target(%dma_start3A_40 : memref<128x128xf32, #tpu.memory_space<vmem_shared>>) target_semaphore(%run_scoped3A : memref<!tpu.dma_semaphore, #tpu.memory_space<semaphore_mem>>)
      %dma_wait3A = arith.constant 0 : i32
      %dma_wait3A_41 = tpu.memref_slice %arg10[%add3A_15, %dma_wait3A] : memref<10240x128xf32, #tpu.memory_space<vmem_shared>> -> memref<128x128xf32, #tpu.memory_space<vmem_shared>>
      %dma_wait3A_42 = arith.constant 0 : i32
      %dma_wait3A_43 = tpu.memref_slice %arg10[%add3A_15, %dma_wait3A_42] : memref<10240x128xf32, #tpu.memory_space<vmem_shared>> -> memref<128x128xf32, #tpu.memory_space<vmem_shared>>
      tpu.wait_dma2 semaphore(%run_scoped3A : memref<!tpu.dma_semaphore, #tpu.memory_space<semaphore_mem>>) src(%arg8 : memref<128x128xf32, #tpu.memory_space<vmem>>) dst(%dma_wait3A_43 : memref<128x128xf32, #tpu.memory_space<vmem_shared>>)
      tpu.yield
    }) : () -> ()
    %barrier3A = arith.constant 0 : index
    tpu.barrier barrier_id(%barrier3A)
    %mul3A_16 = arith.constant 16 : i32
    %mul3A_17 = arith.muli %arg0, %mul3A_16 : i32
    %add3A_18 = arith.addi %mul3A_17, %arg1 : i32
    %mul3A_19 = arith.constant 80 : i32
    %mul3A_20 = arith.muli %add3A_18, %mul3A_19 : i32
    %scan3A_21 = arith.constant 0 : i32
    %scan3A_22 = arith.constant 0 : i32
    %scan3A_23 = arith.constant 2 : i32
    %scan3A_24 = arith.addi %scan3A_22, %scan3A_23 : i32
    %scan3A_25 = arith.constant 1 : i32
    scf.for %scan3A_38 = %scan3A_22 to %scan3A_24 step %scan3A_25  : i32 {
      %mul3A_39 = arith.constant 32 : i32
      %mul3A_40 = arith.muli %scan3A_38, %mul3A_39 : i32
      %add3A_41 = arith.addi %mul3A_20, %mul3A_40 : i32
      "tpu.region"() ({
        %run_scoped3A = tpu.sem_alloc : memref<!tpu.dma_semaphore, #tpu.memory_space<semaphore_mem>>
        %dma_start3A = arith.constant 0 : i32
        %dma_start3A_48 = tpu.memref_slice %arg3[%add3A_41, %dma_start3A] : memref<2560x128xi32, #tpu.memory_space<hbm>> -> memref<32x128xi32, #tpu.memory_space<hbm>>
        %dma_start3A_49 = arith.constant 0 : i32
        %dma_start3A_50 = tpu.memref_slice %arg3[%add3A_41, %dma_start3A_49] : memref<2560x128xi32, #tpu.memory_space<hbm>> -> memref<32x128xi32, #tpu.memory_space<hbm>>
        tpu.enqueue_dma source(%dma_start3A_50 : memref<32x128xi32, #tpu.memory_space<hbm>>) target(%arg6 : memref<32x128xi32, #tpu.memory_space<vmem>>) target_semaphore(%run_scoped3A : memref<!tpu.dma_semaphore, #tpu.memory_space<semaphore_mem>>)
        %dma_wait3A = arith.constant 0 : i32
        %dma_wait3A_51 = tpu.memref_slice %arg3[%add3A_41, %dma_wait3A] : memref<2560x128xi32, #tpu.memory_space<hbm>> -> memref<32x128xi32, #tpu.memory_space<hbm>>
        %dma_wait3A_52 = arith.constant 0 : i32
        %dma_wait3A_53 = tpu.memref_slice %arg3[%add3A_41, %dma_wait3A_52] : memref<2560x128xi32, #tpu.memory_space<hbm>> -> memref<32x128xi32, #tpu.memory_space<hbm>>
        tpu.wait_dma2 semaphore(%run_scoped3A : memref<!tpu.dma_semaphore, #tpu.memory_space<semaphore_mem>>) src(%dma_wait3A_53 : memref<32x128xi32, #tpu.memory_space<hbm>>) dst(%arg6 : memref<32x128xi32, #tpu.memory_space<vmem>>)
        tpu.yield
      }) : () -> ()
      "tpu.region"() ({
        %run_scoped3A = tpu.sem_alloc : memref<!tpu.dma_semaphore, #tpu.memory_space<semaphore_mem>>
        %dma_start3A = arith.constant 0 : i32
        %dma_start3A_48 = tpu.memref_slice %arg4[%add3A_41, %dma_start3A] : memref<2560x128xi32, #tpu.memory_space<hbm>> -> memref<32x128xi32, #tpu.memory_space<hbm>>
        %dma_start3A_49 = arith.constant 0 : i32
        %dma_start3A_50 = tpu.memref_slice %arg4[%add3A_41, %dma_start3A_49] : memref<2560x128xi32, #tpu.memory_space<hbm>> -> memref<32x128xi32, #tpu.memory_space<hbm>>
        tpu.enqueue_dma source(%dma_start3A_50 : memref<32x128xi32, #tpu.memory_space<hbm>>) target(%arg7 : memref<32x128xi32, #tpu.memory_space<vmem>>) target_semaphore(%run_scoped3A : memref<!tpu.dma_semaphore, #tpu.memory_space<semaphore_mem>>)
        %dma_wait3A = arith.constant 0 : i32
        %dma_wait3A_51 = tpu.memref_slice %arg4[%add3A_41, %dma_wait3A] : memref<2560x128xi32, #tpu.memory_space<hbm>> -> memref<32x128xi32, #tpu.memory_space<hbm>>
        %dma_wait3A_52 = arith.constant 0 : i32
        %dma_wait3A_53 = tpu.memref_slice %arg4[%add3A_41, %dma_wait3A_52] : memref<2560x128xi32, #tpu.memory_space<hbm>> -> memref<32x128xi32, #tpu.memory_space<hbm>>
        tpu.wait_dma2 semaphore(%run_scoped3A : memref<!tpu.dma_semaphore, #tpu.memory_space<semaphore_mem>>) src(%dma_wait3A_53 : memref<32x128xi32, #tpu.memory_space<hbm>>) dst(%arg7 : memref<32x128xi32, #tpu.memory_space<vmem>>)
        tpu.yield
      }) : () -> ()
      %scan3A_42 = arith.constant 0 : i32
      %scan3A_43 = arith.constant 0 : i32
      %scan3A_44 = arith.constant 16 : i32
      %scan3A_45 = arith.addi %scan3A_43, %scan3A_44 : i32
      %scan3A_46 = arith.constant 1 : i32
      scf.for %scan3A_48 = %scan3A_43 to %scan3A_45 step %scan3A_46  : i32 {
        %mul3A_49 = arith.constant 2 : i32
        %mul3A_50 = arith.muli %mul3A_49, %scan3A_48 : i32
        %add3A_51 = arith.constant 1 : i32
        %add3A_52 = arith.addi %mul3A_50, %add3A_51 : i32
        %dma_start3A = arith.constant 0 : i32
        %dma_start3A_53 = tpu.memref_slice %arg6[%mul3A_50, %dma_start3A] : memref<32x128xi32, #tpu.memory_space<vmem>> -> memref<1x128xi32, #tpu.memory_space<vmem>>
        %dma_start3A_54 = tpu.memref_squeeze %dma_start3A_53 : memref<1x128xi32, #tpu.memory_space<vmem>> -> memref<128xi32, #tpu.memory_space<vmem>>
        %dma_start3A_55 = arith.constant 0 : i32
        %dma_start3A_56 = arith.constant 0 : i32
        %dma_start3A_57 = tpu.memref_slice %arg2[%dma_start3A_55, %dma_start3A_56] : memref<10240x128xf32, #tpu.memory_space<hbm>> -> memref<10240x128xf32, #tpu.memory_space<hbm>>
        tpu.enqueue_indirect_dma source(%dma_start3A_57 : memref<10240x128xf32, #tpu.memory_space<hbm>>) target(%arg8 : memref<128x128xf32, #tpu.memory_space<vmem>>) offsets(%dma_start3A_54 : memref<128xi32, #tpu.memory_space<vmem>>) semaphore(%arg11 : memref<!tpu.dma_semaphore, #tpu.memory_space<semaphore_mem>>)
        %dma_start3A_58 = arith.constant 0 : i32
        %dma_start3A_59 = tpu.memref_slice %arg6[%add3A_52, %dma_start3A_58] : memref<32x128xi32, #tpu.memory_space<vmem>> -> memref<1x128xi32, #tpu.memory_space<vmem>>
        %dma_start3A_60 = tpu.memref_squeeze %dma_start3A_59 : memref<1x128xi32, #tpu.memory_space<vmem>> -> memref<128xi32, #tpu.memory_space<vmem>>
        %dma_start3A_61 = arith.constant 0 : i32
        %dma_start3A_62 = arith.constant 0 : i32
        %dma_start3A_63 = tpu.memref_slice %arg2[%dma_start3A_61, %dma_start3A_62] : memref<10240x128xf32, #tpu.memory_space<hbm>> -> memref<10240x128xf32, #tpu.memory_space<hbm>>
        tpu.enqueue_indirect_dma source(%dma_start3A_63 : memref<10240x128xf32, #tpu.memory_space<hbm>>) target(%arg9 : memref<128x128xf32, #tpu.memory_space<vmem>>) offsets(%dma_start3A_60 : memref<128xi32, #tpu.memory_space<vmem>>) semaphore(%arg12 : memref<!tpu.dma_semaphore, #tpu.memory_space<semaphore_mem>>)
        %dma_wait3A = arith.constant 0 : i32
        %dma_wait3A_64 = tpu.memref_slice %arg6[%mul3A_50, %dma_wait3A] : memref<32x128xi32, #tpu.memory_space<vmem>> -> memref<1x128xi32, #tpu.memory_space<vmem>>
        %dma_wait3A_65 = tpu.memref_squeeze %dma_wait3A_64 : memref<1x128xi32, #tpu.memory_space<vmem>> -> memref<128xi32, #tpu.memory_space<vmem>>
        %dma_wait3A_66 = arith.constant 0 : i32
        %dma_wait3A_67 = arith.constant 0 : i32
        %dma_wait3A_68 = tpu.memref_slice %arg2[%dma_wait3A_66, %dma_wait3A_67] : memref<10240x128xf32, #tpu.memory_space<hbm>> -> memref<10240x128xf32, #tpu.memory_space<hbm>>
        tpu.wait_indirect_dma semaphore(%arg11 : memref<!tpu.dma_semaphore, #tpu.memory_space<semaphore_mem>>) src(%dma_wait3A_68 : memref<10240x128xf32, #tpu.memory_space<hbm>>) dst(%arg8 : memref<128x128xf32, #tpu.memory_space<vmem>>)
        "tpu.region"() ({
          %run_scoped3A = tpu.sem_alloc : memref<!tpu.dma_semaphore, #tpu.memory_space<semaphore_mem>>
          %dma_start3A_75 = arith.constant 0 : i32
          %dma_start3A_76 = tpu.memref_slice %arg7[%mul3A_50, %dma_start3A_75] : memref<32x128xi32, #tpu.memory_space<vmem>> -> memref<1x128xi32, #tpu.memory_space<vmem>>
          %dma_start3A_77 = tpu.memref_squeeze %dma_start3A_76 : memref<1x128xi32, #tpu.memory_space<vmem>> -> memref<128xi32, #tpu.memory_space<vmem>>
          %dma_start3A_78 = arith.constant 0 : i32
          %dma_start3A_79 = arith.constant 0 : i32
          %dma_start3A_80 = tpu.memref_slice %arg10[%dma_start3A_78, %dma_start3A_79] : memref<10240x128xf32, #tpu.memory_space<vmem_shared>> -> memref<10240x128xf32, #tpu.memory_space<vmem_shared>>
          tpu.enqueue_indirect_dma source(%arg8 : memref<128x128xf32, #tpu.memory_space<vmem>>) target(%dma_start3A_80 : memref<10240x128xf32, #tpu.memory_space<vmem_shared>>) offsets(%dma_start3A_77 : memref<128xi32, #tpu.memory_space<vmem>>) semaphore(%run_scoped3A : memref<!tpu.dma_semaphore, #tpu.memory_space<semaphore_mem>>) {add = true}
          %dma_wait3A_81 = arith.constant 0 : i32
          %dma_wait3A_82 = tpu.memref_slice %arg7[%mul3A_50, %dma_wait3A_81] : memref<32x128xi32, #tpu.memory_space<vmem>> -> memref<1x128xi32, #tpu.memory_space<vmem>>
          %dma_wait3A_83 = tpu.memref_squeeze %dma_wait3A_82 : memref<1x128xi32, #tpu.memory_space<vmem>> -> memref<128xi32, #tpu.memory_space<vmem>>
          %dma_wait3A_84 = arith.constant 0 : i32
          %dma_wait3A_85 = arith.constant 0 : i32
          %dma_wait3A_86 = tpu.memref_slice %arg10[%dma_wait3A_84, %dma_wait3A_85] : memref<10240x128xf32, #tpu.memory_space<vmem_shared>> -> memref<10240x128xf32, #tpu.memory_space<vmem_shared>>
          tpu.wait_indirect_dma semaphore(%run_scoped3A : memref<!tpu.dma_semaphore, #tpu.memory_space<semaphore_mem>>) src(%arg8 : memref<128x128xf32, #tpu.memory_space<vmem>>) dst(%dma_wait3A_86 : memref<10240x128xf32, #tpu.memory_space<vmem_shared>>)
          tpu.yield
        }) : () -> ()
        %dma_wait3A_69 = arith.constant 0 : i32
        %dma_wait3A_70 = tpu.memref_slice %arg6[%add3A_52, %dma_wait3A_69] : memref<32x128xi32, #tpu.memory_space<vmem>> -> memref<1x128xi32, #tpu.memory_space<vmem>>
        %dma_wait3A_71 = tpu.memref_squeeze %dma_wait3A_70 : memref<1x128xi32, #tpu.memory_space<vmem>> -> memref<128xi32, #tpu.memory_space<vmem>>
        %dma_wait3A_72 = arith.constant 0 : i32
        %dma_wait3A_73 = arith.constant 0 : i32
        %dma_wait3A_74 = tpu.memref_slice %arg2[%dma_wait3A_72, %dma_wait3A_73] : memref<10240x128xf32, #tpu.memory_space<hbm>> -> memref<10240x128xf32, #tpu.memory_space<hbm>>
        tpu.wait_indirect_dma semaphore(%arg12 : memref<!tpu.dma_semaphore, #tpu.memory_space<semaphore_mem>>) src(%dma_wait3A_74 : memref<10240x128xf32, #tpu.memory_space<hbm>>) dst(%arg9 : memref<128x128xf32, #tpu.memory_space<vmem>>)
        "tpu.region"() ({
          %run_scoped3A = tpu.sem_alloc : memref<!tpu.dma_semaphore, #tpu.memory_space<semaphore_mem>>
          %dma_start3A_75 = arith.constant 0 : i32
          %dma_start3A_76 = tpu.memref_slice %arg7[%add3A_52, %dma_start3A_75] : memref<32x128xi32, #tpu.memory_space<vmem>> -> memref<1x128xi32, #tpu.memory_space<vmem>>
          %dma_start3A_77 = tpu.memref_squeeze %dma_start3A_76 : memref<1x128xi32, #tpu.memory_space<vmem>> -> memref<128xi32, #tpu.memory_space<vmem>>
          %dma_start3A_78 = arith.constant 0 : i32
          %dma_start3A_79 = arith.constant 0 : i32
          %dma_start3A_80 = tpu.memref_slice %arg10[%dma_start3A_78, %dma_start3A_79] : memref<10240x128xf32, #tpu.memory_space<vmem_shared>> -> memref<10240x128xf32, #tpu.memory_space<vmem_shared>>
          tpu.enqueue_indirect_dma source(%arg9 : memref<128x128xf32, #tpu.memory_space<vmem>>) target(%dma_start3A_80 : memref<10240x128xf32, #tpu.memory_space<vmem_shared>>) offsets(%dma_start3A_77 : memref<128xi32, #tpu.memory_space<vmem>>) semaphore(%run_scoped3A : memref<!tpu.dma_semaphore, #tpu.memory_space<semaphore_mem>>) {add = true}
          %dma_wait3A_81 = arith.constant 0 : i32
          %dma_wait3A_82 = tpu.memref_slice %arg7[%add3A_52, %dma_wait3A_81] : memref<32x128xi32, #tpu.memory_space<vmem>> -> memref<1x128xi32, #tpu.memory_space<vmem>>
          %dma_wait3A_83 = tpu.memref_squeeze %dma_wait3A_82 : memref<1x128xi32, #tpu.memory_space<vmem>> -> memref<128xi32, #tpu.memory_space<vmem>>
          %dma_wait3A_84 = arith.constant 0 : i32
          %dma_wait3A_85 = arith.constant 0 : i32
          %dma_wait3A_86 = tpu.memref_slice %arg10[%dma_wait3A_84, %dma_wait3A_85] : memref<10240x128xf32, #tpu.memory_space<vmem_shared>> -> memref<10240x128xf32, #tpu.memory_space<vmem_shared>>
          tpu.wait_indirect_dma semaphore(%run_scoped3A : memref<!tpu.dma_semaphore, #tpu.memory_space<semaphore_mem>>) src(%arg9 : memref<128x128xf32, #tpu.memory_space<vmem>>) dst(%dma_wait3A_86 : memref<10240x128xf32, #tpu.memory_space<vmem_shared>>)
          tpu.yield
        }) : () -> ()
      }
      %scan3A_47 = arith.constant 16 : i32
    }
    %scan3A_26 = arith.constant 2 : i32
    %barrier3A_27 = arith.constant 0 : index
    tpu.barrier barrier_id(%barrier3A_27)
    %add3A_28 = arith.constant 0 : i32
    %add3A_29 = arith.addi %mul3A_6, %add3A_28 : i32
    "tpu.region"() ({
      %run_scoped3A = tpu.sem_alloc : memref<!tpu.dma_semaphore, #tpu.memory_space<semaphore_mem>>
      %dma_start3A = arith.constant 0 : i32
      %dma_start3A_38 = tpu.memref_slice %arg10[%add3A_29, %dma_start3A] : memref<10240x128xf32, #tpu.memory_space<vmem_shared>> -> memref<128x128xf32, #tpu.memory_space<vmem_shared>>
      %dma_start3A_39 = arith.constant 0 : i32
      %dma_start3A_40 = tpu.memref_slice %arg10[%add3A_29, %dma_start3A_39] : memref<10240x128xf32, #tpu.memory_space<vmem_shared>> -> memref<128x128xf32, #tpu.memory_space<vmem_shared>>
      tpu.enqueue_dma source(%dma_start3A_40 : memref<128x128xf32, #tpu.memory_space<vmem_shared>>) target(%arg8 : memref<128x128xf32, #tpu.memory_space<vmem>>) target_semaphore(%run_scoped3A : memref<!tpu.dma_semaphore, #tpu.memory_space<semaphore_mem>>)
      %dma_wait3A = arith.constant 0 : i32
      %dma_wait3A_41 = tpu.memref_slice %arg10[%add3A_29, %dma_wait3A] : memref<10240x128xf32, #tpu.memory_space<vmem_shared>> -> memref<128x128xf32, #tpu.memory_space<vmem_shared>>
      %dma_wait3A_42 = arith.constant 0 : i32
      %dma_wait3A_43 = tpu.memref_slice %arg10[%add3A_29, %dma_wait3A_42] : memref<10240x128xf32, #tpu.memory_space<vmem_shared>> -> memref<128x128xf32, #tpu.memory_space<vmem_shared>>
      tpu.wait_dma2 semaphore(%run_scoped3A : memref<!tpu.dma_semaphore, #tpu.memory_space<semaphore_mem>>) src(%dma_wait3A_43 : memref<128x128xf32, #tpu.memory_space<vmem_shared>>) dst(%arg8 : memref<128x128xf32, #tpu.memory_space<vmem>>)
      tpu.yield
    }) : () -> ()
    "tpu.region"() ({
      %run_scoped3A = tpu.sem_alloc : memref<!tpu.dma_semaphore, #tpu.memory_space<semaphore_mem>>
      %dma_start3A = arith.constant 0 : i32
      %dma_start3A_38 = tpu.memref_slice %arg5[%arg0, %add3A_29, %dma_start3A] : memref<2x10240x128xf32, #tpu.memory_space<hbm>> -> memref<1x128x128xf32, #tpu.memory_space<hbm>>
      %dma_start3A_39 = tpu.memref_squeeze %dma_start3A_38 : memref<1x128x128xf32, #tpu.memory_space<hbm>> -> memref<128x128xf32, #tpu.memory_space<hbm>>
      %dma_start3A_40 = arith.constant 0 : i32
      %dma_start3A_41 = tpu.memref_slice %arg5[%arg0, %add3A_29, %dma_start3A_40] : memref<2x10240x128xf32, #tpu.memory_space<hbm>> -> memref<1x128x128xf32, #tpu.memory_space<hbm>>
      %dma_start3A_42 = tpu.memref_squeeze %dma_start3A_41 : memref<1x128x128xf32, #tpu.memory_space<hbm>> -> memref<128x128xf32, #tpu.memory_space<hbm>>
      tpu.enqueue_dma source(%arg8 : memref<128x128xf32, #tpu.memory_space<vmem>>) target(%dma_start3A_42 : memref<128x128xf32, #tpu.memory_space<hbm>>) target_semaphore(%run_scoped3A : memref<!tpu.dma_semaphore, #tpu.memory_space<semaphore_mem>>)
      %dma_wait3A = arith.constant 0 : i32
      %dma_wait3A_43 = tpu.memref_slice %arg5[%arg0, %add3A_29, %dma_wait3A] : memref<2x10240x128xf32, #tpu.memory_space<hbm>> -> memref<1x128x128xf32, #tpu.memory_space<hbm>>
      %dma_wait3A_44 = tpu.memref_squeeze %dma_wait3A_43 : memref<1x128x128xf32, #tpu.memory_space<hbm>> -> memref<128x128xf32, #tpu.memory_space<hbm>>
      %dma_wait3A_45 = arith.constant 0 : i32
      %dma_wait3A_46 = tpu.memref_slice %arg5[%arg0, %add3A_29, %dma_wait3A_45] : memref<2x10240x128xf32, #tpu.memory_space<hbm>> -> memref<1x128x128xf32, #tpu.memory_space<hbm>>
      %dma_wait3A_47 = tpu.memref_squeeze %dma_wait3A_46 : memref<1x128x128xf32, #tpu.memory_space<hbm>> -> memref<128x128xf32, #tpu.memory_space<hbm>>
      tpu.wait_dma2 semaphore(%run_scoped3A : memref<!tpu.dma_semaphore, #tpu.memory_space<semaphore_mem>>) src(%arg8 : memref<128x128xf32, #tpu.memory_space<vmem>>) dst(%dma_wait3A_47 : memref<128x128xf32, #tpu.memory_space<hbm>>)
      tpu.yield
    }) : () -> ()
    %add3A_30 = arith.constant 128 : i32
    %add3A_31 = arith.addi %mul3A_6, %add3A_30 : i32
    "tpu.region"() ({
      %run_scoped3A = tpu.sem_alloc : memref<!tpu.dma_semaphore, #tpu.memory_space<semaphore_mem>>
      %dma_start3A = arith.constant 0 : i32
      %dma_start3A_38 = tpu.memref_slice %arg10[%add3A_31, %dma_start3A] : memref<10240x128xf32, #tpu.memory_space<vmem_shared>> -> memref<128x128xf32, #tpu.memory_space<vmem_shared>>
      %dma_start3A_39 = arith.constant 0 : i32
      %dma_start3A_40 = tpu.memref_slice %arg10[%add3A_31, %dma_start3A_39] : memref<10240x128xf32, #tpu.memory_space<vmem_shared>> -> memref<128x128xf32, #tpu.memory_space<vmem_shared>>
      tpu.enqueue_dma source(%dma_start3A_40 : memref<128x128xf32, #tpu.memory_space<vmem_shared>>) target(%arg8 : memref<128x128xf32, #tpu.memory_space<vmem>>) target_semaphore(%run_scoped3A : memref<!tpu.dma_semaphore, #tpu.memory_space<semaphore_mem>>)
      %dma_wait3A = arith.constant 0 : i32
      %dma_wait3A_41 = tpu.memref_slice %arg10[%add3A_31, %dma_wait3A] : memref<10240x128xf32, #tpu.memory_space<vmem_shared>> -> memref<128x128xf32, #tpu.memory_space<vmem_shared>>
      %dma_wait3A_42 = arith.constant 0 : i32
      %dma_wait3A_43 = tpu.memref_slice %arg10[%add3A_31, %dma_wait3A_42] : memref<10240x128xf32, #tpu.memory_space<vmem_shared>> -> memref<128x128xf32, #tpu.memory_space<vmem_shared>>
      tpu.wait_dma2 semaphore(%run_scoped3A : memref<!tpu.dma_semaphore, #tpu.memory_space<semaphore_mem>>) src(%dma_wait3A_43 : memref<128x128xf32, #tpu.memory_space<vmem_shared>>) dst(%arg8 : memref<128x128xf32, #tpu.memory_space<vmem>>)
      tpu.yield
    }) : () -> ()
    "tpu.region"() ({
      %run_scoped3A = tpu.sem_alloc : memref<!tpu.dma_semaphore, #tpu.memory_space<semaphore_mem>>
      %dma_start3A = arith.constant 0 : i32
      %dma_start3A_38 = tpu.memref_slice %arg5[%arg0, %add3A_31, %dma_start3A] : memref<2x10240x128xf32, #tpu.memory_space<hbm>> -> memref<1x128x128xf32, #tpu.memory_space<hbm>>
      %dma_start3A_39 = tpu.memref_squeeze %dma_start3A_38 : memref<1x128x128xf32, #tpu.memory_space<hbm>> -> memref<128x128xf32, #tpu.memory_space<hbm>>
      %dma_start3A_40 = arith.constant 0 : i32
      %dma_start3A_41 = tpu.memref_slice %arg5[%arg0, %add3A_31, %dma_start3A_40] : memref<2x10240x128xf32, #tpu.memory_space<hbm>> -> memref<1x128x128xf32, #tpu.memory_space<hbm>>
      %dma_start3A_42 = tpu.memref_squeeze %dma_start3A_41 : memref<1x128x128xf32, #tpu.memory_space<hbm>> -> memref<128x128xf32, #tpu.memory_space<hbm>>
      tpu.enqueue_dma source(%arg8 : memref<128x128xf32, #tpu.memory_space<vmem>>) target(%dma_start3A_42 : memref<128x128xf32, #tpu.memory_space<hbm>>) target_semaphore(%run_scoped3A : memref<!tpu.dma_semaphore, #tpu.memory_space<semaphore_mem>>)
      %dma_wait3A = arith.constant 0 : i32
      %dma_wait3A_43 = tpu.memref_slice %arg5[%arg0, %add3A_31, %dma_wait3A] : memref<2x10240x128xf32, #tpu.memory_space<hbm>> -> memref<1x128x128xf32, #tpu.memory_space<hbm>>
      %dma_wait3A_44 = tpu.memref_squeeze %dma_wait3A_43 : memref<1x128x128xf32, #tpu.memory_space<hbm>> -> memref<128x128xf32, #tpu.memory_space<hbm>>
      %dma_wait3A_45 = arith.constant 0 : i32
      %dma_wait3A_46 = tpu.memref_slice %arg5[%arg0, %add3A_31, %dma_wait3A_45] : memref<2x10240x128xf32, #tpu.memory_space<hbm>> -> memref<1x128x128xf32, #tpu.memory_space<hbm>>
      %dma_wait3A_47 = tpu.memref_squeeze %dma_wait3A_46 : memref<1x128x128xf32, #tpu.memory_space<hbm>> -> memref<128x128xf32, #tpu.memory_space<hbm>>
      tpu.wait_dma2 semaphore(%run_scoped3A : memref<!tpu.dma_semaphore, #tpu.memory_space<semaphore_mem>>) src(%arg8 : memref<128x128xf32, #tpu.memory_space<vmem>>) dst(%dma_wait3A_47 : memref<128x128xf32, #tpu.memory_space<hbm>>)
      tpu.yield
    }) : () -> ()
    %add3A_32 = arith.constant 256 : i32
    %add3A_33 = arith.addi %mul3A_6, %add3A_32 : i32
    "tpu.region"() ({
      %run_scoped3A = tpu.sem_alloc : memref<!tpu.dma_semaphore, #tpu.memory_space<semaphore_mem>>
      %dma_start3A = arith.constant 0 : i32
      %dma_start3A_38 = tpu.memref_slice %arg10[%add3A_33, %dma_start3A] : memref<10240x128xf32, #tpu.memory_space<vmem_shared>> -> memref<128x128xf32, #tpu.memory_space<vmem_shared>>
      %dma_start3A_39 = arith.constant 0 : i32
      %dma_start3A_40 = tpu.memref_slice %arg10[%add3A_33, %dma_start3A_39] : memref<10240x128xf32, #tpu.memory_space<vmem_shared>> -> memref<128x128xf32, #tpu.memory_space<vmem_shared>>
      tpu.enqueue_dma source(%dma_start3A_40 : memref<128x128xf32, #tpu.memory_space<vmem_shared>>) target(%arg8 : memref<128x128xf32, #tpu.memory_space<vmem>>) target_semaphore(%run_scoped3A : memref<!tpu.dma_semaphore, #tpu.memory_space<semaphore_mem>>)
      %dma_wait3A = arith.constant 0 : i32
      %dma_wait3A_41 = tpu.memref_slice %arg10[%add3A_33, %dma_wait3A] : memref<10240x128xf32, #tpu.memory_space<vmem_shared>> -> memref<128x128xf32, #tpu.memory_space<vmem_shared>>
      %dma_wait3A_42 = arith.constant 0 : i32
      %dma_wait3A_43 = tpu.memref_slice %arg10[%add3A_33, %dma_wait3A_42] : memref<10240x128xf32, #tpu.memory_space<vmem_shared>> -> memref<128x128xf32, #tpu.memory_space<vmem_shared>>
      tpu.wait_dma2 semaphore(%run_scoped3A : memref<!tpu.dma_semaphore, #tpu.memory_space<semaphore_mem>>) src(%dma_wait3A_43 : memref<128x128xf32, #tpu.memory_space<vmem_shared>>) dst(%arg8 : memref<128x128xf32, #tpu.memory_space<vmem>>)
      tpu.yield
    }) : () -> ()
    "tpu.region"() ({
      %run_scoped3A = tpu.sem_alloc : memref<!tpu.dma_semaphore, #tpu.memory_space<semaphore_mem>>
      %dma_start3A = arith.constant 0 : i32
      %dma_start3A_38 = tpu.memref_slice %arg5[%arg0, %add3A_33, %dma_start3A] : memref<2x10240x128xf32, #tpu.memory_space<hbm>> -> memref<1x128x128xf32, #tpu.memory_space<hbm>>
      %dma_start3A_39 = tpu.memref_squeeze %dma_start3A_38 : memref<1x128x128xf32, #tpu.memory_space<hbm>> -> memref<128x128xf32, #tpu.memory_space<hbm>>
      %dma_start3A_40 = arith.constant 0 : i32
      %dma_start3A_41 = tpu.memref_slice %arg5[%arg0, %add3A_33, %dma_start3A_40] : memref<2x10240x128xf32, #tpu.memory_space<hbm>> -> memref<1x128x128xf32, #tpu.memory_space<hbm>>
      %dma_start3A_42 = tpu.memref_squeeze %dma_start3A_41 : memref<1x128x128xf32, #tpu.memory_space<hbm>> -> memref<128x128xf32, #tpu.memory_space<hbm>>
      tpu.enqueue_dma source(%arg8 : memref<128x128xf32, #tpu.memory_space<vmem>>) target(%dma_start3A_42 : memref<128x128xf32, #tpu.memory_space<hbm>>) target_semaphore(%run_scoped3A : memref<!tpu.dma_semaphore, #tpu.memory_space<semaphore_mem>>)
      %dma_wait3A = arith.constant 0 : i32
      %dma_wait3A_43 = tpu.memref_slice %arg5[%arg0, %add3A_33, %dma_wait3A] : memref<2x10240x128xf32, #tpu.memory_space<hbm>> -> memref<1x128x128xf32, #tpu.memory_space<hbm>>
      %dma_wait3A_44 = tpu.memref_squeeze %dma_wait3A_43 : memref<1x128x128xf32, #tpu.memory_space<hbm>> -> memref<128x128xf32, #tpu.memory_space<hbm>>
      %dma_wait3A_45 = arith.constant 0 : i32
      %dma_wait3A_46 = tpu.memref_slice %arg5[%arg0, %add3A_33, %dma_wait3A_45] : memref<2x10240x128xf32, #tpu.memory_space<hbm>> -> memref<1x128x128xf32, #tpu.memory_space<hbm>>
      %dma_wait3A_47 = tpu.memref_squeeze %dma_wait3A_46 : memref<1x128x128xf32, #tpu.memory_space<hbm>> -> memref<128x128xf32, #tpu.memory_space<hbm>>
      tpu.wait_dma2 semaphore(%run_scoped3A : memref<!tpu.dma_semaphore, #tpu.memory_space<semaphore_mem>>) src(%arg8 : memref<128x128xf32, #tpu.memory_space<vmem>>) dst(%dma_wait3A_47 : memref<128x128xf32, #tpu.memory_space<hbm>>)
      tpu.yield
    }) : () -> ()
    %add3A_34 = arith.constant 384 : i32
    %add3A_35 = arith.addi %mul3A_6, %add3A_34 : i32
    "tpu.region"() ({
      %run_scoped3A = tpu.sem_alloc : memref<!tpu.dma_semaphore, #tpu.memory_space<semaphore_mem>>
      %dma_start3A = arith.constant 0 : i32
      %dma_start3A_38 = tpu.memref_slice %arg10[%add3A_35, %dma_start3A] : memref<10240x128xf32, #tpu.memory_space<vmem_shared>> -> memref<128x128xf32, #tpu.memory_space<vmem_shared>>
      %dma_start3A_39 = arith.constant 0 : i32
      %dma_start3A_40 = tpu.memref_slice %arg10[%add3A_35, %dma_start3A_39] : memref<10240x128xf32, #tpu.memory_space<vmem_shared>> -> memref<128x128xf32, #tpu.memory_space<vmem_shared>>
      tpu.enqueue_dma source(%dma_start3A_40 : memref<128x128xf32, #tpu.memory_space<vmem_shared>>) target(%arg8 : memref<128x128xf32, #tpu.memory_space<vmem>>) target_semaphore(%run_scoped3A : memref<!tpu.dma_semaphore, #tpu.memory_space<semaphore_mem>>)
      %dma_wait3A = arith.constant 0 : i32
      %dma_wait3A_41 = tpu.memref_slice %arg10[%add3A_35, %dma_wait3A] : memref<10240x128xf32, #tpu.memory_space<vmem_shared>> -> memref<128x128xf32, #tpu.memory_space<vmem_shared>>
      %dma_wait3A_42 = arith.constant 0 : i32
      %dma_wait3A_43 = tpu.memref_slice %arg10[%add3A_35, %dma_wait3A_42] : memref<10240x128xf32, #tpu.memory_space<vmem_shared>> -> memref<128x128xf32, #tpu.memory_space<vmem_shared>>
      tpu.wait_dma2 semaphore(%run_scoped3A : memref<!tpu.dma_semaphore, #tpu.memory_space<semaphore_mem>>) src(%dma_wait3A_43 : memref<128x128xf32, #tpu.memory_space<vmem_shared>>) dst(%arg8 : memref<128x128xf32, #tpu.memory_space<vmem>>)
      tpu.yield
    }) : () -> ()
    "tpu.region"() ({
      %run_scoped3A = tpu.sem_alloc : memref<!tpu.dma_semaphore, #tpu.memory_space<semaphore_mem>>
      %dma_start3A = arith.constant 0 : i32
      %dma_start3A_38 = tpu.memref_slice %arg5[%arg0, %add3A_35, %dma_start3A] : memref<2x10240x128xf32, #tpu.memory_space<hbm>> -> memref<1x128x128xf32, #tpu.memory_space<hbm>>
      %dma_start3A_39 = tpu.memref_squeeze %dma_start3A_38 : memref<1x128x128xf32, #tpu.memory_space<hbm>> -> memref<128x128xf32, #tpu.memory_space<hbm>>
      %dma_start3A_40 = arith.constant 0 : i32
      %dma_start3A_41 = tpu.memref_slice %arg5[%arg0, %add3A_35, %dma_start3A_40] : memref<2x10240x128xf32, #tpu.memory_space<hbm>> -> memref<1x128x128xf32, #tpu.memory_space<hbm>>
      %dma_start3A_42 = tpu.memref_squeeze %dma_start3A_41 : memref<1x128x128xf32, #tpu.memory_space<hbm>> -> memref<128x128xf32, #tpu.memory_space<hbm>>
      tpu.enqueue_dma source(%arg8 : memref<128x128xf32, #tpu.memory_space<vmem>>) target(%dma_start3A_42 : memref<128x128xf32, #tpu.memory_space<hbm>>) target_semaphore(%run_scoped3A : memref<!tpu.dma_semaphore, #tpu.memory_space<semaphore_mem>>)
      %dma_wait3A = arith.constant 0 : i32
      %dma_wait3A_43 = tpu.memref_slice %arg5[%arg0, %add3A_35, %dma_wait3A] : memref<2x10240x128xf32, #tpu.memory_space<hbm>> -> memref<1x128x128xf32, #tpu.memory_space<hbm>>
      %dma_wait3A_44 = tpu.memref_squeeze %dma_wait3A_43 : memref<1x128x128xf32, #tpu.memory_space<hbm>> -> memref<128x128xf32, #tpu.memory_space<hbm>>
      %dma_wait3A_45 = arith.constant 0 : i32
      %dma_wait3A_46 = tpu.memref_slice %arg5[%arg0, %add3A_35, %dma_wait3A_45] : memref<2x10240x128xf32, #tpu.memory_space<hbm>> -> memref<1x128x128xf32, #tpu.memory_space<hbm>>
      %dma_wait3A_47 = tpu.memref_squeeze %dma_wait3A_46 : memref<1x128x128xf32, #tpu.memory_space<hbm>> -> memref<128x128xf32, #tpu.memory_space<hbm>>
      tpu.wait_dma2 semaphore(%run_scoped3A : memref<!tpu.dma_semaphore, #tpu.memory_space<semaphore_mem>>) src(%arg8 : memref<128x128xf32, #tpu.memory_space<vmem>>) dst(%dma_wait3A_47 : memref<128x128xf32, #tpu.memory_space<hbm>>)
      tpu.yield
    }) : () -> ()
    %add3A_36 = arith.constant 512 : i32
    %add3A_37 = arith.addi %mul3A_6, %add3A_36 : i32
    "tpu.region"() ({
      %run_scoped3A = tpu.sem_alloc : memref<!tpu.dma_semaphore, #tpu.memory_space<semaphore_mem>>
      %dma_start3A = arith.constant 0 : i32
      %dma_start3A_38 = tpu.memref_slice %arg10[%add3A_37, %dma_start3A] : memref<10240x128xf32, #tpu.memory_space<vmem_shared>> -> memref<128x128xf32, #tpu.memory_space<vmem_shared>>
      %dma_start3A_39 = arith.constant 0 : i32
      %dma_start3A_40 = tpu.memref_slice %arg10[%add3A_37, %dma_start3A_39] : memref<10240x128xf32, #tpu.memory_space<vmem_shared>> -> memref<128x128xf32, #tpu.memory_space<vmem_shared>>
      tpu.enqueue_dma source(%dma_start3A_40 : memref<128x128xf32, #tpu.memory_space<vmem_shared>>) target(%arg8 : memref<128x128xf32, #tpu.memory_space<vmem>>) target_semaphore(%run_scoped3A : memref<!tpu.dma_semaphore, #tpu.memory_space<semaphore_mem>>)
      %dma_wait3A = arith.constant 0 : i32
      %dma_wait3A_41 = tpu.memref_slice %arg10[%add3A_37, %dma_wait3A] : memref<10240x128xf32, #tpu.memory_space<vmem_shared>> -> memref<128x128xf32, #tpu.memory_space<vmem_shared>>
      %dma_wait3A_42 = arith.constant 0 : i32
      %dma_wait3A_43 = tpu.memref_slice %arg10[%add3A_37, %dma_wait3A_42] : memref<10240x128xf32, #tpu.memory_space<vmem_shared>> -> memref<128x128xf32, #tpu.memory_space<vmem_shared>>
      tpu.wait_dma2 semaphore(%run_scoped3A : memref<!tpu.dma_semaphore, #tpu.memory_space<semaphore_mem>>) src(%dma_wait3A_43 : memref<128x128xf32, #tpu.memory_space<vmem_shared>>) dst(%arg8 : memref<128x128xf32, #tpu.memory_space<vmem>>)
      tpu.yield
    }) : () -> ()
    "tpu.region"() ({
      %run_scoped3A = tpu.sem_alloc : memref<!tpu.dma_semaphore, #tpu.memory_space<semaphore_mem>>
      %dma_start3A = arith.constant 0 : i32
      %dma_start3A_38 = tpu.memref_slice %arg5[%arg0, %add3A_37, %dma_start3A] : memref<2x10240x128xf32, #tpu.memory_space<hbm>> -> memref<1x128x128xf32, #tpu.memory_space<hbm>>
      %dma_start3A_39 = tpu.memref_squeeze %dma_start3A_38 : memref<1x128x128xf32, #tpu.memory_space<hbm>> -> memref<128x128xf32, #tpu.memory_space<hbm>>
      %dma_start3A_40 = arith.constant 0 : i32
      %dma_start3A_41 = tpu.memref_slice %arg5[%arg0, %add3A_37, %dma_start3A_40] : memref<2x10240x128xf32, #tpu.memory_space<hbm>> -> memref<1x128x128xf32, #tpu.memory_space<hbm>>
      %dma_start3A_42 = tpu.memref_squeeze %dma_start3A_41 : memref<1x128x128xf32, #tpu.memory_space<hbm>> -> memref<128x128xf32, #tpu.memory_space<hbm>>
      tpu.enqueue_dma source(%arg8 : memref<128x128xf32, #tpu.memory_space<vmem>>) target(%dma_start3A_42 : memref<128x128xf32, #tpu.memory_space<hbm>>) target_semaphore(%run_scoped3A : memref<!tpu.dma_semaphore, #tpu.memory_space<semaphore_mem>>)
      %dma_wait3A = arith.constant 0 : i32
      %dma_wait3A_43 = tpu.memref_slice %arg5[%arg0, %add3A_37, %dma_wait3A] : memref<2x10240x128xf32, #tpu.memory_space<hbm>> -> memref<1x128x128xf32, #tpu.memory_space<hbm>>
      %dma_wait3A_44 = tpu.memref_squeeze %dma_wait3A_43 : memref<1x128x128xf32, #tpu.memory_space<hbm>> -> memref<128x128xf32, #tpu.memory_space<hbm>>
      %dma_wait3A_45 = arith.constant 0 : i32
      %dma_wait3A_46 = tpu.memref_slice %arg5[%arg0, %add3A_37, %dma_wait3A_45] : memref<2x10240x128xf32, #tpu.memory_space<hbm>> -> memref<1x128x128xf32, #tpu.memory_space<hbm>>
      %dma_wait3A_47 = tpu.memref_squeeze %dma_wait3A_46 : memref<1x128x128xf32, #tpu.memory_space<hbm>> -> memref<128x128xf32, #tpu.memory_space<hbm>>
      tpu.wait_dma2 semaphore(%run_scoped3A : memref<!tpu.dma_semaphore, #tpu.memory_space<semaphore_mem>>) src(%arg8 : memref<128x128xf32, #tpu.memory_space<vmem>>) dst(%dma_wait3A_47 : memref<128x128xf32, #tpu.memory_space<hbm>>)
      tpu.yield
    }) : () -> ()
    return
  }
}

#map = affine_map<(d0, d1) -> (0, 0)>
#map1 = affine_map<(d0, d1) -> (0, 0, 0)>
module attributes {stable_mosaic.version = 14 : i64} {
  func.func @_sc_degree(%arg0: i32, %arg1: i32, %arg2: memref<2560x128xi32, #tpu.memory_space<hbm>>, %arg3: memref<2x10240x128xf32, #tpu.memory_space<hbm>>, %arg4: memref<80x128xi32, #tpu.memory_space<vmem>>, %arg5: memref<128x128xf32, #tpu.memory_space<vmem>>, %arg6: memref<10240x128xf32, #tpu.memory_space<vmem_shared>>, %arg7: memref<!tpu.dma_semaphore, #tpu.memory_space<semaphore_mem>>) attributes {dimension_semantics = [#tpu.dimension_semantics<core_parallel>, #tpu.dimension_semantics<subcore_parallel>], iteration_bounds = array<i64: 2, 16>, scalar_prefetch = 0 : i64, scratch_operands = 4 : i64, tpu.core_type = #tpu.core_type<sc_vector_subcore>, window_params = [{transform_indices = #map}, {transform_indices = #map1}]} {
    %mul3A = arith.constant 16 : i32
    %mul3A_0 = arith.muli %arg0, %mul3A : i32
    %add3A = arith.addi %mul3A_0, %arg1 : i32
    %broadcast_in_dim3A = arith.constant 0.000000e+00 : f32
    %broadcast_in_dim3A_1 = vector.broadcast %broadcast_in_dim3A : f32 to vector<16xf32>
    %broadcast_in_dim3A_2 = arith.constant 1.000000e+00 : f32
    %broadcast_in_dim3A_3 = vector.broadcast %broadcast_in_dim3A_2 : f32 to vector<16xf32>
    %scan3A = arith.constant 0 : i32
    %scan3A_4 = arith.constant 0 : i32
    %scan3A_5 = arith.constant 1024 : i32
    %scan3A_6 = arith.addi %scan3A_4, %scan3A_5 : i32
    %scan3A_7 = arith.constant 1 : i32
    scf.for %scan3A_46 = %scan3A_4 to %scan3A_6 step %scan3A_7  : i32 {
      %jit3A = arith.constant 8 : i32
      %div3A = arith.divsi %scan3A_46, %jit3A : i32
      %sign3A = arith.constant 0 : i32
      %sign3A_47 = arith.cmpi sgt, %scan3A_46, %sign3A : i32
      %sign3A_48 = arith.extui %sign3A_47 : i1 to i32
      %sign3A_49 = arith.constant 0 : i32
      %sign3A_50 = arith.cmpi slt, %scan3A_46, %sign3A_49 : i32
      %sign3A_51 = arith.extui %sign3A_50 : i1 to i32
      %sign3A_52 = arith.subi %sign3A_48, %sign3A_51 : i32
      %sign3A_53 = arith.constant 0 : i32
      %sign3A_54 = arith.cmpi sgt, %jit3A, %sign3A_53 : i32
      %sign3A_55 = arith.extui %sign3A_54 : i1 to i32
      %sign3A_56 = arith.constant 0 : i32
      %sign3A_57 = arith.cmpi slt, %jit3A, %sign3A_56 : i32
      %sign3A_58 = arith.extui %sign3A_57 : i1 to i32
      %sign3A_59 = arith.subi %sign3A_55, %sign3A_58 : i32
      %ne3A = arith.cmpi ne, %sign3A_52, %sign3A_59 : i32
      %rem3A = arith.remsi %scan3A_46, %jit3A : i32
      %ne3A_60 = arith.constant 0 : i32
      %ne3A_61 = arith.cmpi ne, %rem3A, %ne3A_60 : i32
      %and3A = arith.andi %ne3A, %ne3A_61 : i1
      %sub3A = arith.constant 1 : i32
      %sub3A_62 = arith.subi %div3A, %sub3A : i32
      %select_n3A = arith.select %and3A, %sub3A_62, %div3A : i32
      %jit3A_63 = arith.constant 8 : i32
      %eq3A = arith.constant 0 : i32
      %eq3A_64 = arith.cmpi eq, %jit3A_63, %eq3A : i32
      %jit3A_65 = arith.constant 1 : i32
      %select_n3A_66 = arith.select %eq3A_64, %jit3A_65, %jit3A_63 : i32
      %rem3A_67 = arith.remsi %scan3A_46, %select_n3A_66 : i32
      %ne3A_68 = arith.constant 0 : i32
      %ne3A_69 = arith.cmpi ne, %rem3A_67, %ne3A_68 : i32
      %lt3A = arith.constant 0 : i32
      %lt3A_70 = arith.cmpi slt, %rem3A_67, %lt3A : i32
      %lt3A_71 = arith.constant 0 : i32
      %lt3A_72 = arith.cmpi slt, %select_n3A_66, %lt3A_71 : i32
      %ne3A_73 = arith.xori %lt3A_70, %lt3A_72 : i1
      %and3A_74 = arith.andi %ne3A_73, %ne3A_69 : i1
      %add3A_75 = arith.addi %rem3A_67, %select_n3A_66 : i32
      %select_n3A_76 = arith.select %and3A_74, %add3A_75, %rem3A_67 : i32
      %mul3A_77 = arith.constant 16 : i32
      %mul3A_78 = arith.muli %select_n3A_76, %mul3A_77 : i32
      %swap3A = arith.index_cast %select_n3A : i32 to index
      %swap3A_79 = arith.index_cast %mul3A_78 : i32 to index
      %swap3A_80 = tpu.vector_load %arg5[%swap3A, %swap3A_79] {strides = array<i32>} : memref<128x128xf32, #tpu.memory_space<vmem>>, vector<1x16xf32>,
      %swap3A_81 = vector.shape_cast %swap3A_80 : vector<1x16xf32> to vector<16xf32>
      %swap3A_82 = vector.shape_cast %broadcast_in_dim3A_1 : vector<16xf32> to vector<1x16xf32>
      tpu.vector_store %arg5[%swap3A, %swap3A_79], %swap3A_82 {strides = array<i32>} : memref<128x128xf32, #tpu.memory_space<vmem>>, vector<1x16xf32>,
    }
    %scan3A_8 = arith.constant 1024 : i32
    %mul3A_9 = arith.constant 640 : i32
    %mul3A_10 = arith.muli %arg1, %mul3A_9 : i32
    %add3A_11 = arith.constant 0 : i32
    %add3A_12 = arith.addi %mul3A_10, %add3A_11 : i32
    "tpu.region"() ({
      %run_scoped3A = tpu.sem_alloc : memref<!tpu.dma_semaphore, #tpu.memory_space<semaphore_mem>>
      %dma_start3A = arith.constant 0 : i32
      %dma_start3A_46 = tpu.memref_slice %arg6[%add3A_12, %dma_start3A] : memref<10240x128xf32, #tpu.memory_space<vmem_shared>> -> memref<128x128xf32, #tpu.memory_space<vmem_shared>>
      %dma_start3A_47 = arith.constant 0 : i32
      %dma_start3A_48 = tpu.memref_slice %arg6[%add3A_12, %dma_start3A_47] : memref<10240x128xf32, #tpu.memory_space<vmem_shared>> -> memref<128x128xf32, #tpu.memory_space<vmem_shared>>
      tpu.enqueue_dma source(%arg5 : memref<128x128xf32, #tpu.memory_space<vmem>>) target(%dma_start3A_48 : memref<128x128xf32, #tpu.memory_space<vmem_shared>>) target_semaphore(%run_scoped3A : memref<!tpu.dma_semaphore, #tpu.memory_space<semaphore_mem>>)
      %dma_wait3A = arith.constant 0 : i32
      %dma_wait3A_49 = tpu.memref_slice %arg6[%add3A_12, %dma_wait3A] : memref<10240x128xf32, #tpu.memory_space<vmem_shared>> -> memref<128x128xf32, #tpu.memory_space<vmem_shared>>
      %dma_wait3A_50 = arith.constant 0 : i32
      %dma_wait3A_51 = tpu.memref_slice %arg6[%add3A_12, %dma_wait3A_50] : memref<10240x128xf32, #tpu.memory_space<vmem_shared>> -> memref<128x128xf32, #tpu.memory_space<vmem_shared>>
      tpu.wait_dma2 semaphore(%run_scoped3A : memref<!tpu.dma_semaphore, #tpu.memory_space<semaphore_mem>>) src(%arg5 : memref<128x128xf32, #tpu.memory_space<vmem>>) dst(%dma_wait3A_51 : memref<128x128xf32, #tpu.memory_space<vmem_shared>>)
      tpu.yield
    }) : () -> ()
    %add3A_13 = arith.constant 128 : i32
    %add3A_14 = arith.addi %mul3A_10, %add3A_13 : i32
    "tpu.region"() ({
      %run_scoped3A = tpu.sem_alloc : memref<!tpu.dma_semaphore, #tpu.memory_space<semaphore_mem>>
      %dma_start3A = arith.constant 0 : i32
      %dma_start3A_46 = tpu.memref_slice %arg6[%add3A_14, %dma_start3A] : memref<10240x128xf32, #tpu.memory_space<vmem_shared>> -> memref<128x128xf32, #tpu.memory_space<vmem_shared>>
      %dma_start3A_47 = arith.constant 0 : i32
      %dma_start3A_48 = tpu.memref_slice %arg6[%add3A_14, %dma_start3A_47] : memref<10240x128xf32, #tpu.memory_space<vmem_shared>> -> memref<128x128xf32, #tpu.memory_space<vmem_shared>>
      tpu.enqueue_dma source(%arg5 : memref<128x128xf32, #tpu.memory_space<vmem>>) target(%dma_start3A_48 : memref<128x128xf32, #tpu.memory_space<vmem_shared>>) target_semaphore(%run_scoped3A : memref<!tpu.dma_semaphore, #tpu.memory_space<semaphore_mem>>)
      %dma_wait3A = arith.constant 0 : i32
      %dma_wait3A_49 = tpu.memref_slice %arg6[%add3A_14, %dma_wait3A] : memref<10240x128xf32, #tpu.memory_space<vmem_shared>> -> memref<128x128xf32, #tpu.memory_space<vmem_shared>>
      %dma_wait3A_50 = arith.constant 0 : i32
      %dma_wait3A_51 = tpu.memref_slice %arg6[%add3A_14, %dma_wait3A_50] : memref<10240x128xf32, #tpu.memory_space<vmem_shared>> -> memref<128x128xf32, #tpu.memory_space<vmem_shared>>
      tpu.wait_dma2 semaphore(%run_scoped3A : memref<!tpu.dma_semaphore, #tpu.memory_space<semaphore_mem>>) src(%arg5 : memref<128x128xf32, #tpu.memory_space<vmem>>) dst(%dma_wait3A_51 : memref<128x128xf32, #tpu.memory_space<vmem_shared>>)
      tpu.yield
    }) : () -> ()
    %add3A_15 = arith.constant 256 : i32
    %add3A_16 = arith.addi %mul3A_10, %add3A_15 : i32
    "tpu.region"() ({
      %run_scoped3A = tpu.sem_alloc : memref<!tpu.dma_semaphore, #tpu.memory_space<semaphore_mem>>
      %dma_start3A = arith.constant 0 : i32
      %dma_start3A_46 = tpu.memref_slice %arg6[%add3A_16, %dma_start3A] : memref<10240x128xf32, #tpu.memory_space<vmem_shared>> -> memref<128x128xf32, #tpu.memory_space<vmem_shared>>
      %dma_start3A_47 = arith.constant 0 : i32
      %dma_start3A_48 = tpu.memref_slice %arg6[%add3A_16, %dma_start3A_47] : memref<10240x128xf32, #tpu.memory_space<vmem_shared>> -> memref<128x128xf32, #tpu.memory_space<vmem_shared>>
      tpu.enqueue_dma source(%arg5 : memref<128x128xf32, #tpu.memory_space<vmem>>) target(%dma_start3A_48 : memref<128x128xf32, #tpu.memory_space<vmem_shared>>) target_semaphore(%run_scoped3A : memref<!tpu.dma_semaphore, #tpu.memory_space<semaphore_mem>>)
      %dma_wait3A = arith.constant 0 : i32
      %dma_wait3A_49 = tpu.memref_slice %arg6[%add3A_16, %dma_wait3A] : memref<10240x128xf32, #tpu.memory_space<vmem_shared>> -> memref<128x128xf32, #tpu.memory_space<vmem_shared>>
      %dma_wait3A_50 = arith.constant 0 : i32
      %dma_wait3A_51 = tpu.memref_slice %arg6[%add3A_16, %dma_wait3A_50] : memref<10240x128xf32, #tpu.memory_space<vmem_shared>> -> memref<128x128xf32, #tpu.memory_space<vmem_shared>>
      tpu.wait_dma2 semaphore(%run_scoped3A : memref<!tpu.dma_semaphore, #tpu.memory_space<semaphore_mem>>) src(%arg5 : memref<128x128xf32, #tpu.memory_space<vmem>>) dst(%dma_wait3A_51 : memref<128x128xf32, #tpu.memory_space<vmem_shared>>)
      tpu.yield
    }) : () -> ()
    %add3A_17 = arith.constant 384 : i32
    %add3A_18 = arith.addi %mul3A_10, %add3A_17 : i32
    "tpu.region"() ({
      %run_scoped3A = tpu.sem_alloc : memref<!tpu.dma_semaphore, #tpu.memory_space<semaphore_mem>>
      %dma_start3A = arith.constant 0 : i32
      %dma_start3A_46 = tpu.memref_slice %arg6[%add3A_18, %dma_start3A] : memref<10240x128xf32, #tpu.memory_space<vmem_shared>> -> memref<128x128xf32, #tpu.memory_space<vmem_shared>>
      %dma_start3A_47 = arith.constant 0 : i32
      %dma_start3A_48 = tpu.memref_slice %arg6[%add3A_18, %dma_start3A_47] : memref<10240x128xf32, #tpu.memory_space<vmem_shared>> -> memref<128x128xf32, #tpu.memory_space<vmem_shared>>
      tpu.enqueue_dma source(%arg5 : memref<128x128xf32, #tpu.memory_space<vmem>>) target(%dma_start3A_48 : memref<128x128xf32, #tpu.memory_space<vmem_shared>>) target_semaphore(%run_scoped3A : memref<!tpu.dma_semaphore, #tpu.memory_space<semaphore_mem>>)
      %dma_wait3A = arith.constant 0 : i32
      %dma_wait3A_49 = tpu.memref_slice %arg6[%add3A_18, %dma_wait3A] : memref<10240x128xf32, #tpu.memory_space<vmem_shared>> -> memref<128x128xf32, #tpu.memory_space<vmem_shared>>
      %dma_wait3A_50 = arith.constant 0 : i32
      %dma_wait3A_51 = tpu.memref_slice %arg6[%add3A_18, %dma_wait3A_50] : memref<10240x128xf32, #tpu.memory_space<vmem_shared>> -> memref<128x128xf32, #tpu.memory_space<vmem_shared>>
      tpu.wait_dma2 semaphore(%run_scoped3A : memref<!tpu.dma_semaphore, #tpu.memory_space<semaphore_mem>>) src(%arg5 : memref<128x128xf32, #tpu.memory_space<vmem>>) dst(%dma_wait3A_51 : memref<128x128xf32, #tpu.memory_space<vmem_shared>>)
      tpu.yield
    }) : () -> ()
    %add3A_19 = arith.constant 512 : i32
    %add3A_20 = arith.addi %mul3A_10, %add3A_19 : i32
    "tpu.region"() ({
      %run_scoped3A = tpu.sem_alloc : memref<!tpu.dma_semaphore, #tpu.memory_space<semaphore_mem>>
      %dma_start3A = arith.constant 0 : i32
      %dma_start3A_46 = tpu.memref_slice %arg6[%add3A_20, %dma_start3A] : memref<10240x128xf32, #tpu.memory_space<vmem_shared>> -> memref<128x128xf32, #tpu.memory_space<vmem_shared>>
      %dma_start3A_47 = arith.constant 0 : i32
      %dma_start3A_48 = tpu.memref_slice %arg6[%add3A_20, %dma_start3A_47] : memref<10240x128xf32, #tpu.memory_space<vmem_shared>> -> memref<128x128xf32, #tpu.memory_space<vmem_shared>>
      tpu.enqueue_dma source(%arg5 : memref<128x128xf32, #tpu.memory_space<vmem>>) target(%dma_start3A_48 : memref<128x128xf32, #tpu.memory_space<vmem_shared>>) target_semaphore(%run_scoped3A : memref<!tpu.dma_semaphore, #tpu.memory_space<semaphore_mem>>)
      %dma_wait3A = arith.constant 0 : i32
      %dma_wait3A_49 = tpu.memref_slice %arg6[%add3A_20, %dma_wait3A] : memref<10240x128xf32, #tpu.memory_space<vmem_shared>> -> memref<128x128xf32, #tpu.memory_space<vmem_shared>>
      %dma_wait3A_50 = arith.constant 0 : i32
      %dma_wait3A_51 = tpu.memref_slice %arg6[%add3A_20, %dma_wait3A_50] : memref<10240x128xf32, #tpu.memory_space<vmem_shared>> -> memref<128x128xf32, #tpu.memory_space<vmem_shared>>
      tpu.wait_dma2 semaphore(%run_scoped3A : memref<!tpu.dma_semaphore, #tpu.memory_space<semaphore_mem>>) src(%arg5 : memref<128x128xf32, #tpu.memory_space<vmem>>) dst(%dma_wait3A_51 : memref<128x128xf32, #tpu.memory_space<vmem_shared>>)
      tpu.yield
    }) : () -> ()
    %scan3A_21 = arith.constant 0 : i32
    %scan3A_22 = arith.constant 0 : i32
    %scan3A_23 = arith.constant 1024 : i32
    %scan3A_24 = arith.addi %scan3A_22, %scan3A_23 : i32
    %scan3A_25 = arith.constant 1 : i32
    scf.for %scan3A_46 = %scan3A_22 to %scan3A_24 step %scan3A_25  : i32 {
      %jit3A = arith.constant 8 : i32
      %div3A = arith.divsi %scan3A_46, %jit3A : i32
      %sign3A = arith.constant 0 : i32
      %sign3A_47 = arith.cmpi sgt, %scan3A_46, %sign3A : i32
      %sign3A_48 = arith.extui %sign3A_47 : i1 to i32
      %sign3A_49 = arith.constant 0 : i32
      %sign3A_50 = arith.cmpi slt, %scan3A_46, %sign3A_49 : i32
      %sign3A_51 = arith.extui %sign3A_50 : i1 to i32
      %sign3A_52 = arith.subi %sign3A_48, %sign3A_51 : i32
      %sign3A_53 = arith.constant 0 : i32
      %sign3A_54 = arith.cmpi sgt, %jit3A, %sign3A_53 : i32
      %sign3A_55 = arith.extui %sign3A_54 : i1 to i32
      %sign3A_56 = arith.constant 0 : i32
      %sign3A_57 = arith.cmpi slt, %jit3A, %sign3A_56 : i32
      %sign3A_58 = arith.extui %sign3A_57 : i1 to i32
      %sign3A_59 = arith.subi %sign3A_55, %sign3A_58 : i32
      %ne3A = arith.cmpi ne, %sign3A_52, %sign3A_59 : i32
      %rem3A = arith.remsi %scan3A_46, %jit3A : i32
      %ne3A_60 = arith.constant 0 : i32
      %ne3A_61 = arith.cmpi ne, %rem3A, %ne3A_60 : i32
      %and3A = arith.andi %ne3A, %ne3A_61 : i1
      %sub3A = arith.constant 1 : i32
      %sub3A_62 = arith.subi %div3A, %sub3A : i32
      %select_n3A = arith.select %and3A, %sub3A_62, %div3A : i32
      %jit3A_63 = arith.constant 8 : i32
      %eq3A = arith.constant 0 : i32
      %eq3A_64 = arith.cmpi eq, %jit3A_63, %eq3A : i32
      %jit3A_65 = arith.constant 1 : i32
      %select_n3A_66 = arith.select %eq3A_64, %jit3A_65, %jit3A_63 : i32
      %rem3A_67 = arith.remsi %scan3A_46, %select_n3A_66 : i32
      %ne3A_68 = arith.constant 0 : i32
      %ne3A_69 = arith.cmpi ne, %rem3A_67, %ne3A_68 : i32
      %lt3A = arith.constant 0 : i32
      %lt3A_70 = arith.cmpi slt, %rem3A_67, %lt3A : i32
      %lt3A_71 = arith.constant 0 : i32
      %lt3A_72 = arith.cmpi slt, %select_n3A_66, %lt3A_71 : i32
      %ne3A_73 = arith.xori %lt3A_70, %lt3A_72 : i1
      %and3A_74 = arith.andi %ne3A_73, %ne3A_69 : i1
      %add3A_75 = arith.addi %rem3A_67, %select_n3A_66 : i32
      %select_n3A_76 = arith.select %and3A_74, %add3A_75, %rem3A_67 : i32
      %mul3A_77 = arith.constant 16 : i32
      %mul3A_78 = arith.muli %select_n3A_76, %mul3A_77 : i32
      %swap3A = arith.index_cast %select_n3A : i32 to index
      %swap3A_79 = arith.index_cast %mul3A_78 : i32 to index
      %swap3A_80 = tpu.vector_load %arg5[%swap3A, %swap3A_79] {strides = array<i32>} : memref<128x128xf32, #tpu.memory_space<vmem>>, vector<1x16xf32>,
      %swap3A_81 = vector.shape_cast %swap3A_80 : vector<1x16xf32> to vector<16xf32>
      %swap3A_82 = vector.shape_cast %broadcast_in_dim3A_3 : vector<16xf32> to vector<1x16xf32>
      tpu.vector_store %arg5[%swap3A, %swap3A_79], %swap3A_82 {strides = array<i32>} : memref<128x128xf32, #tpu.memory_space<vmem>>, vector<1x16xf32>,
    }
    %scan3A_26 = arith.constant 1024 : i32
    %mul3A_27 = arith.constant 80 : i32
    %mul3A_28 = arith.muli %add3A, %mul3A_27 : i32
    "tpu.region"() ({
      %run_scoped3A = tpu.sem_alloc : memref<!tpu.dma_semaphore, #tpu.memory_space<semaphore_mem>>
      %dma_start3A = arith.constant 0 : i32
      %dma_start3A_46 = tpu.memref_slice %arg2[%mul3A_28, %dma_start3A] : memref<2560x128xi32, #tpu.memory_space<hbm>> -> memref<80x128xi32, #tpu.memory_space<hbm>>
      %dma_start3A_47 = arith.constant 0 : i32
      %dma_start3A_48 = tpu.memref_slice %arg2[%mul3A_28, %dma_start3A_47] : memref<2560x128xi32, #tpu.memory_space<hbm>> -> memref<80x128xi32, #tpu.memory_space<hbm>>
      tpu.enqueue_dma source(%dma_start3A_48 : memref<80x128xi32, #tpu.memory_space<hbm>>) target(%arg4 : memref<80x128xi32, #tpu.memory_space<vmem>>) target_semaphore(%run_scoped3A : memref<!tpu.dma_semaphore, #tpu.memory_space<semaphore_mem>>)
      %dma_wait3A = arith.constant 0 : i32
      %dma_wait3A_49 = tpu.memref_slice %arg2[%mul3A_28, %dma_wait3A] : memref<2560x128xi32, #tpu.memory_space<hbm>> -> memref<80x128xi32, #tpu.memory_space<hbm>>
      %dma_wait3A_50 = arith.constant 0 : i32
      %dma_wait3A_51 = tpu.memref_slice %arg2[%mul3A_28, %dma_wait3A_50] : memref<2560x128xi32, #tpu.memory_space<hbm>> -> memref<80x128xi32, #tpu.memory_space<hbm>>
      tpu.wait_dma2 semaphore(%run_scoped3A : memref<!tpu.dma_semaphore, #tpu.memory_space<semaphore_mem>>) src(%dma_wait3A_51 : memref<80x128xi32, #tpu.memory_space<hbm>>) dst(%arg4 : memref<80x128xi32, #tpu.memory_space<vmem>>)
      tpu.yield
    }) : () -> ()
    %barrier3A = arith.constant 0 : index
    tpu.barrier barrier_id(%barrier3A)
    %scan3A_29 = arith.constant 0 : i32
    %scan3A_30 = arith.constant 0 : i32
    %scan3A_31 = arith.constant 80 : i32
    %scan3A_32 = arith.addi %scan3A_30, %scan3A_31 : i32
    %scan3A_33 = arith.constant 1 : i32
    scf.for %scan3A_46 = %scan3A_30 to %scan3A_32 step %scan3A_33  : i32 {
      "tpu.region"() ({
        %run_scoped3A = tpu.sem_alloc : memref<!tpu.dma_semaphore, #tpu.memory_space<semaphore_mem>>
        %dma_start3A = arith.constant 0 : i32
        %dma_start3A_47 = tpu.memref_slice %arg4[%scan3A_46, %dma_start3A] : memref<80x128xi32, #tpu.memory_space<vmem>> -> memref<1x128xi32, #tpu.memory_space<vmem>>
        %dma_start3A_48 = tpu.memref_squeeze %dma_start3A_47 : memref<1x128xi32, #tpu.memory_space<vmem>> -> memref<128xi32, #tpu.memory_space<vmem>>
        %dma_start3A_49 = arith.constant 0 : i32
        %dma_start3A_50 = arith.constant 0 : i32
        %dma_start3A_51 = tpu.memref_slice %arg6[%dma_start3A_49, %dma_start3A_50] : memref<10240x128xf32, #tpu.memory_space<vmem_shared>> -> memref<10240x128xf32, #tpu.memory_space<vmem_shared>>
        tpu.enqueue_indirect_dma source(%arg5 : memref<128x128xf32, #tpu.memory_space<vmem>>) target(%dma_start3A_51 : memref<10240x128xf32, #tpu.memory_space<vmem_shared>>) offsets(%dma_start3A_48 : memref<128xi32, #tpu.memory_space<vmem>>) semaphore(%run_scoped3A : memref<!tpu.dma_semaphore, #tpu.memory_space<semaphore_mem>>) {add = true}
        %dma_wait3A = arith.constant 0 : i32
        %dma_wait3A_52 = tpu.memref_slice %arg4[%scan3A_46, %dma_wait3A] : memref<80x128xi32, #tpu.memory_space<vmem>> -> memref<1x128xi32, #tpu.memory_space<vmem>>
        %dma_wait3A_53 = tpu.memref_squeeze %dma_wait3A_52 : memref<1x128xi32, #tpu.memory_space<vmem>> -> memref<128xi32, #tpu.memory_space<vmem>>
        %dma_wait3A_54 = arith.constant 0 : i32
        %dma_wait3A_55 = arith.constant 0 : i32
        %dma_wait3A_56 = tpu.memref_slice %arg6[%dma_wait3A_54, %dma_wait3A_55] : memref<10240x128xf32, #tpu.memory_space<vmem_shared>> -> memref<10240x128xf32, #tpu.memory_space<vmem_shared>>
        tpu.wait_indirect_dma semaphore(%run_scoped3A : memref<!tpu.dma_semaphore, #tpu.memory_space<semaphore_mem>>) src(%arg5 : memref<128x128xf32, #tpu.memory_space<vmem>>) dst(%dma_wait3A_56 : memref<10240x128xf32, #tpu.memory_space<vmem_shared>>)
        tpu.yield
      }) : () -> ()
    }
    %scan3A_34 = arith.constant 80 : i32
    %barrier3A_35 = arith.constant 0 : index
    tpu.barrier barrier_id(%barrier3A_35)
    %add3A_36 = arith.constant 0 : i32
    %add3A_37 = arith.addi %mul3A_10, %add3A_36 : i32
    "tpu.region"() ({
      %run_scoped3A = tpu.sem_alloc : memref<!tpu.dma_semaphore, #tpu.memory_space<semaphore_mem>>
      %dma_start3A = arith.constant 0 : i32
      %dma_start3A_46 = tpu.memref_slice %arg6[%add3A_37, %dma_start3A] : memref<10240x128xf32, #tpu.memory_space<vmem_shared>> -> memref<128x128xf32, #tpu.memory_space<vmem_shared>>
      %dma_start3A_47 = arith.constant 0 : i32
      %dma_start3A_48 = tpu.memref_slice %arg6[%add3A_37, %dma_start3A_47] : memref<10240x128xf32, #tpu.memory_space<vmem_shared>> -> memref<128x128xf32, #tpu.memory_space<vmem_shared>>
      tpu.enqueue_dma source(%dma_start3A_48 : memref<128x128xf32, #tpu.memory_space<vmem_shared>>) target(%arg5 : memref<128x128xf32, #tpu.memory_space<vmem>>) target_semaphore(%run_scoped3A : memref<!tpu.dma_semaphore, #tpu.memory_space<semaphore_mem>>)
      %dma_wait3A = arith.constant 0 : i32
      %dma_wait3A_49 = tpu.memref_slice %arg6[%add3A_37, %dma_wait3A] : memref<10240x128xf32, #tpu.memory_space<vmem_shared>> -> memref<128x128xf32, #tpu.memory_space<vmem_shared>>
      %dma_wait3A_50 = arith.constant 0 : i32
      %dma_wait3A_51 = tpu.memref_slice %arg6[%add3A_37, %dma_wait3A_50] : memref<10240x128xf32, #tpu.memory_space<vmem_shared>> -> memref<128x128xf32, #tpu.memory_space<vmem_shared>>
      tpu.wait_dma2 semaphore(%run_scoped3A : memref<!tpu.dma_semaphore, #tpu.memory_space<semaphore_mem>>) src(%dma_wait3A_51 : memref<128x128xf32, #tpu.memory_space<vmem_shared>>) dst(%arg5 : memref<128x128xf32, #tpu.memory_space<vmem>>)
      tpu.yield
    }) : () -> ()
    "tpu.region"() ({
      %run_scoped3A = tpu.sem_alloc : memref<!tpu.dma_semaphore, #tpu.memory_space<semaphore_mem>>
      %dma_start3A = arith.constant 0 : i32
      %dma_start3A_46 = tpu.memref_slice %arg3[%arg0, %add3A_37, %dma_start3A] : memref<2x10240x128xf32, #tpu.memory_space<hbm>> -> memref<1x128x128xf32, #tpu.memory_space<hbm>>
      %dma_start3A_47 = tpu.memref_squeeze %dma_start3A_46 : memref<1x128x128xf32, #tpu.memory_space<hbm>> -> memref<128x128xf32, #tpu.memory_space<hbm>>
      %dma_start3A_48 = arith.constant 0 : i32
      %dma_start3A_49 = tpu.memref_slice %arg3[%arg0, %add3A_37, %dma_start3A_48] : memref<2x10240x128xf32, #tpu.memory_space<hbm>> -> memref<1x128x128xf32, #tpu.memory_space<hbm>>
      %dma_start3A_50 = tpu.memref_squeeze %dma_start3A_49 : memref<1x128x128xf32, #tpu.memory_space<hbm>> -> memref<128x128xf32, #tpu.memory_space<hbm>>
      tpu.enqueue_dma source(%arg5 : memref<128x128xf32, #tpu.memory_space<vmem>>) target(%dma_start3A_50 : memref<128x128xf32, #tpu.memory_space<hbm>>) target_semaphore(%run_scoped3A : memref<!tpu.dma_semaphore, #tpu.memory_space<semaphore_mem>>)
      %dma_wait3A = arith.constant 0 : i32
      %dma_wait3A_51 = tpu.memref_slice %arg3[%arg0, %add3A_37, %dma_wait3A] : memref<2x10240x128xf32, #tpu.memory_space<hbm>> -> memref<1x128x128xf32, #tpu.memory_space<hbm>>
      %dma_wait3A_52 = tpu.memref_squeeze %dma_wait3A_51 : memref<1x128x128xf32, #tpu.memory_space<hbm>> -> memref<128x128xf32, #tpu.memory_space<hbm>>
      %dma_wait3A_53 = arith.constant 0 : i32
      %dma_wait3A_54 = tpu.memref_slice %arg3[%arg0, %add3A_37, %dma_wait3A_53] : memref<2x10240x128xf32, #tpu.memory_space<hbm>> -> memref<1x128x128xf32, #tpu.memory_space<hbm>>
      %dma_wait3A_55 = tpu.memref_squeeze %dma_wait3A_54 : memref<1x128x128xf32, #tpu.memory_space<hbm>> -> memref<128x128xf32, #tpu.memory_space<hbm>>
      tpu.wait_dma2 semaphore(%run_scoped3A : memref<!tpu.dma_semaphore, #tpu.memory_space<semaphore_mem>>) src(%arg5 : memref<128x128xf32, #tpu.memory_space<vmem>>) dst(%dma_wait3A_55 : memref<128x128xf32, #tpu.memory_space<hbm>>)
      tpu.yield
    }) : () -> ()
    %add3A_38 = arith.constant 128 : i32
    %add3A_39 = arith.addi %mul3A_10, %add3A_38 : i32
    "tpu.region"() ({
      %run_scoped3A = tpu.sem_alloc : memref<!tpu.dma_semaphore, #tpu.memory_space<semaphore_mem>>
      %dma_start3A = arith.constant 0 : i32
      %dma_start3A_46 = tpu.memref_slice %arg6[%add3A_39, %dma_start3A] : memref<10240x128xf32, #tpu.memory_space<vmem_shared>> -> memref<128x128xf32, #tpu.memory_space<vmem_shared>>
      %dma_start3A_47 = arith.constant 0 : i32
      %dma_start3A_48 = tpu.memref_slice %arg6[%add3A_39, %dma_start3A_47] : memref<10240x128xf32, #tpu.memory_space<vmem_shared>> -> memref<128x128xf32, #tpu.memory_space<vmem_shared>>
      tpu.enqueue_dma source(%dma_start3A_48 : memref<128x128xf32, #tpu.memory_space<vmem_shared>>) target(%arg5 : memref<128x128xf32, #tpu.memory_space<vmem>>) target_semaphore(%run_scoped3A : memref<!tpu.dma_semaphore, #tpu.memory_space<semaphore_mem>>)
      %dma_wait3A = arith.constant 0 : i32
      %dma_wait3A_49 = tpu.memref_slice %arg6[%add3A_39, %dma_wait3A] : memref<10240x128xf32, #tpu.memory_space<vmem_shared>> -> memref<128x128xf32, #tpu.memory_space<vmem_shared>>
      %dma_wait3A_50 = arith.constant 0 : i32
      %dma_wait3A_51 = tpu.memref_slice %arg6[%add3A_39, %dma_wait3A_50] : memref<10240x128xf32, #tpu.memory_space<vmem_shared>> -> memref<128x128xf32, #tpu.memory_space<vmem_shared>>
      tpu.wait_dma2 semaphore(%run_scoped3A : memref<!tpu.dma_semaphore, #tpu.memory_space<semaphore_mem>>) src(%dma_wait3A_51 : memref<128x128xf32, #tpu.memory_space<vmem_shared>>) dst(%arg5 : memref<128x128xf32, #tpu.memory_space<vmem>>)
      tpu.yield
    }) : () -> ()
    "tpu.region"() ({
      %run_scoped3A = tpu.sem_alloc : memref<!tpu.dma_semaphore, #tpu.memory_space<semaphore_mem>>
      %dma_start3A = arith.constant 0 : i32
      %dma_start3A_46 = tpu.memref_slice %arg3[%arg0, %add3A_39, %dma_start3A] : memref<2x10240x128xf32, #tpu.memory_space<hbm>> -> memref<1x128x128xf32, #tpu.memory_space<hbm>>
      %dma_start3A_47 = tpu.memref_squeeze %dma_start3A_46 : memref<1x128x128xf32, #tpu.memory_space<hbm>> -> memref<128x128xf32, #tpu.memory_space<hbm>>
      %dma_start3A_48 = arith.constant 0 : i32
      %dma_start3A_49 = tpu.memref_slice %arg3[%arg0, %add3A_39, %dma_start3A_48] : memref<2x10240x128xf32, #tpu.memory_space<hbm>> -> memref<1x128x128xf32, #tpu.memory_space<hbm>>
      %dma_start3A_50 = tpu.memref_squeeze %dma_start3A_49 : memref<1x128x128xf32, #tpu.memory_space<hbm>> -> memref<128x128xf32, #tpu.memory_space<hbm>>
      tpu.enqueue_dma source(%arg5 : memref<128x128xf32, #tpu.memory_space<vmem>>) target(%dma_start3A_50 : memref<128x128xf32, #tpu.memory_space<hbm>>) target_semaphore(%run_scoped3A : memref<!tpu.dma_semaphore, #tpu.memory_space<semaphore_mem>>)
      %dma_wait3A = arith.constant 0 : i32
      %dma_wait3A_51 = tpu.memref_slice %arg3[%arg0, %add3A_39, %dma_wait3A] : memref<2x10240x128xf32, #tpu.memory_space<hbm>> -> memref<1x128x128xf32, #tpu.memory_space<hbm>>
      %dma_wait3A_52 = tpu.memref_squeeze %dma_wait3A_51 : memref<1x128x128xf32, #tpu.memory_space<hbm>> -> memref<128x128xf32, #tpu.memory_space<hbm>>
      %dma_wait3A_53 = arith.constant 0 : i32
      %dma_wait3A_54 = tpu.memref_slice %arg3[%arg0, %add3A_39, %dma_wait3A_53] : memref<2x10240x128xf32, #tpu.memory_space<hbm>> -> memref<1x128x128xf32, #tpu.memory_space<hbm>>
      %dma_wait3A_55 = tpu.memref_squeeze %dma_wait3A_54 : memref<1x128x128xf32, #tpu.memory_space<hbm>> -> memref<128x128xf32, #tpu.memory_space<hbm>>
      tpu.wait_dma2 semaphore(%run_scoped3A : memref<!tpu.dma_semaphore, #tpu.memory_space<semaphore_mem>>) src(%arg5 : memref<128x128xf32, #tpu.memory_space<vmem>>) dst(%dma_wait3A_55 : memref<128x128xf32, #tpu.memory_space<hbm>>)
      tpu.yield
    }) : () -> ()
    %add3A_40 = arith.constant 256 : i32
    %add3A_41 = arith.addi %mul3A_10, %add3A_40 : i32
    "tpu.region"() ({
      %run_scoped3A = tpu.sem_alloc : memref<!tpu.dma_semaphore, #tpu.memory_space<semaphore_mem>>
      %dma_start3A = arith.constant 0 : i32
      %dma_start3A_46 = tpu.memref_slice %arg6[%add3A_41, %dma_start3A] : memref<10240x128xf32, #tpu.memory_space<vmem_shared>> -> memref<128x128xf32, #tpu.memory_space<vmem_shared>>
      %dma_start3A_47 = arith.constant 0 : i32
      %dma_start3A_48 = tpu.memref_slice %arg6[%add3A_41, %dma_start3A_47] : memref<10240x128xf32, #tpu.memory_space<vmem_shared>> -> memref<128x128xf32, #tpu.memory_space<vmem_shared>>
      tpu.enqueue_dma source(%dma_start3A_48 : memref<128x128xf32, #tpu.memory_space<vmem_shared>>) target(%arg5 : memref<128x128xf32, #tpu.memory_space<vmem>>) target_semaphore(%run_scoped3A : memref<!tpu.dma_semaphore, #tpu.memory_space<semaphore_mem>>)
      %dma_wait3A = arith.constant 0 : i32
      %dma_wait3A_49 = tpu.memref_slice %arg6[%add3A_41, %dma_wait3A] : memref<10240x128xf32, #tpu.memory_space<vmem_shared>> -> memref<128x128xf32, #tpu.memory_space<vmem_shared>>
      %dma_wait3A_50 = arith.constant 0 : i32
      %dma_wait3A_51 = tpu.memref_slice %arg6[%add3A_41, %dma_wait3A_50] : memref<10240x128xf32, #tpu.memory_space<vmem_shared>> -> memref<128x128xf32, #tpu.memory_space<vmem_shared>>
      tpu.wait_dma2 semaphore(%run_scoped3A : memref<!tpu.dma_semaphore, #tpu.memory_space<semaphore_mem>>) src(%dma_wait3A_51 : memref<128x128xf32, #tpu.memory_space<vmem_shared>>) dst(%arg5 : memref<128x128xf32, #tpu.memory_space<vmem>>)
      tpu.yield
    }) : () -> ()
    "tpu.region"() ({
      %run_scoped3A = tpu.sem_alloc : memref<!tpu.dma_semaphore, #tpu.memory_space<semaphore_mem>>
      %dma_start3A = arith.constant 0 : i32
      %dma_start3A_46 = tpu.memref_slice %arg3[%arg0, %add3A_41, %dma_start3A] : memref<2x10240x128xf32, #tpu.memory_space<hbm>> -> memref<1x128x128xf32, #tpu.memory_space<hbm>>
      %dma_start3A_47 = tpu.memref_squeeze %dma_start3A_46 : memref<1x128x128xf32, #tpu.memory_space<hbm>> -> memref<128x128xf32, #tpu.memory_space<hbm>>
      %dma_start3A_48 = arith.constant 0 : i32
      %dma_start3A_49 = tpu.memref_slice %arg3[%arg0, %add3A_41, %dma_start3A_48] : memref<2x10240x128xf32, #tpu.memory_space<hbm>> -> memref<1x128x128xf32, #tpu.memory_space<hbm>>
      %dma_start3A_50 = tpu.memref_squeeze %dma_start3A_49 : memref<1x128x128xf32, #tpu.memory_space<hbm>> -> memref<128x128xf32, #tpu.memory_space<hbm>>
      tpu.enqueue_dma source(%arg5 : memref<128x128xf32, #tpu.memory_space<vmem>>) target(%dma_start3A_50 : memref<128x128xf32, #tpu.memory_space<hbm>>) target_semaphore(%run_scoped3A : memref<!tpu.dma_semaphore, #tpu.memory_space<semaphore_mem>>)
      %dma_wait3A = arith.constant 0 : i32
      %dma_wait3A_51 = tpu.memref_slice %arg3[%arg0, %add3A_41, %dma_wait3A] : memref<2x10240x128xf32, #tpu.memory_space<hbm>> -> memref<1x128x128xf32, #tpu.memory_space<hbm>>
      %dma_wait3A_52 = tpu.memref_squeeze %dma_wait3A_51 : memref<1x128x128xf32, #tpu.memory_space<hbm>> -> memref<128x128xf32, #tpu.memory_space<hbm>>
      %dma_wait3A_53 = arith.constant 0 : i32
      %dma_wait3A_54 = tpu.memref_slice %arg3[%arg0, %add3A_41, %dma_wait3A_53] : memref<2x10240x128xf32, #tpu.memory_space<hbm>> -> memref<1x128x128xf32, #tpu.memory_space<hbm>>
      %dma_wait3A_55 = tpu.memref_squeeze %dma_wait3A_54 : memref<1x128x128xf32, #tpu.memory_space<hbm>> -> memref<128x128xf32, #tpu.memory_space<hbm>>
      tpu.wait_dma2 semaphore(%run_scoped3A : memref<!tpu.dma_semaphore, #tpu.memory_space<semaphore_mem>>) src(%arg5 : memref<128x128xf32, #tpu.memory_space<vmem>>) dst(%dma_wait3A_55 : memref<128x128xf32, #tpu.memory_space<hbm>>)
      tpu.yield
    }) : () -> ()
    %add3A_42 = arith.constant 384 : i32
    %add3A_43 = arith.addi %mul3A_10, %add3A_42 : i32
    "tpu.region"() ({
      %run_scoped3A = tpu.sem_alloc : memref<!tpu.dma_semaphore, #tpu.memory_space<semaphore_mem>>
      %dma_start3A = arith.constant 0 : i32
      %dma_start3A_46 = tpu.memref_slice %arg6[%add3A_43, %dma_start3A] : memref<10240x128xf32, #tpu.memory_space<vmem_shared>> -> memref<128x128xf32, #tpu.memory_space<vmem_shared>>
      %dma_start3A_47 = arith.constant 0 : i32
      %dma_start3A_48 = tpu.memref_slice %arg6[%add3A_43, %dma_start3A_47] : memref<10240x128xf32, #tpu.memory_space<vmem_shared>> -> memref<128x128xf32, #tpu.memory_space<vmem_shared>>
      tpu.enqueue_dma source(%dma_start3A_48 : memref<128x128xf32, #tpu.memory_space<vmem_shared>>) target(%arg5 : memref<128x128xf32, #tpu.memory_space<vmem>>) target_semaphore(%run_scoped3A : memref<!tpu.dma_semaphore, #tpu.memory_space<semaphore_mem>>)
      %dma_wait3A = arith.constant 0 : i32
      %dma_wait3A_49 = tpu.memref_slice %arg6[%add3A_43, %dma_wait3A] : memref<10240x128xf32, #tpu.memory_space<vmem_shared>> -> memref<128x128xf32, #tpu.memory_space<vmem_shared>>
      %dma_wait3A_50 = arith.constant 0 : i32
      %dma_wait3A_51 = tpu.memref_slice %arg6[%add3A_43, %dma_wait3A_50] : memref<10240x128xf32, #tpu.memory_space<vmem_shared>> -> memref<128x128xf32, #tpu.memory_space<vmem_shared>>
      tpu.wait_dma2 semaphore(%run_scoped3A : memref<!tpu.dma_semaphore, #tpu.memory_space<semaphore_mem>>) src(%dma_wait3A_51 : memref<128x128xf32, #tpu.memory_space<vmem_shared>>) dst(%arg5 : memref<128x128xf32, #tpu.memory_space<vmem>>)
      tpu.yield
    }) : () -> ()
    "tpu.region"() ({
      %run_scoped3A = tpu.sem_alloc : memref<!tpu.dma_semaphore, #tpu.memory_space<semaphore_mem>>
      %dma_start3A = arith.constant 0 : i32
      %dma_start3A_46 = tpu.memref_slice %arg3[%arg0, %add3A_43, %dma_start3A] : memref<2x10240x128xf32, #tpu.memory_space<hbm>> -> memref<1x128x128xf32, #tpu.memory_space<hbm>>
      %dma_start3A_47 = tpu.memref_squeeze %dma_start3A_46 : memref<1x128x128xf32, #tpu.memory_space<hbm>> -> memref<128x128xf32, #tpu.memory_space<hbm>>
      %dma_start3A_48 = arith.constant 0 : i32
      %dma_start3A_49 = tpu.memref_slice %arg3[%arg0, %add3A_43, %dma_start3A_48] : memref<2x10240x128xf32, #tpu.memory_space<hbm>> -> memref<1x128x128xf32, #tpu.memory_space<hbm>>
      %dma_start3A_50 = tpu.memref_squeeze %dma_start3A_49 : memref<1x128x128xf32, #tpu.memory_space<hbm>> -> memref<128x128xf32, #tpu.memory_space<hbm>>
      tpu.enqueue_dma source(%arg5 : memref<128x128xf32, #tpu.memory_space<vmem>>) target(%dma_start3A_50 : memref<128x128xf32, #tpu.memory_space<hbm>>) target_semaphore(%run_scoped3A : memref<!tpu.dma_semaphore, #tpu.memory_space<semaphore_mem>>)
      %dma_wait3A = arith.constant 0 : i32
      %dma_wait3A_51 = tpu.memref_slice %arg3[%arg0, %add3A_43, %dma_wait3A] : memref<2x10240x128xf32, #tpu.memory_space<hbm>> -> memref<1x128x128xf32, #tpu.memory_space<hbm>>
      %dma_wait3A_52 = tpu.memref_squeeze %dma_wait3A_51 : memref<1x128x128xf32, #tpu.memory_space<hbm>> -> memref<128x128xf32, #tpu.memory_space<hbm>>
      %dma_wait3A_53 = arith.constant 0 : i32
      %dma_wait3A_54 = tpu.memref_slice %arg3[%arg0, %add3A_43, %dma_wait3A_53] : memref<2x10240x128xf32, #tpu.memory_space<hbm>> -> memref<1x128x128xf32, #tpu.memory_space<hbm>>
      %dma_wait3A_55 = tpu.memref_squeeze %dma_wait3A_54 : memref<1x128x128xf32, #tpu.memory_space<hbm>> -> memref<128x128xf32, #tpu.memory_space<hbm>>
      tpu.wait_dma2 semaphore(%run_scoped3A : memref<!tpu.dma_semaphore, #tpu.memory_space<semaphore_mem>>) src(%arg5 : memref<128x128xf32, #tpu.memory_space<vmem>>) dst(%dma_wait3A_55 : memref<128x128xf32, #tpu.memory_space<hbm>>)
      tpu.yield
    }) : () -> ()
    %add3A_44 = arith.constant 512 : i32
    %add3A_45 = arith.addi %mul3A_10, %add3A_44 : i32
    "tpu.region"() ({
      %run_scoped3A = tpu.sem_alloc : memref<!tpu.dma_semaphore, #tpu.memory_space<semaphore_mem>>
      %dma_start3A = arith.constant 0 : i32
      %dma_start3A_46 = tpu.memref_slice %arg6[%add3A_45, %dma_start3A] : memref<10240x128xf32, #tpu.memory_space<vmem_shared>> -> memref<128x128xf32, #tpu.memory_space<vmem_shared>>
      %dma_start3A_47 = arith.constant 0 : i32
      %dma_start3A_48 = tpu.memref_slice %arg6[%add3A_45, %dma_start3A_47] : memref<10240x128xf32, #tpu.memory_space<vmem_shared>> -> memref<128x128xf32, #tpu.memory_space<vmem_shared>>
      tpu.enqueue_dma source(%dma_start3A_48 : memref<128x128xf32, #tpu.memory_space<vmem_shared>>) target(%arg5 : memref<128x128xf32, #tpu.memory_space<vmem>>) target_semaphore(%run_scoped3A : memref<!tpu.dma_semaphore, #tpu.memory_space<semaphore_mem>>)
      %dma_wait3A = arith.constant 0 : i32
      %dma_wait3A_49 = tpu.memref_slice %arg6[%add3A_45, %dma_wait3A] : memref<10240x128xf32, #tpu.memory_space<vmem_shared>> -> memref<128x128xf32, #tpu.memory_space<vmem_shared>>
      %dma_wait3A_50 = arith.constant 0 : i32
      %dma_wait3A_51 = tpu.memref_slice %arg6[%add3A_45, %dma_wait3A_50] : memref<10240x128xf32, #tpu.memory_space<vmem_shared>> -> memref<128x128xf32, #tpu.memory_space<vmem_shared>>
      tpu.wait_dma2 semaphore(%run_scoped3A : memref<!tpu.dma_semaphore, #tpu.memory_space<semaphore_mem>>) src(%dma_wait3A_51 : memref<128x128xf32, #tpu.memory_space<vmem_shared>>) dst(%arg5 : memref<128x128xf32, #tpu.memory_space<vmem>>)
      tpu.yield
    }) : () -> ()
    "tpu.region"() ({
      %run_scoped3A = tpu.sem_alloc : memref<!tpu.dma_semaphore, #tpu.memory_space<semaphore_mem>>
      %dma_start3A = arith.constant 0 : i32
      %dma_start3A_46 = tpu.memref_slice %arg3[%arg0, %add3A_45, %dma_start3A] : memref<2x10240x128xf32, #tpu.memory_space<hbm>> -> memref<1x128x128xf32, #tpu.memory_space<hbm>>
      %dma_start3A_47 = tpu.memref_squeeze %dma_start3A_46 : memref<1x128x128xf32, #tpu.memory_space<hbm>> -> memref<128x128xf32, #tpu.memory_space<hbm>>
      %dma_start3A_48 = arith.constant 0 : i32
      %dma_start3A_49 = tpu.memref_slice %arg3[%arg0, %add3A_45, %dma_start3A_48] : memref<2x10240x128xf32, #tpu.memory_space<hbm>> -> memref<1x128x128xf32, #tpu.memory_space<hbm>>
      %dma_start3A_50 = tpu.memref_squeeze %dma_start3A_49 : memref<1x128x128xf32, #tpu.memory_space<hbm>> -> memref<128x128xf32, #tpu.memory_space<hbm>>
      tpu.enqueue_dma source(%arg5 : memref<128x128xf32, #tpu.memory_space<vmem>>) target(%dma_start3A_50 : memref<128x128xf32, #tpu.memory_space<hbm>>) target_semaphore(%run_scoped3A : memref<!tpu.dma_semaphore, #tpu.memory_space<semaphore_mem>>)
      %dma_wait3A = arith.constant 0 : i32
      %dma_wait3A_51 = tpu.memref_slice %arg3[%arg0, %add3A_45, %dma_wait3A] : memref<2x10240x128xf32, #tpu.memory_space<hbm>> -> memref<1x128x128xf32, #tpu.memory_space<hbm>>
      %dma_wait3A_52 = tpu.memref_squeeze %dma_wait3A_51 : memref<1x128x128xf32, #tpu.memory_space<hbm>> -> memref<128x128xf32, #tpu.memory_space<hbm>>
      %dma_wait3A_53 = arith.constant 0 : i32
      %dma_wait3A_54 = tpu.memref_slice %arg3[%arg0, %add3A_45, %dma_wait3A_53] : memref<2x10240x128xf32, #tpu.memory_space<hbm>> -> memref<1x128x128xf32, #tpu.memory_space<hbm>>
      %dma_wait3A_55 = tpu.memref_squeeze %dma_wait3A_54 : memref<1x128x128xf32, #tpu.memory_space<hbm>> -> memref<128x128xf32, #tpu.memory_space<hbm>>
      tpu.wait_dma2 semaphore(%run_scoped3A : memref<!tpu.dma_semaphore, #tpu.memory_space<semaphore_mem>>) src(%arg5 : memref<128x128xf32, #tpu.memory_space<vmem>>) dst(%dma_wait3A_55 : memref<128x128xf32, #tpu.memory_space<hbm>>)
      tpu.yield
    }) : () -> ()
    return
  }
}

#map = affine_map<(d0, d1) -> (0, 0)>
#map1 = affine_map<(d0, d1) -> (0, 0, 0)>
module attributes {stable_mosaic.version = 14 : i64} {
  func.func @_sc_aggregate(%arg0: i32, %arg1: i32, %arg2: memref<10240x128xf32, #tpu.memory_space<hbm>>, %arg3: memref<2560x128xi32, #tpu.memory_space<hbm>>, %arg4: memref<2560x128xi32, #tpu.memory_space<hbm>>, %arg5: memref<2x10240x128xf32, #tpu.memory_space<hbm>>, %arg6: memref<32x128xi32, #tpu.memory_space<vmem>>, %arg7: memref<32x128xi32, #tpu.memory_space<vmem>>, %arg8: memref<128x128xf32, #tpu.memory_space<vmem>>, %arg9: memref<128x128xf32, #tpu.memory_space<vmem>>, %arg10: memref<10240x128xf32, #tpu.memory_space<vmem_shared>>, %arg11: memref<!tpu.dma_semaphore, #tpu.memory_space<semaphore_mem>>, %arg12: memref<!tpu.dma_semaphore, #tpu.memory_space<semaphore_mem>>) attributes {dimension_semantics = [#tpu.dimension_semantics<core_parallel>, #tpu.dimension_semantics<subcore_parallel>], iteration_bounds = array<i64: 2, 16>, scalar_prefetch = 0 : i64, scratch_operands = 7 : i64, tpu.core_type = #tpu.core_type<sc_vector_subcore>, window_params = [{transform_indices = #map}, {transform_indices = #map}, {transform_indices = #map}, {transform_indices = #map1}]} {
    %broadcast_in_dim3A = arith.constant 0.000000e+00 : f32
    %broadcast_in_dim3A_0 = vector.broadcast %broadcast_in_dim3A : f32 to vector<16xf32>
    %scan3A = arith.constant 0 : i32
    %scan3A_1 = arith.constant 0 : i32
    %scan3A_2 = arith.constant 1024 : i32
    %scan3A_3 = arith.addi %scan3A_1, %scan3A_2 : i32
    %scan3A_4 = arith.constant 1 : i32
    scf.for %scan3A_38 = %scan3A_1 to %scan3A_3 step %scan3A_4  : i32 {
      %jit3A = arith.constant 8 : i32
      %div3A = arith.divsi %scan3A_38, %jit3A : i32
      %sign3A = arith.constant 0 : i32
      %sign3A_39 = arith.cmpi sgt, %scan3A_38, %sign3A : i32
      %sign3A_40 = arith.extui %sign3A_39 : i1 to i32
      %sign3A_41 = arith.constant 0 : i32
      %sign3A_42 = arith.cmpi slt, %scan3A_38, %sign3A_41 : i32
      %sign3A_43 = arith.extui %sign3A_42 : i1 to i32
      %sign3A_44 = arith.subi %sign3A_40, %sign3A_43 : i32
      %sign3A_45 = arith.constant 0 : i32
      %sign3A_46 = arith.cmpi sgt, %jit3A, %sign3A_45 : i32
      %sign3A_47 = arith.extui %sign3A_46 : i1 to i32
      %sign3A_48 = arith.constant 0 : i32
      %sign3A_49 = arith.cmpi slt, %jit3A, %sign3A_48 : i32
      %sign3A_50 = arith.extui %sign3A_49 : i1 to i32
      %sign3A_51 = arith.subi %sign3A_47, %sign3A_50 : i32
      %ne3A = arith.cmpi ne, %sign3A_44, %sign3A_51 : i32
      %rem3A = arith.remsi %scan3A_38, %jit3A : i32
      %ne3A_52 = arith.constant 0 : i32
      %ne3A_53 = arith.cmpi ne, %rem3A, %ne3A_52 : i32
      %and3A = arith.andi %ne3A, %ne3A_53 : i1
      %sub3A = arith.constant 1 : i32
      %sub3A_54 = arith.subi %div3A, %sub3A : i32
      %select_n3A = arith.select %and3A, %sub3A_54, %div3A : i32
      %jit3A_55 = arith.constant 8 : i32
      %eq3A = arith.constant 0 : i32
      %eq3A_56 = arith.cmpi eq, %jit3A_55, %eq3A : i32
      %jit3A_57 = arith.constant 1 : i32
      %select_n3A_58 = arith.select %eq3A_56, %jit3A_57, %jit3A_55 : i32
      %rem3A_59 = arith.remsi %scan3A_38, %select_n3A_58 : i32
      %ne3A_60 = arith.constant 0 : i32
      %ne3A_61 = arith.cmpi ne, %rem3A_59, %ne3A_60 : i32
      %lt3A = arith.constant 0 : i32
      %lt3A_62 = arith.cmpi slt, %rem3A_59, %lt3A : i32
      %lt3A_63 = arith.constant 0 : i32
      %lt3A_64 = arith.cmpi slt, %select_n3A_58, %lt3A_63 : i32
      %ne3A_65 = arith.xori %lt3A_62, %lt3A_64 : i1
      %and3A_66 = arith.andi %ne3A_65, %ne3A_61 : i1
      %add3A_67 = arith.addi %rem3A_59, %select_n3A_58 : i32
      %select_n3A_68 = arith.select %and3A_66, %add3A_67, %rem3A_59 : i32
      %mul3A_69 = arith.constant 16 : i32
      %mul3A_70 = arith.muli %select_n3A_68, %mul3A_69 : i32
      %swap3A = arith.index_cast %select_n3A : i32 to index
      %swap3A_71 = arith.index_cast %mul3A_70 : i32 to index
      %swap3A_72 = tpu.vector_load %arg8[%swap3A, %swap3A_71] {strides = array<i32>} : memref<128x128xf32, #tpu.memory_space<vmem>>, vector<1x16xf32>,
      %swap3A_73 = vector.shape_cast %swap3A_72 : vector<1x16xf32> to vector<16xf32>
      %swap3A_74 = vector.shape_cast %broadcast_in_dim3A_0 : vector<16xf32> to vector<1x16xf32>
      tpu.vector_store %arg8[%swap3A, %swap3A_71], %swap3A_74 {strides = array<i32>} : memref<128x128xf32, #tpu.memory_space<vmem>>, vector<1x16xf32>,
    }
    %scan3A_5 = arith.constant 1024 : i32
    %mul3A = arith.constant 640 : i32
    %mul3A_6 = arith.muli %arg1, %mul3A : i32
    %add3A = arith.constant 0 : i32
    %add3A_7 = arith.addi %mul3A_6, %add3A : i32
    "tpu.region"() ({
      %run_scoped3A = tpu.sem_alloc : memref<!tpu.dma_semaphore, #tpu.memory_space<semaphore_mem>>
      %dma_start3A = arith.constant 0 : i32
      %dma_start3A_38 = tpu.memref_slice %arg10[%add3A_7, %dma_start3A] : memref<10240x128xf32, #tpu.memory_space<vmem_shared>> -> memref<128x128xf32, #tpu.memory_space<vmem_shared>>
      %dma_start3A_39 = arith.constant 0 : i32
      %dma_start3A_40 = tpu.memref_slice %arg10[%add3A_7, %dma_start3A_39] : memref<10240x128xf32, #tpu.memory_space<vmem_shared>> -> memref<128x128xf32, #tpu.memory_space<vmem_shared>>
      tpu.enqueue_dma source(%arg8 : memref<128x128xf32, #tpu.memory_space<vmem>>) target(%dma_start3A_40 : memref<128x128xf32, #tpu.memory_space<vmem_shared>>) target_semaphore(%run_scoped3A : memref<!tpu.dma_semaphore, #tpu.memory_space<semaphore_mem>>)
      %dma_wait3A = arith.constant 0 : i32
      %dma_wait3A_41 = tpu.memref_slice %arg10[%add3A_7, %dma_wait3A] : memref<10240x128xf32, #tpu.memory_space<vmem_shared>> -> memref<128x128xf32, #tpu.memory_space<vmem_shared>>
      %dma_wait3A_42 = arith.constant 0 : i32
      %dma_wait3A_43 = tpu.memref_slice %arg10[%add3A_7, %dma_wait3A_42] : memref<10240x128xf32, #tpu.memory_space<vmem_shared>> -> memref<128x128xf32, #tpu.memory_space<vmem_shared>>
      tpu.wait_dma2 semaphore(%run_scoped3A : memref<!tpu.dma_semaphore, #tpu.memory_space<semaphore_mem>>) src(%arg8 : memref<128x128xf32, #tpu.memory_space<vmem>>) dst(%dma_wait3A_43 : memref<128x128xf32, #tpu.memory_space<vmem_shared>>)
      tpu.yield
    }) : () -> ()
    %add3A_8 = arith.constant 128 : i32
    %add3A_9 = arith.addi %mul3A_6, %add3A_8 : i32
    "tpu.region"() ({
      %run_scoped3A = tpu.sem_alloc : memref<!tpu.dma_semaphore, #tpu.memory_space<semaphore_mem>>
      %dma_start3A = arith.constant 0 : i32
      %dma_start3A_38 = tpu.memref_slice %arg10[%add3A_9, %dma_start3A] : memref<10240x128xf32, #tpu.memory_space<vmem_shared>> -> memref<128x128xf32, #tpu.memory_space<vmem_shared>>
      %dma_start3A_39 = arith.constant 0 : i32
      %dma_start3A_40 = tpu.memref_slice %arg10[%add3A_9, %dma_start3A_39] : memref<10240x128xf32, #tpu.memory_space<vmem_shared>> -> memref<128x128xf32, #tpu.memory_space<vmem_shared>>
      tpu.enqueue_dma source(%arg8 : memref<128x128xf32, #tpu.memory_space<vmem>>) target(%dma_start3A_40 : memref<128x128xf32, #tpu.memory_space<vmem_shared>>) target_semaphore(%run_scoped3A : memref<!tpu.dma_semaphore, #tpu.memory_space<semaphore_mem>>)
      %dma_wait3A = arith.constant 0 : i32
      %dma_wait3A_41 = tpu.memref_slice %arg10[%add3A_9, %dma_wait3A] : memref<10240x128xf32, #tpu.memory_space<vmem_shared>> -> memref<128x128xf32, #tpu.memory_space<vmem_shared>>
      %dma_wait3A_42 = arith.constant 0 : i32
      %dma_wait3A_43 = tpu.memref_slice %arg10[%add3A_9, %dma_wait3A_42] : memref<10240x128xf32, #tpu.memory_space<vmem_shared>> -> memref<128x128xf32, #tpu.memory_space<vmem_shared>>
      tpu.wait_dma2 semaphore(%run_scoped3A : memref<!tpu.dma_semaphore, #tpu.memory_space<semaphore_mem>>) src(%arg8 : memref<128x128xf32, #tpu.memory_space<vmem>>) dst(%dma_wait3A_43 : memref<128x128xf32, #tpu.memory_space<vmem_shared>>)
      tpu.yield
    }) : () -> ()
    %add3A_10 = arith.constant 256 : i32
    %add3A_11 = arith.addi %mul3A_6, %add3A_10 : i32
    "tpu.region"() ({
      %run_scoped3A = tpu.sem_alloc : memref<!tpu.dma_semaphore, #tpu.memory_space<semaphore_mem>>
      %dma_start3A = arith.constant 0 : i32
      %dma_start3A_38 = tpu.memref_slice %arg10[%add3A_11, %dma_start3A] : memref<10240x128xf32, #tpu.memory_space<vmem_shared>> -> memref<128x128xf32, #tpu.memory_space<vmem_shared>>
      %dma_start3A_39 = arith.constant 0 : i32
      %dma_start3A_40 = tpu.memref_slice %arg10[%add3A_11, %dma_start3A_39] : memref<10240x128xf32, #tpu.memory_space<vmem_shared>> -> memref<128x128xf32, #tpu.memory_space<vmem_shared>>
      tpu.enqueue_dma source(%arg8 : memref<128x128xf32, #tpu.memory_space<vmem>>) target(%dma_start3A_40 : memref<128x128xf32, #tpu.memory_space<vmem_shared>>) target_semaphore(%run_scoped3A : memref<!tpu.dma_semaphore, #tpu.memory_space<semaphore_mem>>)
      %dma_wait3A = arith.constant 0 : i32
      %dma_wait3A_41 = tpu.memref_slice %arg10[%add3A_11, %dma_wait3A] : memref<10240x128xf32, #tpu.memory_space<vmem_shared>> -> memref<128x128xf32, #tpu.memory_space<vmem_shared>>
      %dma_wait3A_42 = arith.constant 0 : i32
      %dma_wait3A_43 = tpu.memref_slice %arg10[%add3A_11, %dma_wait3A_42] : memref<10240x128xf32, #tpu.memory_space<vmem_shared>> -> memref<128x128xf32, #tpu.memory_space<vmem_shared>>
      tpu.wait_dma2 semaphore(%run_scoped3A : memref<!tpu.dma_semaphore, #tpu.memory_space<semaphore_mem>>) src(%arg8 : memref<128x128xf32, #tpu.memory_space<vmem>>) dst(%dma_wait3A_43 : memref<128x128xf32, #tpu.memory_space<vmem_shared>>)
      tpu.yield
    }) : () -> ()
    %add3A_12 = arith.constant 384 : i32
    %add3A_13 = arith.addi %mul3A_6, %add3A_12 : i32
    "tpu.region"() ({
      %run_scoped3A = tpu.sem_alloc : memref<!tpu.dma_semaphore, #tpu.memory_space<semaphore_mem>>
      %dma_start3A = arith.constant 0 : i32
      %dma_start3A_38 = tpu.memref_slice %arg10[%add3A_13, %dma_start3A] : memref<10240x128xf32, #tpu.memory_space<vmem_shared>> -> memref<128x128xf32, #tpu.memory_space<vmem_shared>>
      %dma_start3A_39 = arith.constant 0 : i32
      %dma_start3A_40 = tpu.memref_slice %arg10[%add3A_13, %dma_start3A_39] : memref<10240x128xf32, #tpu.memory_space<vmem_shared>> -> memref<128x128xf32, #tpu.memory_space<vmem_shared>>
      tpu.enqueue_dma source(%arg8 : memref<128x128xf32, #tpu.memory_space<vmem>>) target(%dma_start3A_40 : memref<128x128xf32, #tpu.memory_space<vmem_shared>>) target_semaphore(%run_scoped3A : memref<!tpu.dma_semaphore, #tpu.memory_space<semaphore_mem>>)
      %dma_wait3A = arith.constant 0 : i32
      %dma_wait3A_41 = tpu.memref_slice %arg10[%add3A_13, %dma_wait3A] : memref<10240x128xf32, #tpu.memory_space<vmem_shared>> -> memref<128x128xf32, #tpu.memory_space<vmem_shared>>
      %dma_wait3A_42 = arith.constant 0 : i32
      %dma_wait3A_43 = tpu.memref_slice %arg10[%add3A_13, %dma_wait3A_42] : memref<10240x128xf32, #tpu.memory_space<vmem_shared>> -> memref<128x128xf32, #tpu.memory_space<vmem_shared>>
      tpu.wait_dma2 semaphore(%run_scoped3A : memref<!tpu.dma_semaphore, #tpu.memory_space<semaphore_mem>>) src(%arg8 : memref<128x128xf32, #tpu.memory_space<vmem>>) dst(%dma_wait3A_43 : memref<128x128xf32, #tpu.memory_space<vmem_shared>>)
      tpu.yield
    }) : () -> ()
    %add3A_14 = arith.constant 512 : i32
    %add3A_15 = arith.addi %mul3A_6, %add3A_14 : i32
    "tpu.region"() ({
      %run_scoped3A = tpu.sem_alloc : memref<!tpu.dma_semaphore, #tpu.memory_space<semaphore_mem>>
      %dma_start3A = arith.constant 0 : i32
      %dma_start3A_38 = tpu.memref_slice %arg10[%add3A_15, %dma_start3A] : memref<10240x128xf32, #tpu.memory_space<vmem_shared>> -> memref<128x128xf32, #tpu.memory_space<vmem_shared>>
      %dma_start3A_39 = arith.constant 0 : i32
      %dma_start3A_40 = tpu.memref_slice %arg10[%add3A_15, %dma_start3A_39] : memref<10240x128xf32, #tpu.memory_space<vmem_shared>> -> memref<128x128xf32, #tpu.memory_space<vmem_shared>>
      tpu.enqueue_dma source(%arg8 : memref<128x128xf32, #tpu.memory_space<vmem>>) target(%dma_start3A_40 : memref<128x128xf32, #tpu.memory_space<vmem_shared>>) target_semaphore(%run_scoped3A : memref<!tpu.dma_semaphore, #tpu.memory_space<semaphore_mem>>)
      %dma_wait3A = arith.constant 0 : i32
      %dma_wait3A_41 = tpu.memref_slice %arg10[%add3A_15, %dma_wait3A] : memref<10240x128xf32, #tpu.memory_space<vmem_shared>> -> memref<128x128xf32, #tpu.memory_space<vmem_shared>>
      %dma_wait3A_42 = arith.constant 0 : i32
      %dma_wait3A_43 = tpu.memref_slice %arg10[%add3A_15, %dma_wait3A_42] : memref<10240x128xf32, #tpu.memory_space<vmem_shared>> -> memref<128x128xf32, #tpu.memory_space<vmem_shared>>
      tpu.wait_dma2 semaphore(%run_scoped3A : memref<!tpu.dma_semaphore, #tpu.memory_space<semaphore_mem>>) src(%arg8 : memref<128x128xf32, #tpu.memory_space<vmem>>) dst(%dma_wait3A_43 : memref<128x128xf32, #tpu.memory_space<vmem_shared>>)
      tpu.yield
    }) : () -> ()
    %barrier3A = arith.constant 0 : index
    tpu.barrier barrier_id(%barrier3A)
    %mul3A_16 = arith.constant 16 : i32
    %mul3A_17 = arith.muli %arg0, %mul3A_16 : i32
    %add3A_18 = arith.addi %mul3A_17, %arg1 : i32
    %mul3A_19 = arith.constant 80 : i32
    %mul3A_20 = arith.muli %add3A_18, %mul3A_19 : i32
    %scan3A_21 = arith.constant 0 : i32
    %scan3A_22 = arith.constant 0 : i32
    %scan3A_23 = arith.constant 2 : i32
    %scan3A_24 = arith.addi %scan3A_22, %scan3A_23 : i32
    %scan3A_25 = arith.constant 1 : i32
    scf.for %scan3A_38 = %scan3A_22 to %scan3A_24 step %scan3A_25  : i32 {
      %mul3A_39 = arith.constant 32 : i32
      %mul3A_40 = arith.muli %scan3A_38, %mul3A_39 : i32
      %add3A_41 = arith.addi %mul3A_20, %mul3A_40 : i32
      "tpu.region"() ({
        %run_scoped3A = tpu.sem_alloc : memref<!tpu.dma_semaphore, #tpu.memory_space<semaphore_mem>>
        %dma_start3A = arith.constant 0 : i32
        %dma_start3A_48 = tpu.memref_slice %arg3[%add3A_41, %dma_start3A] : memref<2560x128xi32, #tpu.memory_space<hbm>> -> memref<32x128xi32, #tpu.memory_space<hbm>>
        %dma_start3A_49 = arith.constant 0 : i32
        %dma_start3A_50 = tpu.memref_slice %arg3[%add3A_41, %dma_start3A_49] : memref<2560x128xi32, #tpu.memory_space<hbm>> -> memref<32x128xi32, #tpu.memory_space<hbm>>
        tpu.enqueue_dma source(%dma_start3A_50 : memref<32x128xi32, #tpu.memory_space<hbm>>) target(%arg6 : memref<32x128xi32, #tpu.memory_space<vmem>>) target_semaphore(%run_scoped3A : memref<!tpu.dma_semaphore, #tpu.memory_space<semaphore_mem>>)
        %dma_wait3A = arith.constant 0 : i32
        %dma_wait3A_51 = tpu.memref_slice %arg3[%add3A_41, %dma_wait3A] : memref<2560x128xi32, #tpu.memory_space<hbm>> -> memref<32x128xi32, #tpu.memory_space<hbm>>
        %dma_wait3A_52 = arith.constant 0 : i32
        %dma_wait3A_53 = tpu.memref_slice %arg3[%add3A_41, %dma_wait3A_52] : memref<2560x128xi32, #tpu.memory_space<hbm>> -> memref<32x128xi32, #tpu.memory_space<hbm>>
        tpu.wait_dma2 semaphore(%run_scoped3A : memref<!tpu.dma_semaphore, #tpu.memory_space<semaphore_mem>>) src(%dma_wait3A_53 : memref<32x128xi32, #tpu.memory_space<hbm>>) dst(%arg6 : memref<32x128xi32, #tpu.memory_space<vmem>>)
        tpu.yield
      }) : () -> ()
      "tpu.region"() ({
        %run_scoped3A = tpu.sem_alloc : memref<!tpu.dma_semaphore, #tpu.memory_space<semaphore_mem>>
        %dma_start3A = arith.constant 0 : i32
        %dma_start3A_48 = tpu.memref_slice %arg4[%add3A_41, %dma_start3A] : memref<2560x128xi32, #tpu.memory_space<hbm>> -> memref<32x128xi32, #tpu.memory_space<hbm>>
        %dma_start3A_49 = arith.constant 0 : i32
        %dma_start3A_50 = tpu.memref_slice %arg4[%add3A_41, %dma_start3A_49] : memref<2560x128xi32, #tpu.memory_space<hbm>> -> memref<32x128xi32, #tpu.memory_space<hbm>>
        tpu.enqueue_dma source(%dma_start3A_50 : memref<32x128xi32, #tpu.memory_space<hbm>>) target(%arg7 : memref<32x128xi32, #tpu.memory_space<vmem>>) target_semaphore(%run_scoped3A : memref<!tpu.dma_semaphore, #tpu.memory_space<semaphore_mem>>)
        %dma_wait3A = arith.constant 0 : i32
        %dma_wait3A_51 = tpu.memref_slice %arg4[%add3A_41, %dma_wait3A] : memref<2560x128xi32, #tpu.memory_space<hbm>> -> memref<32x128xi32, #tpu.memory_space<hbm>>
        %dma_wait3A_52 = arith.constant 0 : i32
        %dma_wait3A_53 = tpu.memref_slice %arg4[%add3A_41, %dma_wait3A_52] : memref<2560x128xi32, #tpu.memory_space<hbm>> -> memref<32x128xi32, #tpu.memory_space<hbm>>
        tpu.wait_dma2 semaphore(%run_scoped3A : memref<!tpu.dma_semaphore, #tpu.memory_space<semaphore_mem>>) src(%dma_wait3A_53 : memref<32x128xi32, #tpu.memory_space<hbm>>) dst(%arg7 : memref<32x128xi32, #tpu.memory_space<vmem>>)
        tpu.yield
      }) : () -> ()
      %scan3A_42 = arith.constant 0 : i32
      %scan3A_43 = arith.constant 0 : i32
      %scan3A_44 = arith.constant 16 : i32
      %scan3A_45 = arith.addi %scan3A_43, %scan3A_44 : i32
      %scan3A_46 = arith.constant 1 : i32
      scf.for %scan3A_48 = %scan3A_43 to %scan3A_45 step %scan3A_46  : i32 {
        %mul3A_49 = arith.constant 2 : i32
        %mul3A_50 = arith.muli %mul3A_49, %scan3A_48 : i32
        %add3A_51 = arith.constant 1 : i32
        %add3A_52 = arith.addi %mul3A_50, %add3A_51 : i32
        %dma_start3A = arith.constant 0 : i32
        %dma_start3A_53 = tpu.memref_slice %arg6[%mul3A_50, %dma_start3A] : memref<32x128xi32, #tpu.memory_space<vmem>> -> memref<1x128xi32, #tpu.memory_space<vmem>>
        %dma_start3A_54 = tpu.memref_squeeze %dma_start3A_53 : memref<1x128xi32, #tpu.memory_space<vmem>> -> memref<128xi32, #tpu.memory_space<vmem>>
        %dma_start3A_55 = arith.constant 0 : i32
        %dma_start3A_56 = arith.constant 0 : i32
        %dma_start3A_57 = tpu.memref_slice %arg2[%dma_start3A_55, %dma_start3A_56] : memref<10240x128xf32, #tpu.memory_space<hbm>> -> memref<10240x128xf32, #tpu.memory_space<hbm>>
        tpu.enqueue_indirect_dma source(%dma_start3A_57 : memref<10240x128xf32, #tpu.memory_space<hbm>>) target(%arg8 : memref<128x128xf32, #tpu.memory_space<vmem>>) offsets(%dma_start3A_54 : memref<128xi32, #tpu.memory_space<vmem>>) semaphore(%arg11 : memref<!tpu.dma_semaphore, #tpu.memory_space<semaphore_mem>>)
        %dma_start3A_58 = arith.constant 0 : i32
        %dma_start3A_59 = tpu.memref_slice %arg6[%add3A_52, %dma_start3A_58] : memref<32x128xi32, #tpu.memory_space<vmem>> -> memref<1x128xi32, #tpu.memory_space<vmem>>
        %dma_start3A_60 = tpu.memref_squeeze %dma_start3A_59 : memref<1x128xi32, #tpu.memory_space<vmem>> -> memref<128xi32, #tpu.memory_space<vmem>>
        %dma_start3A_61 = arith.constant 0 : i32
        %dma_start3A_62 = arith.constant 0 : i32
        %dma_start3A_63 = tpu.memref_slice %arg2[%dma_start3A_61, %dma_start3A_62] : memref<10240x128xf32, #tpu.memory_space<hbm>> -> memref<10240x128xf32, #tpu.memory_space<hbm>>
        tpu.enqueue_indirect_dma source(%dma_start3A_63 : memref<10240x128xf32, #tpu.memory_space<hbm>>) target(%arg9 : memref<128x128xf32, #tpu.memory_space<vmem>>) offsets(%dma_start3A_60 : memref<128xi32, #tpu.memory_space<vmem>>) semaphore(%arg12 : memref<!tpu.dma_semaphore, #tpu.memory_space<semaphore_mem>>)
        %dma_wait3A = arith.constant 0 : i32
        %dma_wait3A_64 = tpu.memref_slice %arg6[%mul3A_50, %dma_wait3A] : memref<32x128xi32, #tpu.memory_space<vmem>> -> memref<1x128xi32, #tpu.memory_space<vmem>>
        %dma_wait3A_65 = tpu.memref_squeeze %dma_wait3A_64 : memref<1x128xi32, #tpu.memory_space<vmem>> -> memref<128xi32, #tpu.memory_space<vmem>>
        %dma_wait3A_66 = arith.constant 0 : i32
        %dma_wait3A_67 = arith.constant 0 : i32
        %dma_wait3A_68 = tpu.memref_slice %arg2[%dma_wait3A_66, %dma_wait3A_67] : memref<10240x128xf32, #tpu.memory_space<hbm>> -> memref<10240x128xf32, #tpu.memory_space<hbm>>
        tpu.wait_indirect_dma semaphore(%arg11 : memref<!tpu.dma_semaphore, #tpu.memory_space<semaphore_mem>>) src(%dma_wait3A_68 : memref<10240x128xf32, #tpu.memory_space<hbm>>) dst(%arg8 : memref<128x128xf32, #tpu.memory_space<vmem>>)
        "tpu.region"() ({
          %run_scoped3A = tpu.sem_alloc : memref<!tpu.dma_semaphore, #tpu.memory_space<semaphore_mem>>
          %dma_start3A_75 = arith.constant 0 : i32
          %dma_start3A_76 = tpu.memref_slice %arg7[%mul3A_50, %dma_start3A_75] : memref<32x128xi32, #tpu.memory_space<vmem>> -> memref<1x128xi32, #tpu.memory_space<vmem>>
          %dma_start3A_77 = tpu.memref_squeeze %dma_start3A_76 : memref<1x128xi32, #tpu.memory_space<vmem>> -> memref<128xi32, #tpu.memory_space<vmem>>
          %dma_start3A_78 = arith.constant 0 : i32
          %dma_start3A_79 = arith.constant 0 : i32
          %dma_start3A_80 = tpu.memref_slice %arg10[%dma_start3A_78, %dma_start3A_79] : memref<10240x128xf32, #tpu.memory_space<vmem_shared>> -> memref<10240x128xf32, #tpu.memory_space<vmem_shared>>
          tpu.enqueue_indirect_dma source(%arg8 : memref<128x128xf32, #tpu.memory_space<vmem>>) target(%dma_start3A_80 : memref<10240x128xf32, #tpu.memory_space<vmem_shared>>) offsets(%dma_start3A_77 : memref<128xi32, #tpu.memory_space<vmem>>) semaphore(%run_scoped3A : memref<!tpu.dma_semaphore, #tpu.memory_space<semaphore_mem>>) {add = true}
          %dma_wait3A_81 = arith.constant 0 : i32
          %dma_wait3A_82 = tpu.memref_slice %arg7[%mul3A_50, %dma_wait3A_81] : memref<32x128xi32, #tpu.memory_space<vmem>> -> memref<1x128xi32, #tpu.memory_space<vmem>>
          %dma_wait3A_83 = tpu.memref_squeeze %dma_wait3A_82 : memref<1x128xi32, #tpu.memory_space<vmem>> -> memref<128xi32, #tpu.memory_space<vmem>>
          %dma_wait3A_84 = arith.constant 0 : i32
          %dma_wait3A_85 = arith.constant 0 : i32
          %dma_wait3A_86 = tpu.memref_slice %arg10[%dma_wait3A_84, %dma_wait3A_85] : memref<10240x128xf32, #tpu.memory_space<vmem_shared>> -> memref<10240x128xf32, #tpu.memory_space<vmem_shared>>
          tpu.wait_indirect_dma semaphore(%run_scoped3A : memref<!tpu.dma_semaphore, #tpu.memory_space<semaphore_mem>>) src(%arg8 : memref<128x128xf32, #tpu.memory_space<vmem>>) dst(%dma_wait3A_86 : memref<10240x128xf32, #tpu.memory_space<vmem_shared>>)
          tpu.yield
        }) : () -> ()
        %dma_wait3A_69 = arith.constant 0 : i32
        %dma_wait3A_70 = tpu.memref_slice %arg6[%add3A_52, %dma_wait3A_69] : memref<32x128xi32, #tpu.memory_space<vmem>> -> memref<1x128xi32, #tpu.memory_space<vmem>>
        %dma_wait3A_71 = tpu.memref_squeeze %dma_wait3A_70 : memref<1x128xi32, #tpu.memory_space<vmem>> -> memref<128xi32, #tpu.memory_space<vmem>>
        %dma_wait3A_72 = arith.constant 0 : i32
        %dma_wait3A_73 = arith.constant 0 : i32
        %dma_wait3A_74 = tpu.memref_slice %arg2[%dma_wait3A_72, %dma_wait3A_73] : memref<10240x128xf32, #tpu.memory_space<hbm>> -> memref<10240x128xf32, #tpu.memory_space<hbm>>
        tpu.wait_indirect_dma semaphore(%arg12 : memref<!tpu.dma_semaphore, #tpu.memory_space<semaphore_mem>>) src(%dma_wait3A_74 : memref<10240x128xf32, #tpu.memory_space<hbm>>) dst(%arg9 : memref<128x128xf32, #tpu.memory_space<vmem>>)
        "tpu.region"() ({
          %run_scoped3A = tpu.sem_alloc : memref<!tpu.dma_semaphore, #tpu.memory_space<semaphore_mem>>
          %dma_start3A_75 = arith.constant 0 : i32
          %dma_start3A_76 = tpu.memref_slice %arg7[%add3A_52, %dma_start3A_75] : memref<32x128xi32, #tpu.memory_space<vmem>> -> memref<1x128xi32, #tpu.memory_space<vmem>>
          %dma_start3A_77 = tpu.memref_squeeze %dma_start3A_76 : memref<1x128xi32, #tpu.memory_space<vmem>> -> memref<128xi32, #tpu.memory_space<vmem>>
          %dma_start3A_78 = arith.constant 0 : i32
          %dma_start3A_79 = arith.constant 0 : i32
          %dma_start3A_80 = tpu.memref_slice %arg10[%dma_start3A_78, %dma_start3A_79] : memref<10240x128xf32, #tpu.memory_space<vmem_shared>> -> memref<10240x128xf32, #tpu.memory_space<vmem_shared>>
          tpu.enqueue_indirect_dma source(%arg9 : memref<128x128xf32, #tpu.memory_space<vmem>>) target(%dma_start3A_80 : memref<10240x128xf32, #tpu.memory_space<vmem_shared>>) offsets(%dma_start3A_77 : memref<128xi32, #tpu.memory_space<vmem>>) semaphore(%run_scoped3A : memref<!tpu.dma_semaphore, #tpu.memory_space<semaphore_mem>>) {add = true}
          %dma_wait3A_81 = arith.constant 0 : i32
          %dma_wait3A_82 = tpu.memref_slice %arg7[%add3A_52, %dma_wait3A_81] : memref<32x128xi32, #tpu.memory_space<vmem>> -> memref<1x128xi32, #tpu.memory_space<vmem>>
          %dma_wait3A_83 = tpu.memref_squeeze %dma_wait3A_82 : memref<1x128xi32, #tpu.memory_space<vmem>> -> memref<128xi32, #tpu.memory_space<vmem>>
          %dma_wait3A_84 = arith.constant 0 : i32
          %dma_wait3A_85 = arith.constant 0 : i32
          %dma_wait3A_86 = tpu.memref_slice %arg10[%dma_wait3A_84, %dma_wait3A_85] : memref<10240x128xf32, #tpu.memory_space<vmem_shared>> -> memref<10240x128xf32, #tpu.memory_space<vmem_shared>>
          tpu.wait_indirect_dma semaphore(%run_scoped3A : memref<!tpu.dma_semaphore, #tpu.memory_space<semaphore_mem>>) src(%arg9 : memref<128x128xf32, #tpu.memory_space<vmem>>) dst(%dma_wait3A_86 : memref<10240x128xf32, #tpu.memory_space<vmem_shared>>)
          tpu.yield
        }) : () -> ()
      }
      %scan3A_47 = arith.constant 16 : i32
    }
    %scan3A_26 = arith.constant 2 : i32
    %barrier3A_27 = arith.constant 0 : index
    tpu.barrier barrier_id(%barrier3A_27)
    %add3A_28 = arith.constant 0 : i32
    %add3A_29 = arith.addi %mul3A_6, %add3A_28 : i32
    "tpu.region"() ({
      %run_scoped3A = tpu.sem_alloc : memref<!tpu.dma_semaphore, #tpu.memory_space<semaphore_mem>>
      %dma_start3A = arith.constant 0 : i32
      %dma_start3A_38 = tpu.memref_slice %arg10[%add3A_29, %dma_start3A] : memref<10240x128xf32, #tpu.memory_space<vmem_shared>> -> memref<128x128xf32, #tpu.memory_space<vmem_shared>>
      %dma_start3A_39 = arith.constant 0 : i32
      %dma_start3A_40 = tpu.memref_slice %arg10[%add3A_29, %dma_start3A_39] : memref<10240x128xf32, #tpu.memory_space<vmem_shared>> -> memref<128x128xf32, #tpu.memory_space<vmem_shared>>
      tpu.enqueue_dma source(%dma_start3A_40 : memref<128x128xf32, #tpu.memory_space<vmem_shared>>) target(%arg8 : memref<128x128xf32, #tpu.memory_space<vmem>>) target_semaphore(%run_scoped3A : memref<!tpu.dma_semaphore, #tpu.memory_space<semaphore_mem>>)
      %dma_wait3A = arith.constant 0 : i32
      %dma_wait3A_41 = tpu.memref_slice %arg10[%add3A_29, %dma_wait3A] : memref<10240x128xf32, #tpu.memory_space<vmem_shared>> -> memref<128x128xf32, #tpu.memory_space<vmem_shared>>
      %dma_wait3A_42 = arith.constant 0 : i32
      %dma_wait3A_43 = tpu.memref_slice %arg10[%add3A_29, %dma_wait3A_42] : memref<10240x128xf32, #tpu.memory_space<vmem_shared>> -> memref<128x128xf32, #tpu.memory_space<vmem_shared>>
      tpu.wait_dma2 semaphore(%run_scoped3A : memref<!tpu.dma_semaphore, #tpu.memory_space<semaphore_mem>>) src(%dma_wait3A_43 : memref<128x128xf32, #tpu.memory_space<vmem_shared>>) dst(%arg8 : memref<128x128xf32, #tpu.memory_space<vmem>>)
      tpu.yield
    }) : () -> ()
    "tpu.region"() ({
      %run_scoped3A = tpu.sem_alloc : memref<!tpu.dma_semaphore, #tpu.memory_space<semaphore_mem>>
      %dma_start3A = arith.constant 0 : i32
      %dma_start3A_38 = tpu.memref_slice %arg5[%arg0, %add3A_29, %dma_start3A] : memref<2x10240x128xf32, #tpu.memory_space<hbm>> -> memref<1x128x128xf32, #tpu.memory_space<hbm>>
      %dma_start3A_39 = tpu.memref_squeeze %dma_start3A_38 : memref<1x128x128xf32, #tpu.memory_space<hbm>> -> memref<128x128xf32, #tpu.memory_space<hbm>>
      %dma_start3A_40 = arith.constant 0 : i32
      %dma_start3A_41 = tpu.memref_slice %arg5[%arg0, %add3A_29, %dma_start3A_40] : memref<2x10240x128xf32, #tpu.memory_space<hbm>> -> memref<1x128x128xf32, #tpu.memory_space<hbm>>
      %dma_start3A_42 = tpu.memref_squeeze %dma_start3A_41 : memref<1x128x128xf32, #tpu.memory_space<hbm>> -> memref<128x128xf32, #tpu.memory_space<hbm>>
      tpu.enqueue_dma source(%arg8 : memref<128x128xf32, #tpu.memory_space<vmem>>) target(%dma_start3A_42 : memref<128x128xf32, #tpu.memory_space<hbm>>) target_semaphore(%run_scoped3A : memref<!tpu.dma_semaphore, #tpu.memory_space<semaphore_mem>>)
      %dma_wait3A = arith.constant 0 : i32
      %dma_wait3A_43 = tpu.memref_slice %arg5[%arg0, %add3A_29, %dma_wait3A] : memref<2x10240x128xf32, #tpu.memory_space<hbm>> -> memref<1x128x128xf32, #tpu.memory_space<hbm>>
      %dma_wait3A_44 = tpu.memref_squeeze %dma_wait3A_43 : memref<1x128x128xf32, #tpu.memory_space<hbm>> -> memref<128x128xf32, #tpu.memory_space<hbm>>
      %dma_wait3A_45 = arith.constant 0 : i32
      %dma_wait3A_46 = tpu.memref_slice %arg5[%arg0, %add3A_29, %dma_wait3A_45] : memref<2x10240x128xf32, #tpu.memory_space<hbm>> -> memref<1x128x128xf32, #tpu.memory_space<hbm>>
      %dma_wait3A_47 = tpu.memref_squeeze %dma_wait3A_46 : memref<1x128x128xf32, #tpu.memory_space<hbm>> -> memref<128x128xf32, #tpu.memory_space<hbm>>
      tpu.wait_dma2 semaphore(%run_scoped3A : memref<!tpu.dma_semaphore, #tpu.memory_space<semaphore_mem>>) src(%arg8 : memref<128x128xf32, #tpu.memory_space<vmem>>) dst(%dma_wait3A_47 : memref<128x128xf32, #tpu.memory_space<hbm>>)
      tpu.yield
    }) : () -> ()
    %add3A_30 = arith.constant 128 : i32
    %add3A_31 = arith.addi %mul3A_6, %add3A_30 : i32
    "tpu.region"() ({
      %run_scoped3A = tpu.sem_alloc : memref<!tpu.dma_semaphore, #tpu.memory_space<semaphore_mem>>
      %dma_start3A = arith.constant 0 : i32
      %dma_start3A_38 = tpu.memref_slice %arg10[%add3A_31, %dma_start3A] : memref<10240x128xf32, #tpu.memory_space<vmem_shared>> -> memref<128x128xf32, #tpu.memory_space<vmem_shared>>
      %dma_start3A_39 = arith.constant 0 : i32
      %dma_start3A_40 = tpu.memref_slice %arg10[%add3A_31, %dma_start3A_39] : memref<10240x128xf32, #tpu.memory_space<vmem_shared>> -> memref<128x128xf32, #tpu.memory_space<vmem_shared>>
      tpu.enqueue_dma source(%dma_start3A_40 : memref<128x128xf32, #tpu.memory_space<vmem_shared>>) target(%arg8 : memref<128x128xf32, #tpu.memory_space<vmem>>) target_semaphore(%run_scoped3A : memref<!tpu.dma_semaphore, #tpu.memory_space<semaphore_mem>>)
      %dma_wait3A = arith.constant 0 : i32
      %dma_wait3A_41 = tpu.memref_slice %arg10[%add3A_31, %dma_wait3A] : memref<10240x128xf32, #tpu.memory_space<vmem_shared>> -> memref<128x128xf32, #tpu.memory_space<vmem_shared>>
      %dma_wait3A_42 = arith.constant 0 : i32
      %dma_wait3A_43 = tpu.memref_slice %arg10[%add3A_31, %dma_wait3A_42] : memref<10240x128xf32, #tpu.memory_space<vmem_shared>> -> memref<128x128xf32, #tpu.memory_space<vmem_shared>>
      tpu.wait_dma2 semaphore(%run_scoped3A : memref<!tpu.dma_semaphore, #tpu.memory_space<semaphore_mem>>) src(%dma_wait3A_43 : memref<128x128xf32, #tpu.memory_space<vmem_shared>>) dst(%arg8 : memref<128x128xf32, #tpu.memory_space<vmem>>)
      tpu.yield
    }) : () -> ()
    "tpu.region"() ({
      %run_scoped3A = tpu.sem_alloc : memref<!tpu.dma_semaphore, #tpu.memory_space<semaphore_mem>>
      %dma_start3A = arith.constant 0 : i32
      %dma_start3A_38 = tpu.memref_slice %arg5[%arg0, %add3A_31, %dma_start3A] : memref<2x10240x128xf32, #tpu.memory_space<hbm>> -> memref<1x128x128xf32, #tpu.memory_space<hbm>>
      %dma_start3A_39 = tpu.memref_squeeze %dma_start3A_38 : memref<1x128x128xf32, #tpu.memory_space<hbm>> -> memref<128x128xf32, #tpu.memory_space<hbm>>
      %dma_start3A_40 = arith.constant 0 : i32
      %dma_start3A_41 = tpu.memref_slice %arg5[%arg0, %add3A_31, %dma_start3A_40] : memref<2x10240x128xf32, #tpu.memory_space<hbm>> -> memref<1x128x128xf32, #tpu.memory_space<hbm>>
      %dma_start3A_42 = tpu.memref_squeeze %dma_start3A_41 : memref<1x128x128xf32, #tpu.memory_space<hbm>> -> memref<128x128xf32, #tpu.memory_space<hbm>>
      tpu.enqueue_dma source(%arg8 : memref<128x128xf32, #tpu.memory_space<vmem>>) target(%dma_start3A_42 : memref<128x128xf32, #tpu.memory_space<hbm>>) target_semaphore(%run_scoped3A : memref<!tpu.dma_semaphore, #tpu.memory_space<semaphore_mem>>)
      %dma_wait3A = arith.constant 0 : i32
      %dma_wait3A_43 = tpu.memref_slice %arg5[%arg0, %add3A_31, %dma_wait3A] : memref<2x10240x128xf32, #tpu.memory_space<hbm>> -> memref<1x128x128xf32, #tpu.memory_space<hbm>>
      %dma_wait3A_44 = tpu.memref_squeeze %dma_wait3A_43 : memref<1x128x128xf32, #tpu.memory_space<hbm>> -> memref<128x128xf32, #tpu.memory_space<hbm>>
      %dma_wait3A_45 = arith.constant 0 : i32
      %dma_wait3A_46 = tpu.memref_slice %arg5[%arg0, %add3A_31, %dma_wait3A_45] : memref<2x10240x128xf32, #tpu.memory_space<hbm>> -> memref<1x128x128xf32, #tpu.memory_space<hbm>>
      %dma_wait3A_47 = tpu.memref_squeeze %dma_wait3A_46 : memref<1x128x128xf32, #tpu.memory_space<hbm>> -> memref<128x128xf32, #tpu.memory_space<hbm>>
      tpu.wait_dma2 semaphore(%run_scoped3A : memref<!tpu.dma_semaphore, #tpu.memory_space<semaphore_mem>>) src(%arg8 : memref<128x128xf32, #tpu.memory_space<vmem>>) dst(%dma_wait3A_47 : memref<128x128xf32, #tpu.memory_space<hbm>>)
      tpu.yield
    }) : () -> ()
    %add3A_32 = arith.constant 256 : i32
    %add3A_33 = arith.addi %mul3A_6, %add3A_32 : i32
    "tpu.region"() ({
      %run_scoped3A = tpu.sem_alloc : memref<!tpu.dma_semaphore, #tpu.memory_space<semaphore_mem>>
      %dma_start3A = arith.constant 0 : i32
      %dma_start3A_38 = tpu.memref_slice %arg10[%add3A_33, %dma_start3A] : memref<10240x128xf32, #tpu.memory_space<vmem_shared>> -> memref<128x128xf32, #tpu.memory_space<vmem_shared>>
      %dma_start3A_39 = arith.constant 0 : i32
      %dma_start3A_40 = tpu.memref_slice %arg10[%add3A_33, %dma_start3A_39] : memref<10240x128xf32, #tpu.memory_space<vmem_shared>> -> memref<128x128xf32, #tpu.memory_space<vmem_shared>>
      tpu.enqueue_dma source(%dma_start3A_40 : memref<128x128xf32, #tpu.memory_space<vmem_shared>>) target(%arg8 : memref<128x128xf32, #tpu.memory_space<vmem>>) target_semaphore(%run_scoped3A : memref<!tpu.dma_semaphore, #tpu.memory_space<semaphore_mem>>)
      %dma_wait3A = arith.constant 0 : i32
      %dma_wait3A_41 = tpu.memref_slice %arg10[%add3A_33, %dma_wait3A] : memref<10240x128xf32, #tpu.memory_space<vmem_shared>> -> memref<128x128xf32, #tpu.memory_space<vmem_shared>>
      %dma_wait3A_42 = arith.constant 0 : i32
      %dma_wait3A_43 = tpu.memref_slice %arg10[%add3A_33, %dma_wait3A_42] : memref<10240x128xf32, #tpu.memory_space<vmem_shared>> -> memref<128x128xf32, #tpu.memory_space<vmem_shared>>
      tpu.wait_dma2 semaphore(%run_scoped3A : memref<!tpu.dma_semaphore, #tpu.memory_space<semaphore_mem>>) src(%dma_wait3A_43 : memref<128x128xf32, #tpu.memory_space<vmem_shared>>) dst(%arg8 : memref<128x128xf32, #tpu.memory_space<vmem>>)
      tpu.yield
    }) : () -> ()
    "tpu.region"() ({
      %run_scoped3A = tpu.sem_alloc : memref<!tpu.dma_semaphore, #tpu.memory_space<semaphore_mem>>
      %dma_start3A = arith.constant 0 : i32
      %dma_start3A_38 = tpu.memref_slice %arg5[%arg0, %add3A_33, %dma_start3A] : memref<2x10240x128xf32, #tpu.memory_space<hbm>> -> memref<1x128x128xf32, #tpu.memory_space<hbm>>
      %dma_start3A_39 = tpu.memref_squeeze %dma_start3A_38 : memref<1x128x128xf32, #tpu.memory_space<hbm>> -> memref<128x128xf32, #tpu.memory_space<hbm>>
      %dma_start3A_40 = arith.constant 0 : i32
      %dma_start3A_41 = tpu.memref_slice %arg5[%arg0, %add3A_33, %dma_start3A_40] : memref<2x10240x128xf32, #tpu.memory_space<hbm>> -> memref<1x128x128xf32, #tpu.memory_space<hbm>>
      %dma_start3A_42 = tpu.memref_squeeze %dma_start3A_41 : memref<1x128x128xf32, #tpu.memory_space<hbm>> -> memref<128x128xf32, #tpu.memory_space<hbm>>
      tpu.enqueue_dma source(%arg8 : memref<128x128xf32, #tpu.memory_space<vmem>>) target(%dma_start3A_42 : memref<128x128xf32, #tpu.memory_space<hbm>>) target_semaphore(%run_scoped3A : memref<!tpu.dma_semaphore, #tpu.memory_space<semaphore_mem>>)
      %dma_wait3A = arith.constant 0 : i32
      %dma_wait3A_43 = tpu.memref_slice %arg5[%arg0, %add3A_33, %dma_wait3A] : memref<2x10240x128xf32, #tpu.memory_space<hbm>> -> memref<1x128x128xf32, #tpu.memory_space<hbm>>
      %dma_wait3A_44 = tpu.memref_squeeze %dma_wait3A_43 : memref<1x128x128xf32, #tpu.memory_space<hbm>> -> memref<128x128xf32, #tpu.memory_space<hbm>>
      %dma_wait3A_45 = arith.constant 0 : i32
      %dma_wait3A_46 = tpu.memref_slice %arg5[%arg0, %add3A_33, %dma_wait3A_45] : memref<2x10240x128xf32, #tpu.memory_space<hbm>> -> memref<1x128x128xf32, #tpu.memory_space<hbm>>
      %dma_wait3A_47 = tpu.memref_squeeze %dma_wait3A_46 : memref<1x128x128xf32, #tpu.memory_space<hbm>> -> memref<128x128xf32, #tpu.memory_space<hbm>>
      tpu.wait_dma2 semaphore(%run_scoped3A : memref<!tpu.dma_semaphore, #tpu.memory_space<semaphore_mem>>) src(%arg8 : memref<128x128xf32, #tpu.memory_space<vmem>>) dst(%dma_wait3A_47 : memref<128x128xf32, #tpu.memory_space<hbm>>)
      tpu.yield
    }) : () -> ()
    %add3A_34 = arith.constant 384 : i32
    %add3A_35 = arith.addi %mul3A_6, %add3A_34 : i32
    "tpu.region"() ({
      %run_scoped3A = tpu.sem_alloc : memref<!tpu.dma_semaphore, #tpu.memory_space<semaphore_mem>>
      %dma_start3A = arith.constant 0 : i32
      %dma_start3A_38 = tpu.memref_slice %arg10[%add3A_35, %dma_start3A] : memref<10240x128xf32, #tpu.memory_space<vmem_shared>> -> memref<128x128xf32, #tpu.memory_space<vmem_shared>>
      %dma_start3A_39 = arith.constant 0 : i32
      %dma_start3A_40 = tpu.memref_slice %arg10[%add3A_35, %dma_start3A_39] : memref<10240x128xf32, #tpu.memory_space<vmem_shared>> -> memref<128x128xf32, #tpu.memory_space<vmem_shared>>
      tpu.enqueue_dma source(%dma_start3A_40 : memref<128x128xf32, #tpu.memory_space<vmem_shared>>) target(%arg8 : memref<128x128xf32, #tpu.memory_space<vmem>>) target_semaphore(%run_scoped3A : memref<!tpu.dma_semaphore, #tpu.memory_space<semaphore_mem>>)
      %dma_wait3A = arith.constant 0 : i32
      %dma_wait3A_41 = tpu.memref_slice %arg10[%add3A_35, %dma_wait3A] : memref<10240x128xf32, #tpu.memory_space<vmem_shared>> -> memref<128x128xf32, #tpu.memory_space<vmem_shared>>
      %dma_wait3A_42 = arith.constant 0 : i32
      %dma_wait3A_43 = tpu.memref_slice %arg10[%add3A_35, %dma_wait3A_42] : memref<10240x128xf32, #tpu.memory_space<vmem_shared>> -> memref<128x128xf32, #tpu.memory_space<vmem_shared>>
      tpu.wait_dma2 semaphore(%run_scoped3A : memref<!tpu.dma_semaphore, #tpu.memory_space<semaphore_mem>>) src(%dma_wait3A_43 : memref<128x128xf32, #tpu.memory_space<vmem_shared>>) dst(%arg8 : memref<128x128xf32, #tpu.memory_space<vmem>>)
      tpu.yield
    }) : () -> ()
    "tpu.region"() ({
      %run_scoped3A = tpu.sem_alloc : memref<!tpu.dma_semaphore, #tpu.memory_space<semaphore_mem>>
      %dma_start3A = arith.constant 0 : i32
      %dma_start3A_38 = tpu.memref_slice %arg5[%arg0, %add3A_35, %dma_start3A] : memref<2x10240x128xf32, #tpu.memory_space<hbm>> -> memref<1x128x128xf32, #tpu.memory_space<hbm>>
      %dma_start3A_39 = tpu.memref_squeeze %dma_start3A_38 : memref<1x128x128xf32, #tpu.memory_space<hbm>> -> memref<128x128xf32, #tpu.memory_space<hbm>>
      %dma_start3A_40 = arith.constant 0 : i32
      %dma_start3A_41 = tpu.memref_slice %arg5[%arg0, %add3A_35, %dma_start3A_40] : memref<2x10240x128xf32, #tpu.memory_space<hbm>> -> memref<1x128x128xf32, #tpu.memory_space<hbm>>
      %dma_start3A_42 = tpu.memref_squeeze %dma_start3A_41 : memref<1x128x128xf32, #tpu.memory_space<hbm>> -> memref<128x128xf32, #tpu.memory_space<hbm>>
      tpu.enqueue_dma source(%arg8 : memref<128x128xf32, #tpu.memory_space<vmem>>) target(%dma_start3A_42 : memref<128x128xf32, #tpu.memory_space<hbm>>) target_semaphore(%run_scoped3A : memref<!tpu.dma_semaphore, #tpu.memory_space<semaphore_mem>>)
      %dma_wait3A = arith.constant 0 : i32
      %dma_wait3A_43 = tpu.memref_slice %arg5[%arg0, %add3A_35, %dma_wait3A] : memref<2x10240x128xf32, #tpu.memory_space<hbm>> -> memref<1x128x128xf32, #tpu.memory_space<hbm>>
      %dma_wait3A_44 = tpu.memref_squeeze %dma_wait3A_43 : memref<1x128x128xf32, #tpu.memory_space<hbm>> -> memref<128x128xf32, #tpu.memory_space<hbm>>
      %dma_wait3A_45 = arith.constant 0 : i32
      %dma_wait3A_46 = tpu.memref_slice %arg5[%arg0, %add3A_35, %dma_wait3A_45] : memref<2x10240x128xf32, #tpu.memory_space<hbm>> -> memref<1x128x128xf32, #tpu.memory_space<hbm>>
      %dma_wait3A_47 = tpu.memref_squeeze %dma_wait3A_46 : memref<1x128x128xf32, #tpu.memory_space<hbm>> -> memref<128x128xf32, #tpu.memory_space<hbm>>
      tpu.wait_dma2 semaphore(%run_scoped3A : memref<!tpu.dma_semaphore, #tpu.memory_space<semaphore_mem>>) src(%arg8 : memref<128x128xf32, #tpu.memory_space<vmem>>) dst(%dma_wait3A_47 : memref<128x128xf32, #tpu.memory_space<hbm>>)
      tpu.yield
    }) : () -> ()
    %add3A_36 = arith.constant 512 : i32
    %add3A_37 = arith.addi %mul3A_6, %add3A_36 : i32
    "tpu.region"() ({
      %run_scoped3A = tpu.sem_alloc : memref<!tpu.dma_semaphore, #tpu.memory_space<semaphore_mem>>
      %dma_start3A = arith.constant 0 : i32
      %dma_start3A_38 = tpu.memref_slice %arg10[%add3A_37, %dma_start3A] : memref<10240x128xf32, #tpu.memory_space<vmem_shared>> -> memref<128x128xf32, #tpu.memory_space<vmem_shared>>
      %dma_start3A_39 = arith.constant 0 : i32
      %dma_start3A_40 = tpu.memref_slice %arg10[%add3A_37, %dma_start3A_39] : memref<10240x128xf32, #tpu.memory_space<vmem_shared>> -> memref<128x128xf32, #tpu.memory_space<vmem_shared>>
      tpu.enqueue_dma source(%dma_start3A_40 : memref<128x128xf32, #tpu.memory_space<vmem_shared>>) target(%arg8 : memref<128x128xf32, #tpu.memory_space<vmem>>) target_semaphore(%run_scoped3A : memref<!tpu.dma_semaphore, #tpu.memory_space<semaphore_mem>>)
      %dma_wait3A = arith.constant 0 : i32
      %dma_wait3A_41 = tpu.memref_slice %arg10[%add3A_37, %dma_wait3A] : memref<10240x128xf32, #tpu.memory_space<vmem_shared>> -> memref<128x128xf32, #tpu.memory_space<vmem_shared>>
      %dma_wait3A_42 = arith.constant 0 : i32
      %dma_wait3A_43 = tpu.memref_slice %arg10[%add3A_37, %dma_wait3A_42] : memref<10240x128xf32, #tpu.memory_space<vmem_shared>> -> memref<128x128xf32, #tpu.memory_space<vmem_shared>>
      tpu.wait_dma2 semaphore(%run_scoped3A : memref<!tpu.dma_semaphore, #tpu.memory_space<semaphore_mem>>) src(%dma_wait3A_43 : memref<128x128xf32, #tpu.memory_space<vmem_shared>>) dst(%arg8 : memref<128x128xf32, #tpu.memory_space<vmem>>)
      tpu.yield
    }) : () -> ()
    "tpu.region"() ({
      %run_scoped3A = tpu.sem_alloc : memref<!tpu.dma_semaphore, #tpu.memory_space<semaphore_mem>>
      %dma_start3A = arith.constant 0 : i32
      %dma_start3A_38 = tpu.memref_slice %arg5[%arg0, %add3A_37, %dma_start3A] : memref<2x10240x128xf32, #tpu.memory_space<hbm>> -> memref<1x128x128xf32, #tpu.memory_space<hbm>>
      %dma_start3A_39 = tpu.memref_squeeze %dma_start3A_38 : memref<1x128x128xf32, #tpu.memory_space<hbm>> -> memref<128x128xf32, #tpu.memory_space<hbm>>
      %dma_start3A_40 = arith.constant 0 : i32
      %dma_start3A_41 = tpu.memref_slice %arg5[%arg0, %add3A_37, %dma_start3A_40] : memref<2x10240x128xf32, #tpu.memory_space<hbm>> -> memref<1x128x128xf32, #tpu.memory_space<hbm>>
      %dma_start3A_42 = tpu.memref_squeeze %dma_start3A_41 : memref<1x128x128xf32, #tpu.memory_space<hbm>> -> memref<128x128xf32, #tpu.memory_space<hbm>>
      tpu.enqueue_dma source(%arg8 : memref<128x128xf32, #tpu.memory_space<vmem>>) target(%dma_start3A_42 : memref<128x128xf32, #tpu.memory_space<hbm>>) target_semaphore(%run_scoped3A : memref<!tpu.dma_semaphore, #tpu.memory_space<semaphore_mem>>)
      %dma_wait3A = arith.constant 0 : i32
      %dma_wait3A_43 = tpu.memref_slice %arg5[%arg0, %add3A_37, %dma_wait3A] : memref<2x10240x128xf32, #tpu.memory_space<hbm>> -> memref<1x128x128xf32, #tpu.memory_space<hbm>>
      %dma_wait3A_44 = tpu.memref_squeeze %dma_wait3A_43 : memref<1x128x128xf32, #tpu.memory_space<hbm>> -> memref<128x128xf32, #tpu.memory_space<hbm>>
      %dma_wait3A_45 = arith.constant 0 : i32
      %dma_wait3A_46 = tpu.memref_slice %arg5[%arg0, %add3A_37, %dma_wait3A_45] : memref<2x10240x128xf32, #tpu.memory_space<hbm>> -> memref<1x128x128xf32, #tpu.memory_space<hbm>>
      %dma_wait3A_47 = tpu.memref_squeeze %dma_wait3A_46 : memref<1x128x128xf32, #tpu.memory_space<hbm>> -> memref<128x128xf32, #tpu.memory_space<hbm>>
      tpu.wait_dma2 semaphore(%run_scoped3A : memref<!tpu.dma_semaphore, #tpu.memory_space<semaphore_mem>>) src(%arg8 : memref<128x128xf32, #tpu.memory_space<vmem>>) dst(%dma_wait3A_47 : memref<128x128xf32, #tpu.memory_space<hbm>>)
      tpu.yield
    }) : () -> ()
    return
  }
}

module attributes {stable_mosaic.version = 14 : i64} {
  func.func @_tc_body(%arg0: i32, %arg1: memref<2x1024x128xf32, #tpu.memory_space<vmem>>, %arg2: memref<2x1024x128xf32, #tpu.memory_space<vmem>>, %arg3: memref<1024x128xf32, #tpu.memory_space<vmem>>, %arg4: memref<128x128xf32, #tpu.memory_space<vmem>>, %arg5: memref<1x128xf32, #tpu.memory_space<vmem>>, %arg6: memref<128x128xf32, #tpu.memory_space<vmem>>, %arg7: memref<1024x128xf32, #tpu.memory_space<vmem>>) attributes {dimension_semantics = [#tpu.dimension_semantics<arbitrary>], iteration_bounds = array<i64: 10>, scalar_prefetch = 0 : i64, scratch_operands = 0 : i64, tpu.core_type = #tpu.core_type<tc>, window_params = [{transform_indices = @transform_0, window_bounds = array<i64: 2, 1024, 128>}, {transform_indices = @transform_1, window_bounds = array<i64: 2, 1024, 128>}, {transform_indices = @transform_2, window_bounds = array<i64: 1024, 128>}, {pipeline_mode = #tpu.pipeline_mode<synchronous>, transform_indices = @transform_3, window_bounds = array<i64: 128, 128>}, {pipeline_mode = #tpu.pipeline_mode<synchronous>, transform_indices = @transform_4, window_bounds = array<i64: 1, 128>}, {pipeline_mode = #tpu.pipeline_mode<synchronous>, transform_indices = @transform_5, window_bounds = array<i64: 128, 128>}, {transform_indices = @transform_6, window_bounds = array<i64: 1024, 128>}]} {
    %get3A = arith.constant 0 : index
    %get3A_0 = arith.constant 0 : index
    %get3A_1 = arith.constant 0 : index
    %get3A_2 = vector.load %arg1[%get3A, %get3A_0, %get3A_1] : memref<2x1024x128xf32, #tpu.memory_space<vmem>>, vector<2x1024x128xf32>
    %slice3A = vector.extract_strided_slice %get3A_2 {offsets = [0, 0, 0], sizes = [1, 1024, 128], strides = [1, 1, 1]} : vector<2x1024x128xf32> to vector<1x1024x128xf32>
    %squeeze3A = vector.shape_cast %slice3A : vector<1x1024x128xf32> to vector<1024x128xf32>
    %slice3A_3 = vector.extract_strided_slice %get3A_2 {offsets = [1, 0, 0], sizes = [1, 1024, 128], strides = [1, 1, 1]} : vector<2x1024x128xf32> to vector<1x1024x128xf32>
    %squeeze3A_4 = vector.shape_cast %slice3A_3 : vector<1x1024x128xf32> to vector<1024x128xf32>
    %add3A = arith.addf %squeeze3A, %squeeze3A_4 : vector<1024x128xf32>
    %get3A_5 = arith.constant 0 : index
    %get3A_6 = arith.constant 0 : index
    %get3A_7 = arith.constant 0 : index
    %get3A_8 = vector.load %arg2[%get3A_5, %get3A_6, %get3A_7] : memref<2x1024x128xf32, #tpu.memory_space<vmem>>, vector<2x1024x128xf32>
    %slice3A_9 = vector.extract_strided_slice %get3A_8 {offsets = [0, 0, 0], sizes = [1, 1024, 1], strides = [1, 1, 1]} : vector<2x1024x128xf32> to vector<1x1024x1xf32>
    %squeeze3A_10 = vector.shape_cast %slice3A_9 : vector<1x1024x1xf32> to vector<1024x1xf32>
    %slice3A_11 = vector.extract_strided_slice %get3A_8 {offsets = [1, 0, 0], sizes = [1, 1024, 1], strides = [1, 1, 1]} : vector<2x1024x128xf32> to vector<1x1024x1xf32>
    %squeeze3A_12 = vector.shape_cast %slice3A_11 : vector<1x1024x1xf32> to vector<1024x1xf32>
    %add3A_13 = arith.addf %squeeze3A_10, %squeeze3A_12 : vector<1024x1xf32>
    %max3A = arith.constant 1.000000e+00 : f32
    %max3A_14 = vector.broadcast %max3A : f32 to vector<1024x1xf32>
    %max3A_15 = arith.maximumf %add3A_13, %max3A_14 : vector<1024x1xf32>
    %div3A = vector.broadcast %max3A_15 : vector<1024x1xf32> to vector<1024x128xf32>
    %div3A_16 = arith.divf %add3A, %div3A : vector<1024x128xf32>
    %get3A_17 = arith.constant 0 : index
    %get3A_18 = arith.constant 0 : index
    %get3A_19 = vector.load %arg4[%get3A_17, %get3A_18] : memref<128x128xf32, #tpu.memory_space<vmem>>, vector<128x128xf32>
    %dot_general3A = arith.constant dense<0.000000e+00> : vector<1024x128xf32>
    %dot_general3A_20 = tpu.matmul %div3A_16, %get3A_19, %dot_general3A {dimension_numbers = #tpu.dot_dimension_numbers<[1], [0], [0], [1], [0, 0, 1, 1], [], []>, transpose_lhs_hint = false} : vector<1024x128xf32>, vector<128x128xf32>, vector<1024x128xf32> -> vector<1024x128xf32>
    %get3A_21 = arith.constant 0 : index
    %get3A_22 = arith.constant 0 : index
    %get3A_23 = vector.load %arg3[%get3A_21, %get3A_22] : memref<1024x128xf32, #tpu.memory_space<vmem>>, vector<1024x128xf32>
    %get3A_24 = arith.constant 0 : index
    %get3A_25 = arith.constant 0 : index
    %get3A_26 = vector.load %arg6[%get3A_24, %get3A_25] : memref<128x128xf32, #tpu.memory_space<vmem>>, vector<128x128xf32>
    %dot_general3A_27 = arith.constant dense<0.000000e+00> : vector<1024x128xf32>
    %dot_general3A_28 = tpu.matmul %get3A_23, %get3A_26, %dot_general3A_27 {dimension_numbers = #tpu.dot_dimension_numbers<[1], [0], [0], [1], [0, 0, 1, 1], [], []>, transpose_lhs_hint = false} : vector<1024x128xf32>, vector<128x128xf32>, vector<1024x128xf32> -> vector<1024x128xf32>
    %add3A_29 = arith.addf %dot_general3A_20, %dot_general3A_28 : vector<1024x128xf32>
    %get3A_30 = arith.constant 0 : index
    %get3A_31 = arith.constant 0 : index
    %get3A_32 = vector.load %arg5[%get3A_30, %get3A_31] : memref<1x128xf32, #tpu.memory_space<vmem>>, vector<1x128xf32>
    %add3A_33 = vector.broadcast %get3A_32 : vector<1x128xf32> to vector<1024x128xf32>
    %add3A_34 = arith.addf %add3A_29, %add3A_33 : vector<1024x128xf32>
    %max3A_35 = arith.constant 0.000000e+00 : f32
    %max3A_36 = vector.broadcast %max3A_35 : f32 to vector<1024x128xf32>
    %max3A_37 = arith.maximumf %add3A_34, %max3A_36 : vector<1024x128xf32>
    %swap3A = arith.constant 0 : index
    %swap3A_38 = arith.constant 0 : index
    %swap3A_39 = vector.load %arg7[%swap3A, %swap3A_38] : memref<1024x128xf32, #tpu.memory_space<vmem>>, vector<1024x128xf32>
    tpu.vector_store %arg7[%swap3A, %swap3A_38], %max3A_37 {strides = array<i32>} : memref<1024x128xf32, #tpu.memory_space<vmem>>, vector<1024x128xf32>,
    return
  }
  func.func @transform_0(%arg0: i32) -> (i32, i32, i32) {
    %c0_i32 = arith.constant 0 : i32
    %c0_i32_0 = arith.constant 0 : i32
    %c0_i32_1 = arith.constant 0 : i32
    return %c0_i32, %arg0, %c0_i32_0 : i32, i32, i32
  }
  func.func @transform_1(%arg0: i32) -> (i32, i32, i32) {
    %c0_i32 = arith.constant 0 : i32
    %c0_i32_0 = arith.constant 0 : i32
    %c0_i32_1 = arith.constant 0 : i32
    return %c0_i32, %arg0, %c0_i32_0 : i32, i32, i32
  }
  func.func @transform_2(%arg0: i32) -> (i32, i32) {
    %c0_i32 = arith.constant 0 : i32
    %c0_i32_0 = arith.constant 0 : i32
    return %arg0, %c0_i32 : i32, i32
  }
  func.func @transform_3(%arg0: i32) -> (i32, i32) {
    %c0_i32 = arith.constant 0 : i32
    %c0_i32_0 = arith.constant 0 : i32
    %c0_i32_1 = arith.constant 0 : i32
    return %c0_i32, %c0_i32_0 : i32, i32
  }
  func.func @transform_4(%arg0: i32) -> (i32, i32) {
    %c0_i32 = arith.constant 0 : i32
    %c0_i32_0 = arith.constant 0 : i32
    %c0_i32_1 = arith.constant 0 : i32
    return %c0_i32, %c0_i32_0 : i32, i32
  }
  func.func @transform_5(%arg0: i32) -> (i32, i32) {
    %c0_i32 = arith.constant 0 : i32
    %c0_i32_0 = arith.constant 0 : i32
    %c0_i32_1 = arith.constant 0 : i32
    return %c0_i32, %c0_i32_0 : i32, i32
  }
  func.func @transform_6(%arg0: i32) -> (i32, i32) {
    %c0_i32 = arith.constant 0 : i32
    %c0_i32_0 = arith.constant 0 : i32
    return %arg0, %c0_i32 : i32, i32
  }
}

</mosaic_0001>

<sc_bundles>
// kernel: kernel.10.cloned.1.call-start
scs
__scs_entry_jumppad:
0x0: {  	(pc) =	sbr.rel $0x88, $3  }
0x1: {  	(tag) =	ssettag $0x0;
	lr =	simm.s32 $0x1  }
0x2: {  	[smem:$0x3F99] =	sst lr;
	_ =	strace $0xD0000000  }
0x3: {  	_ = 	snop  }
0x4: {  	_ = 	snop  }
0x5: {  	_ = 	snop  }
0x6: {  	_ = 	snop  }
0x7: {  	_ = 	snop  }
__scs_overlays_trampoline_lowered:
0x8: {  	[smem:$0x3FA8] =	sst s0  }
0x9: {  	[smem:$0x3FA9] =	sst s1  }
0xa: {  	[smem:$0x3FAA] =	sst s2  }
0xb: {  	[smem:$0x3FAB] =	sst s3  }
0xc: {  	[smem:$0x3FAC] =	sst s4  }
0xd: {  	[smem:$0x3FAD] =	sst s5  }
0xe: {  	[smem:$0x3FAE] =	sst s6  }
0xf: {  	[smem:$0x3FAF] =	sst s7  }
0x10: {  	[smem:$0x3FB0] =	sst s8  }
0x11: {  	[smem:$0x3FB1] =	sst s9;
	s0 =	simm.s32 @!p0 $0x0  }
0x12: {  	s1 =	sld [smem:$0x3F97];
	s0 =	simm.s32 @p0 $0x1  }
0x13: {  	[smem:$0x3FB2] =	sst s0;
	s0 =	simm.s32 @!p1 $0x0  }
0x14: {  	s2 =	sld [smem:$0x3F96];
	s0 =	simm.s32 @p1 $0x1  }
0x15: {  	[smem:$0x3FB3] =	sst s0;
	s0 =	simm.s32 @!p2 $0x0  }
0x16: {  	s3 =	sld [smem:$0x3FDB];
	s0 =	simm.s32 @p2 $0x1  }
0x17: {  	s4 =	simm.s32 $0x1BF5;
	[smem:$0x3FB5] =	sst s0  }
0x18: {  	s0 =	sld [smem:$0x3F98];
	_ =	swait.ge [sflag:s4], $0x0  }
0x19: {  	s7 =	sld [smem:$0x3F99]  }
0x1a: {  	s8 =	sadd.s32 $0xFFFFE003, lr  }
0x1b: {  	s9 =	sadd.s32 $0xFFFFFEF7, lr;
	s5 =	simm.s32 $0xFFFFFFFF;
	p2 =	slt.u32 s8, $0xFFFFF086  }
0x1c: {  	p1 =	slt.u32 s9, $0xF7A;
	s5 =	simm.s32 @!p2 $0x0  }
0x1d: {  	s5 =	simm.s32 @p1 $0x1;
	p0 =	seq.s32 s7, s2  }
0x1e: {  	s7 =	smul.u32 @!p0 $0xF7A, s2;
	p2 =	seq.s32 @!p0 s5, $0x0  }
0x1f: {  	s9 =	smul.u32 $0xF7A, s1;
	s8 =	simm.s32 @!p0 $0x1BF5;
	p2 =	por !p2, p0  }
0x20: {  	[sflag:s8] =	ssyncset.s32 @!p0 $0xFFFFF086;
	s6 =	sadd.s32 @!p0 s3, s7;
	s7 =	simm.s32 @!p0 $0x108  }
0x21: {  	s3 =	sadd.s32 s3, s9;
	s6 =	sadd.s32 @!p0 $0x88, s6;
	s7 =	simm.s32 @p2 $0x1082  }
0x22: {  	[simem:s7], [sflag:s8] =	dma.local @!p0 [hbm:s6], $0xF7A  }
0x23: {  	s9 =	sor.u32 $0xD0000000, s2;
	s6 =	simm.s32 $0x108;
	_ =	swait.ge @!p0 [sflag:s8], $0x0  }
0x24: {  	s3 =	sadd.s32 $0x88, s3;
	s6 =	simm.s32 @!p1 $0x1082;
	[sflag:s4] =	ssyncset.s32 $0xFFFFF086  }
0x25: {  	[simem:s6], [sflag:s4] =	dma.local [hbm:s3], $0xF7A  }
0x26: {  	[smem:$0x3F99] =	sst s1;
	(tag) =	ssettag s2;
	_ =	strace s9  }
0x27: {  	s1 =	sld [smem:$0x3FA9]  }
0x28: {  	s2 =	sld [smem:$0x3FAA]  }
0x29: {  	s4 =	sld [smem:$0x3FAC]  }
0x2a: {  	p0 =	seq.s32 s5, $0x0;
	s5 =	sld [smem:$0x3FAD]  }
0x2b: {  	s6 =	sld [smem:$0x3FAE]  }
0x2c: {  	s7 =	sld [smem:$0x3FAF]  }
0x2d: {  	s3 =	simm.s32 $0x108;
	s8 =	sld [smem:$0x3FB0]  }
0x2e: {  	s3 =	simm.s32 @!p0 $0x1082;
	s9 =	sld [smem:$0x3FB1]  }
0x2f: {  	lr =	sadd.s32 s0, s3;
	s0 =	sld [smem:$0x3FA8]  }
0x30: {  	s3 =	sld [smem:$0x3FAB]  }
0x31: {  	[smem:$0x3FB4] =	sst s10  }
0x32: {  	s10 =	sld [smem:$0x3FB2];
	_ =	sdelay $0x3  }
0x33: {  	p0 =	seq.s32 s10, $0x1;
	s10 =	sld [smem:$0x3FB4];
	_ =	sdelay $0x3  }
0x34: {  	[smem:$0x3FB4] =	sst s10  }
0x35: {  	s10 =	sld [smem:$0x3FB3];
	_ =	sdelay $0x3  }
0x36: {  	p1 =	seq.s32 s10, $0x1;
	s10 =	sld [smem:$0x3FB4];
	_ =	sdelay $0x3  }
0x37: {  	[smem:$0x3FB4] =	sst s10  }
0x38: {  	s10 =	sld [smem:$0x3FB5]  }
0x39: {  	_ = 	snop;
	(pc) =	sbr.ind lr, $3  }
0x3a: {  	_ = 	snop  }
0x3b: {  	_ = 	snop  }
0x3c: {  	p2 =	seq.s32 s10, $0x1;
	s10 =	sld [smem:$0x3FB4]  }
0x3d: {  	_ =	shalt  }
0x3e: {  	_ =	shalt  }
0x3f: {  	_ =	shalt  }
0x40: {  	_ =	shalt  }
0x41: {  	_ =	shalt  }
0x42: {  	_ =	shalt  }
0x43: {  	_ =	shalt  }
0x44: {  	_ =	shalt  }
0x45: {  	_ =	shalt  }
0x46: {  	_ =	shalt  }
0x47: {  	_ =	shalt  }
0x48: {  	_ =	shalt  }
0x49: {  	_ =	shalt  }
0x4a: {  	_ =	shalt  }
0x4b: {  	_ =	shalt  }
0x4c: {  	_ =	shalt  }
0x4d: {  	_ =	shalt  }
0x4e: {  	_ =	shalt  }
0x4f: {  	_ =	shalt  }
0x50: {  	_ =	shalt  }
0x51: {  	_ =	shalt  }
0x52: {  	_ =	shalt  }
0x53: {  	_ =	shalt  }
0x54: {  	_ =	shalt  }
0x55: {  	_ =	shalt  }
0x56: {  	_ =	shalt  }
0x57: {  	_ =	shalt  }
0x58: {  	_ =	shalt  }
0x59: {  	_ =	shalt  }
0x5a: {  	_ =	shalt  }
0x5b: {  	_ =	shalt  }
0x5c: {  	_ =	shalt  }
0x5d: {  	_ =	shalt  }
0x5e: {  	_ =	shalt  }
0x5f: {  	_ =	shalt  }
0x60: {  	_ =	shalt  }
0x61: {  	_ =	shalt  }
0x62: {  	_ =	shalt  }
0x63: {  	_ =	shalt  }
0x64: {  	_ =	shalt  }
0x65: {  	_ =	shalt  }
0x66: {  	_ =	shalt  }
0x67: {  	_ =	shalt  }
0x68: {  	_ =	shalt  }
0x69: {  	_ =	shalt  }
0x6a: {  	_ =	shalt  }
0x6b: {  	_ =	shalt  }
0x6c: {  	_ =	shalt  }
0x6d: {  	_ =	shalt  }
0x6e: {  	_ =	shalt  }
0x6f: {  	_ =	shalt  }
0x70: {  	_ =	shalt  }
0x71: {  	_ =	shalt  }
0x72: {  	_ =	shalt  }
0x73: {  	_ =	shalt  }
0x74: {  	_ =	shalt  }
0x75: {  	_ =	shalt  }
0x76: {  	_ =	shalt  }
0x77: {  	_ =	shalt  }
0x78: {  	_ =	shalt  }
0x79: {  	_ =	shalt  }
0x7a: {  	_ =	shalt  }
0x7b: {  	_ =	shalt  }
0x7c: {  	_ =	shalt  }
0x7d: {  	_ =	shalt  }
0x7e: {  	_ =	shalt  }
0x7f: {  	_ =	shalt  }
0x80: {  	_ =	shalt  }
0x81: {  	_ =	shalt  }
0x82: {  	_ =	shalt  }
0x83: {  	_ =	shalt  }
0x84: {  	_ =	shalt  }
0x85: {  	_ =	shalt  }
0x86: {  	_ =	shalt  }
0x87: {  	_ =	shalt  }
.Lfunc_end0:
.L_simem_size_0:
called_computation.1_lowered:
.L_overlay_start_0:
0x88: {  	s2 =	sld [smem:$0x3FD9]  }
0x89: {  	s3 =	sld [smem:$0x3FFE];
	_ =	sdelay $0x1  }
0x8a: {  	s1 =	srdreg.scid  }
0x8b: {  	s0 =	sand.u32 $0x1, s1  }
0x8c: {  	s17 =	sshll.u32 s0, $0xA;
	s2 =	sadd.s32 s3, s2  }
0x8d: {  	s2 =	sadd.s32 s2, s17  }
0x8e: {  	[smem:$0x3FC0] =	sst s2  }
0x8f: {  	_ = 	snop  }
0x90: {  	s2 =	sld [smem:$0x3FD0];
	(tm) =	ssettm $0x1  }
0x91: {  	s18 =	sld [smem:$0x3FFB];
	_ =	sdelay $0x3  }
0x92: {  	_ =	strace s18  }
0x93: {  	s3 =	sld [smem:$0x3FFC];
	_ =	sdelay $0x3  }
0x94: {  	_ =	strace s3  }
0x95: {  	s3 =	sld [smem:$0x3FFD];
	_ =	sdelay $0x3  }
0x96: {  	_ =	strace s3  }
0x97: {  	_ =	strace $0x8FFFFFFF  }
0x98: {  	s19 =	sld [smem:$0x3FDB];
	_ =	sdelay $0x1  }
0x99: {  	s4 =	simm.s32 $_scs_section_size  }
0x9a: {  	s5 =	simm.s32 $_size__tile_overlayer_lowered;
	s6 =	simm.s32 $_tile_overlayer_lowered  }
0x9b: {  	s22 =	simm.s32 $0x1BFF;
	s21 =	sshll.u32 s6, $0x1;
	s3 =	sadd.s32 s4, s19  }
0x9c: {  	s7 =	simm.s32 $0x0;
	s20 =	sshll.u32 s5, $0x1;
	s5 =	sadd.s32 s21, s3  }
0x9d: {  	[timem:s7], [sflag:s22] =	dma.local [hbm:s5], s20  }
0x9e: {  	_ =	swait.ge [sflag:s22], s20  }
0x9f: {  	s4 =	ssub.s32 $0x0, s20;
	[sflag:s22] =	ssyncset.done $0x0  }
0xa0: {  	[sflag:s22] =	ssyncadd.s32 s4;
	_ =	sdelay $0x1  }
0xa1: {  	s23 =	simm.s32 $0x1B8B  }
0xa2: {  	_ =	swait.ge [sflag:s23], $0x1  }
0xa3: {  	[sflag:s23] =	ssyncset.done $0x0  }
0xa4: {  	s25 =	simm.s32 $0x1B8E;
	s24 =	sld [smem:$0x3FFE];
	[sflag:s23] =	ssyncadd.s32 $0xFFFFFFFF  }
0xa5: {  	s26 =	simm.s32 $execute0_lowered;
	[smem:$0x3FD2] =	sst s25  }
0xa6: {  	s5 =	sshll.u32 s26, $0x1;
	_ =	strace $0x80000046;
	[dreg:$0x1] =	wrdreg $0xFFFFFFFF  }
0xa7: {  	s28 =	simm.s32 $_size_execute0_lowered;
	s3 =	sadd.s32 s3, s5;
	[dreg:$0x0] =	wrdreg $0x0  }
0xa8: {  	s5 =	sshll.u32 s28, $0x1;
	[dreg:$0x2] =	wrdreg s3  }
0xa9: {  	[dreg:$0x3] =	wrdreg s5  }
0xaa: {  	[dreg:$0x4] =	wrdreg $0xC0  }
0xab: {  	_ =	task [dreg:s7], $0x5FFFF  }
0xac: {  	[dreg:$0x1] =	wrdreg $0xFFFFFFFF  }
0xad: {  	[dreg:$0x0] =	wrdreg $0x60  }
0xae: {  	[dreg:$0x2] =	wrdreg s24  }
0xaf: {  	[dreg:$0x3] =	wrdreg s2  }
0xb0: {  	[dreg:$0x4] =	wrdreg $0xA0000  }
0xb1: {  	[dreg:$0x5] =	wrdreg $0xA  }
0xb2: {  	_ =	task.clear_ibuf [dreg:s7], $0x6FFFF;
	_ =	strace $0x90000046  }
0xb3: {  	s29 =	simm.s32 $0xA;
	_ =	strace $0x80000048  }
0xb4: {  	_ =	swait.ge [sflag:s29], $0x1  }
0xb5: {  	[sflag:s29] =	ssyncadd.s32 $0xFFFFFFFF  }
0xb6: {  	_ =	strace $0x90000048  }
0xb7: {  	_ =	sfence  }
0xb8: {  	s30 =	sld [smem:$0x0];
	_ =	sdelay $0x2  }
0xb9: {  	s31 =	sshll.u32 s1, $0xD;
	s1 =	sshrl.u32 s1, $0x2  }
0xba: {  	s3 =	sand.u32 $0x4000, s31;
	s1 =	sadd.s32 s1, s30  }
0xbb: {  	s0 =	sor.u32 s3, s0;
	s1 =	sshll.u32 s1, $0x11  }
0xbc: {  	s0 =	sor.u32 s1, s0  }
0xbd: {  	s0 =	sadd.s32 $0x8F2B, s0  }
0xbe: {  	[sflag:s0] =	ssyncadd.remote.s32 $0x1  }
0xbf: {  	_ =	sfence.sel $0xFFFF  }
0xc0: {  	[dreg:$0x0] =	wrdreg $0xFFFFFFFF;
	(pc) =	sbr.abs _section_cstart, $3  }
0xc1: {  	[dreg:$0x1] =	wrdreg $0xFFFFFFFF  }
0xc2: {  	_ =	task.clear_ibuf [dreg:s7], $0x2FFFF;
	_ =	strace $0x9FFFFFFF  }
0xc3: {  	(tm) =	ssettm $0x7FFFFFFF  }
tec
execute0_lowered:
.L_overlay_start_1:
0x0: {  	(tag) =	ssettag $0x1  }
0x1: {  	s5 =	rddreg [dreg:$0x0]  }
0x2: {  	s19 =	rddreg [dreg:$0x1]  }
0x3: {  	s1 =	rddreg [dreg:$0x2];
	s3 =	simm.s32 $0x0  }
0x4: {  	s4 =	srdreg.scid;
	s2 =	stileid.u32;
	s21 =	simm.s32 $0x3  }
0x5: {  	s22 =	simm.s32 $0x1000;
	s23 =	simm.s32 $0x80;
	s24 =	simm.s32 $0x6000  }
0x6: {  	s25 =	simm.s32 $0x1;
	s26 =	simm.s32 $0x2;
	s28 =	simm.s32 $0x0  }
0x7: {  	[smem:$0x7FF] =	sst s3;
	s9 =	sand.u32 $0x1, s4;
	s6 =	smul.u32 $0x50000, s2  }
0x8: {  	s4 =	sadd.s32 $0xC400, s5;
	s10 =	smul.u32 $0x14000, s2;
	s18 =	sadd.s32 $0x2400, s5  }
0x9: {  	s14 =	sadd.s32 $0x34400, s5;
	_ =	strace $0x80000047;
	s7 =	ssub.s32 $0x2, s9  }
0xa: {  	s16 =	smul.u32 $0x140000, s9;
	s20 =	sshll.u32 s9, $0x4;
	s29 =	sshrl.u32 s7, $0x1  }
0xb: {  	s30 =	sshrl.u32 s6, $0x2;
	s11 =	sadd.s32 $0x4000, s10;
	s12 =	sadd.s32 $0x8000, s10  }
0xc: {  	s13 =	sadd.s32 $0xC000, s10;
	s17 =	sadd.s32 $0x10000, s10;
	s20 =	sor.u32 s2, s20  }
0xd: {  	s15 =	ssub.s32 s7, s29;
	s5 =	sadd.s32 s30, s1;
	s6 =	sadd.s32 s11, s1  }
0xe: {  	s7 =	sadd.s32 s12, s1;
	s8 =	sadd.s32 s13, s1;
	s9 =	sadd.s32 s17, s1  }
0xf: {  	s10 =	sadd.s32 s10, s16;
	s20 =	smul.u32 $0x2800, s20;
	s11 =	sadd.s32 s16, s11  }
0x10: {  	s12 =	sadd.s32 s16, s12;
	s13 =	sadd.s32 s16, s13;
	s16 =	sadd.s32 s16, s17  }
0x11: {  	s10 =	sshrl.u32 s10, $0x3;
	s11 =	sshrl.u32 s11, $0x3;
	s12 =	sshrl.u32 s12, $0x3  }
0x12: {  	s13 =	sshrl.u32 s13, $0x3;
	s16 =	sshrl.u32 s16, $0x3;
	s15 =	smax.u32 s15, $0x1  }
0x13: {  	s10 =	sadd.s32 s14, s10;
	s11 =	sadd.s32 s14, s11;
	s12 =	sadd.s32 s14, s12  }
0x14: {  	s13 =	sadd.s32 s14, s13;
	s31 =	sshrl.u32 s20, $0x3;
	s14 =	sadd.s32 s14, s16  }
0x15: {  	s20 =	sadd.s32 $0x200, s31;
	s16 =	sadd.s32 s18, s31;
	s17 =	sadd.s32 s19, s31  }
0x16: {  	v0 =	vimm.f32 $0.0e+00;
	s18 =	sadd.s32 s18, s20;
	s19 =	sadd.s32 s19, s20;
	s20 =	simm.s32 $0x2000  }
.LBB2_1:
0x17: {  	s29 =	sand.u32 $0xFE00, s3  }
0x18: {  	s30 =	sand.u32 $0x70, s3;
	s31 =	sshrl.u32 s29, $0x2  }
0x19: {  	s29 =	simm.s32 $0x40;
	s31 =	sor.u32 s30, s31;
	s30 =	simm.s32 $0x0  }
.LBB2_2:
0x1a: {  	p0 =	sne.s32 s29, $0xFFC0  }
0x1b: {  	[tilespmem:s31+$0x2000] =	vst v0;
	s30 =	sadd.s32 $0x10, s30;
	s31 =	smov.u32 s29;
	s29 =	sadd.s32 $0x40, s29  }
.Ltmp0:
0x1c: {  	(pc) =	sbr.rel @p0 .LBB2_2-.Ltmp0, $4  }
0x1d: {  	_ = 	snop  }
0x1e: {  	s31 =	sand.u32 $0xFE00, s31  }
0x1f: {  	s0 =	sand.u32 $0x70, s30;
	s31 =	sshrl.u32 s31, $0x2  }
0x20: {  	s31 =	sor.u32 s0, s31  }
0x21: {  	[tilespmem:s31+$0x2000] =	vst v0  }
0x22: {  	[spmem:s5] =	stream.linear.scatter [tilespmem:s20], [sflag:$0x3], $0x4000, $0x38;
	[tilespmem:$0x1E000] =	vst v63  }
0x23: {  	_ =	swait.ge [sflag:s21], $0x4000  }
0x24: {  	[sflag:s21] =	ssyncset.done $0x0  }
0x25: {  	[sflag:s21] =	ssyncadd.s32 $0xFFFFC000  }
0x26: {  	[spmem:s6] =	stream.linear.scatter [tilespmem:s20], [sflag:$0x3], $0x4000, $0x38;
	[tilespmem:$0x1E000] =	vst v63  }
0x27: {  	_ =	swait.ge [sflag:s21], $0x4000  }
0x28: {  	[sflag:s21] =	ssyncset.done $0x0  }
0x29: {  	[sflag:s21] =	ssyncadd.s32 $0xFFFFC000  }
0x2a: {  	[spmem:s7] =	stream.linear.scatter [tilespmem:s20], [sflag:$0x3], $0x4000, $0x38;
	[tilespmem:$0x1E000] =	vst v63  }
0x2b: {  	_ =	swait.ge [sflag:s21], $0x4000  }
0x2c: {  	[sflag:s21] =	ssyncset.done $0x0  }
0x2d: {  	[sflag:s21] =	ssyncadd.s32 $0xFFFFC000  }
0x2e: {  	[spmem:s8] =	stream.linear.scatter [tilespmem:s20], [sflag:$0x3], $0x4000, $0x38;
	[tilespmem:$0x1E000] =	vst v63  }
0x2f: {  	_ =	swait.ge [sflag:s21], $0x4000  }
0x30: {  	[sflag:s21] =	ssyncset.done $0x0  }
0x31: {  	[sflag:s21] =	ssyncadd.s32 $0xFFFFC000  }
0x32: {  	[spmem:s9] =	stream.linear.scatter [tilespmem:s20], [sflag:$0x3], $0x4000, $0x38;
	[tilespmem:$0x1E000] =	vst v63  }
0x33: {  	_ =	swait.ge [sflag:s21], $0x4000  }
0x34: {  	[sflag:s21] =	ssyncset.done $0x0  }
0x35: {  	[sflag:s21] =	ssyncadd.s32 $0xFFFFC000  }
0x36: {  	s0 =	simm.s32 $0x0;
	[bflag:$0x0] =	sbarrier.arrive $0xFFFF  }
0x37: {  	[tilespmem:s0], [sflag:$0x3] =	stream.linear.gather [hbm4b:s16+s0], $0x1000, $0x38;
	[tilespmem:$0x1E000] =	vst v63  }
0x38: {  	_ =	swait.ge [sflag:s21], $0x1000  }
0x39: {  	[sflag:s21] =	ssyncset.done $0x0  }
0x3a: {  	[sflag:s21] =	ssyncadd.s32 $0xFFFFF000  }
0x3b: {  	[tilespmem:s22], [sflag:$0x3] =	stream.linear.gather [hbm4b:s17+s0], $0x1000, $0x38;
	[tilespmem:$0x1E000] =	vst v63  }
0x3c: {  	_ =	swait.ge [sflag:s21], $0x1000  }
0x3d: {  	[sflag:s21] =	ssyncset.done $0x0  }
0x3e: {  	s31 =	simm.s32 $0x0;
	[sflag:s21] =	ssyncadd.s32 $0xFFFFF000  }
0x3f: {  	[tilespmem:s20], [sflag:$0x1] =	stream.indirect.gather [hbm4b:s4+s23], $0x80, s31, s23, $0xb8;
	[tilespmem:$0x1E000] =	vst v63  }
0x40: {  	s31 =	simm.s32 $0x80  }
0x41: {  	[tilespmem:s24], [sflag:$0x2] =	stream.indirect.gather [hbm4b:s4+s23], $0x80, s31, s23, $0xb8;
	[tilespmem:$0x1E000] =	vst v63  }
0x42: {  	_ =	swait.ge [sflag:s25], $0x4000  }
0x43: {  	[sflag:s25] =	ssyncset.done $0x0  }
0x44: {  	s31 =	simm.s32 $0x1000;
	[sflag:s25] =	ssyncadd.s32 $0xFFFFC000  }
0x45: {  	[spmem:s1] =	stream.indirect.scatter.add.f32 [tilespmem:s20], [sflag:$0x3], $0x80, s31, s23, $0xb8;
	[tilespmem:$0x1E000] =	vst v63  }
0x46: {  	_ =	swait.ge [sflag:s21], $0x4000  }
0x47: {  	[sflag:s21] =	ssyncset.done $0x0  }
0x48: {  	[sflag:s21] =	ssyncadd.s32 $0xFFFFC000  }
0x49: {  	_ =	swait.ge [sflag:s26], $0x4000  }
0x4a: {  	[sflag:s26] =	ssyncset.done $0x0  }
0x4b: {  	s31 =	simm.s32 $0x1080;
	[sflag:s26] =	ssyncadd.s32 $0xFFFFC000  }
0x4c: {  	[spmem:s1] =	stream.indirect.scatter.add.f32 [tilespmem:s24], [sflag:$0x3], $0x80, s31, s23, $0xb8;
	[tilespmem:$0x1E000] =	vst v63  }
0x4d: {  	_ =	swait.ge [sflag:s21], $0x4000  }
0x4e: {  	s29 =	simm.s32 $0x400;
	s30 =	simm.s32 $0x800;
	[sflag:s21] =	ssyncset.done $0x0  }
.LBB2_4:
0x4f: {  	s0 =	sshra.s32 s29, $0x2  }
0x50: {  	[sflag:s21] =	ssyncadd.s32 $0xFFFFC000;
	s29 =	smov.u32 s30;
	s31 =	sadd.s32 $0x400, s30  }
0x51: {  	[tilespmem:s20], [sflag:$0x1] =	stream.indirect.gather [hbm4b:s4+s23], $0x80, s0, s23, $0xb8;
	[tilespmem:$0x1E000] =	vst v63  }
0x52: {  	p0 =	sne.s32 s30, $0x3C00;
	s30 =	sadd.s32 $0x80, s0  }
0x53: {  	[tilespmem:s24], [sflag:$0x2] =	stream.indirect.gather [hbm4b:s4+s23], $0x80, s30, s23, $0xb8;
	[tilespmem:$0x1E000] =	vst v63  }
0x54: {  	_ =	swait.ge [sflag:s25], $0x4000  }
0x55: {  	[sflag:s25] =	ssyncset.done $0x0  }
0x56: {  	s30 =	sadd.s32 $0x1000, s0;
	[sflag:s25] =	ssyncadd.s32 $0xFFFFC000  }
0x57: {  	[spmem:s1] =	stream.indirect.scatter.add.f32 [tilespmem:s20], [sflag:$0x3], $0x80, s30, s23, $0xb8;
	[tilespmem:$0x1E000] =	vst v63  }
0x58: {  	_ =	swait.ge [sflag:s21], $0x4000  }
0x59: {  	[sflag:s21] =	ssyncset.done $0x0  }
0x5a: {  	[sflag:s21] =	ssyncadd.s32 $0xFFFFC000  }
0x5b: {  	_ =	swait.ge [sflag:s26], $0x4000  }
.Ltmp1:
0x5c: {  	[sflag:s26] =	ssyncset.done $0x0;
	(pc) =	sbr.rel @p0 .LBB2_4-.Ltmp1, $4  }
0x5d: {  	s0 =	sadd.s32 $0x1080, s0;
	[sflag:s26] =	ssyncadd.s32 $0xFFFFC000  }
0x5e: {  	[spmem:s1] =	stream.indirect.scatter.add.f32 [tilespmem:s24], [sflag:$0x3], $0x80, s0, s23, $0xb8;
	[tilespmem:$0x1E000] =	vst v63  }
0x5f: {  	_ =	swait.ge [sflag:s21], $0x4000  }
0x60: {  	s30 =	smov.u32 s31;
	[sflag:s21] =	ssyncset.done $0x0  }
0x61: {  	s0 =	sshra.s32 s29, $0x2;
	[sflag:s21] =	ssyncadd.s32 $0xFFFFC000  }
0x62: {  	[tilespmem:s20], [sflag:$0x1] =	stream.indirect.gather [hbm4b:s4+s23], $0x80, s0, s23, $0xb8;
	[tilespmem:$0x1E000] =	vst v63  }
0x63: {  	s29 =	sadd.s32 $0x80, s0  }
0x64: {  	[tilespmem:s24], [sflag:$0x2] =	stream.indirect.gather [hbm4b:s4+s23], $0x80, s29, s23, $0xb8;
	[tilespmem:$0x1E000] =	vst v63  }
0x65: {  	_ =	swait.ge [sflag:s25], $0x4000  }
0x66: {  	[sflag:s25] =	ssyncset.done $0x0  }
0x67: {  	s29 =	sadd.s32 $0x1000, s0;
	[sflag:s25] =	ssyncadd.s32 $0xFFFFC000  }
0x68: {  	[spmem:s1] =	stream.indirect.scatter.add.f32 [tilespmem:s20], [sflag:$0x3], $0x80, s29, s23, $0xb8;
	[tilespmem:$0x1E000] =	vst v63  }
0x69: {  	_ =	swait.ge [sflag:s21], $0x4000  }
0x6a: {  	[sflag:s21] =	ssyncset.done $0x0  }
0x6b: {  	[sflag:s21] =	ssyncadd.s32 $0xFFFFC000  }
0x6c: {  	_ =	swait.ge [sflag:s26], $0x4000  }
0x6d: {  	[sflag:s26] =	ssyncset.done $0x0  }
0x6e: {  	s0 =	sadd.s32 $0x1080, s0;
	[sflag:s26] =	ssyncadd.s32 $0xFFFFC000  }
0x6f: {  	[spmem:s1] =	stream.indirect.scatter.add.f32 [tilespmem:s24], [sflag:$0x3], $0x80, s0, s23, $0xb8;
	[tilespmem:$0x1E000] =	vst v63  }
0x70: {  	_ =	swait.ge [sflag:s21], $0x4000  }
0x71: {  	[sflag:s21] =	ssyncset.done $0x0  }
0x72: {  	s31 =	simm.s32 $0x0;
	[sflag:s21] =	ssyncadd.s32 $0xFFFFC000  }
0x73: {  	[tilespmem:s31], [sflag:$0x3] =	stream.linear.gather [hbm4b:s18+s31], $0x1000, $0x38;
	[tilespmem:$0x1E000] =	vst v63  }
0x74: {  	_ =	swait.ge [sflag:s21], $0x1000  }
0x75: {  	[sflag:s21] =	ssyncset.done $0x0  }
0x76: {  	[sflag:s21] =	ssyncadd.s32 $0xFFFFF000  }
0x77: {  	[tilespmem:s22], [sflag:$0x3] =	stream.linear.gather [hbm4b:s19+s31], $0x1000, $0x38;
	[tilespmem:$0x1E000] =	vst v63  }
0x78: {  	_ =	swait.ge [sflag:s21], $0x1000  }
0x79: {  	[sflag:s21] =	ssyncset.done $0x0  }
0x7a: {  	s31 =	simm.s32 $0x0;
	[sflag:s21] =	ssyncadd.s32 $0xFFFFF000  }
0x7b: {  	[tilespmem:s20], [sflag:$0x1] =	stream.indirect.gather [hbm4b:s4+s23], $0x80, s31, s23, $0xb8;
	[tilespmem:$0x1E000] =	vst v63  }
0x7c: {  	s31 =	simm.s32 $0x80  }
0x7d: {  	[tilespmem:s24], [sflag:$0x2] =	stream.indirect.gather [hbm4b:s4+s23], $0x80, s31, s23, $0xb8;
	[tilespmem:$0x1E000] =	vst v63  }
0x7e: {  	_ =	swait.ge [sflag:s25], $0x4000  }
0x7f: {  	[sflag:s25] =	ssyncset.done $0x0  }
0x80: {  	s31 =	simm.s32 $0x1000;
	[sflag:s25] =	ssyncadd.s32 $0xFFFFC000  }
0x81: {  	[spmem:s1] =	stream.indirect.scatter.add.f32 [tilespmem:s20], [sflag:$0x3], $0x80, s31, s23, $0xb8;
	[tilespmem:$0x1E000] =	vst v63  }
0x82: {  	_ =	swait.ge [sflag:s21], $0x4000  }
0x83: {  	[sflag:s21] =	ssyncset.done $0x0  }
0x84: {  	[sflag:s21] =	ssyncadd.s32 $0xFFFFC000  }
0x85: {  	_ =	swait.ge [sflag:s26], $0x4000  }
0x86: {  	[sflag:s26] =	ssyncset.done $0x0  }
0x87: {  	s31 =	simm.s32 $0x1080;
	[sflag:s26] =	ssyncadd.s32 $0xFFFFC000  }
0x88: {  	[spmem:s1] =	stream.indirect.scatter.add.f32 [tilespmem:s24], [sflag:$0x3], $0x80, s31, s23, $0xb8;
	[tilespmem:$0x1E000] =	vst v63  }
0x89: {  	_ =	swait.ge [sflag:s21], $0x4000  }
0x8a: {  	s30 =	simm.s32 $0x800;
	s29 =	simm.s32 $0x400;
	[sflag:s21] =	ssyncset.done $0x0  }
.LBB2_6:
0x8b: {  	s0 =	sshra.s32 s29, $0x2  }
0x8c: {  	[sflag:s21] =	ssyncadd.s32 $0xFFFFC000;
	s29 =	smov.u32 s30;
	s31 =	sadd.s32 $0x400, s30  }
0x8d: {  	[tilespmem:s20], [sflag:$0x1] =	stream.indirect.gather [hbm4b:s4+s23], $0x80, s0, s23, $0xb8;
	[tilespmem:$0x1E000] =	vst v63  }
0x8e: {  	p0 =	sne.s32 s30, $0x3C00;
	s30 =	sadd.s32 $0x80, s0  }
0x8f: {  	[tilespmem:s24], [sflag:$0x2] =	stream.indirect.gather [hbm4b:s4+s23], $0x80, s30, s23, $0xb8;
	[tilespmem:$0x1E000] =	vst v63  }
0x90: {  	_ =	swait.ge [sflag:s25], $0x4000  }
0x91: {  	[sflag:s25] =	ssyncset.done $0x0  }
0x92: {  	s30 =	sadd.s32 $0x1000, s0;
	[sflag:s25] =	ssyncadd.s32 $0xFFFFC000  }
0x93: {  	[spmem:s1] =	stream.indirect.scatter.add.f32 [tilespmem:s20], [sflag:$0x3], $0x80, s30, s23, $0xb8;
	[tilespmem:$0x1E000] =	vst v63  }
0x94: {  	_ =	swait.ge [sflag:s21], $0x4000  }
0x95: {  	[sflag:s21] =	ssyncset.done $0x0  }
0x96: {  	[sflag:s21] =	ssyncadd.s32 $0xFFFFC000  }
0x97: {  	_ =	swait.ge [sflag:s26], $0x4000  }
.Ltmp2:
0x98: {  	[sflag:s26] =	ssyncset.done $0x0;
	(pc) =	sbr.rel @p0 .LBB2_6-.Ltmp2, $4  }
0x99: {  	s0 =	sadd.s32 $0x1080, s0;
	[sflag:s26] =	ssyncadd.s32 $0xFFFFC000  }
0x9a: {  	[spmem:s1] =	stream.indirect.scatter.add.f32 [tilespmem:s24], [sflag:$0x3], $0x80, s0, s23, $0xb8;
	[tilespmem:$0x1E000] =	vst v63  }
0x9b: {  	_ =	swait.ge [sflag:s21], $0x4000  }
0x9c: {  	s30 =	smov.u32 s31;
	[sflag:s21] =	ssyncset.done $0x0  }
0x9d: {  	s0 =	sshra.s32 s29, $0x2;
	[sflag:s21] =	ssyncadd.s32 $0xFFFFC000  }
0x9e: {  	[tilespmem:s20], [sflag:$0x1] =	stream.indirect.gather [hbm4b:s4+s23], $0x80, s0, s23, $0xb8;
	[tilespmem:$0x1E000] =	vst v63  }
0x9f: {  	s29 =	sadd.s32 $0x80, s0  }
0xa0: {  	[tilespmem:s24], [sflag:$0x2] =	stream.indirect.gather [hbm4b:s4+s23], $0x80, s29, s23, $0xb8;
	[tilespmem:$0x1E000] =	vst v63  }
0xa1: {  	_ =	swait.ge [sflag:s25], $0x4000  }
0xa2: {  	[sflag:s25] =	ssyncset.done $0x0  }
0xa3: {  	s31 =	sadd.s32 $0x1000, s0;
	[sflag:s25] =	ssyncadd.s32 $0xFFFFC000  }
0xa4: {  	[spmem:s1] =	stream.indirect.scatter.add.f32 [tilespmem:s20], [sflag:$0x3], $0x80, s31, s23, $0xb8;
	[tilespmem:$0x1E000] =	vst v63  }
0xa5: {  	_ =	swait.ge [sflag:s21], $0x4000  }
0xa6: {  	[sflag:s21] =	ssyncset.done $0x0  }
0xa7: {  	[sflag:s21] =	ssyncadd.s32 $0xFFFFC000  }
0xa8: {  	_ =	swait.ge [sflag:s26], $0x4000  }
0xa9: {  	[sflag:s26] =	ssyncset.done $0x0  }
0xaa: {  	s0 =	sadd.s32 $0x1080, s0;
	[sflag:s26] =	ssyncadd.s32 $0xFFFFC000  }
0xab: {  	[spmem:s1] =	stream.indirect.scatter.add.f32 [tilespmem:s24], [sflag:$0x3], $0x80, s0, s23, $0xb8;
	[tilespmem:$0x1E000] =	vst v63  }
0xac: {  	_ =	swait.ge [sflag:s21], $0x4000  }
0xad: {  	[sflag:s21] =	ssyncset.done $0x0  }
0xae: {  	[sflag:s21] =	ssyncadd.s32 $0xFFFFC000  }
0xaf: {  	[bflag:$0x0] =	sbarrier.arrive $0xFFFF  }
0xb0: {  	[tilespmem:s20], [sflag:$0x3] =	stream.linear.gather [spmem:s5], $0x4000, $0x38;
	[tilespmem:$0x1E000] =	vst v63  }
0xb1: {  	_ =	swait.ge [sflag:s21], $0x4000  }
0xb2: {  	[sflag:s21] =	ssyncset.done $0x0  }
0xb3: {  	[sflag:s21] =	ssyncadd.s32 $0xFFFFC000  }
0xb4: {  	[hbm4b:s10+s3] =	stream.linear.scatter [tilespmem:s20], [sflag:$0x3], $0x4000, $0x38;
	[tilespmem:$0x1E000] =	vst v63  }
0xb5: {  	_ =	swait.ge [sflag:s21], $0x4000  }
0xb6: {  	[sflag:s21] =	ssyncset.done $0x0  }
0xb7: {  	[sflag:s21] =	ssyncadd.s32 $0xFFFFC000  }
0xb8: {  	[tilespmem:s20], [sflag:$0x3] =	stream.linear.gather [spmem:s6], $0x4000, $0x38;
	[tilespmem:$0x1E000] =	vst v63  }
0xb9: {  	_ =	swait.ge [sflag:s21], $0x4000  }
0xba: {  	[sflag:s21] =	ssyncset.done $0x0  }
0xbb: {  	[sflag:s21] =	ssyncadd.s32 $0xFFFFC000  }
0xbc: {  	[hbm4b:s11+s3] =	stream.linear.scatter [tilespmem:s20], [sflag:$0x3], $0x4000, $0x38;
	[tilespmem:$0x1E000] =	vst v63  }
0xbd: {  	_ =	swait.ge [sflag:s21], $0x4000  }
0xbe: {  	[sflag:s21] =	ssyncset.done $0x0  }
0xbf: {  	[sflag:s21] =	ssyncadd.s32 $0xFFFFC000  }
0xc0: {  	[tilespmem:s20], [sflag:$0x3] =	stream.linear.gather [spmem:s7], $0x4000, $0x38;
	[tilespmem:$0x1E000] =	vst v63  }
0xc1: {  	_ =	swait.ge [sflag:s21], $0x4000  }
0xc2: {  	[sflag:s21] =	ssyncset.done $0x0  }
0xc3: {  	[sflag:s21] =	ssyncadd.s32 $0xFFFFC000  }
0xc4: {  	[hbm4b:s12+s3] =	stream.linear.scatter [tilespmem:s20], [sflag:$0x3], $0x4000, $0x38;
	[tilespmem:$0x1E000] =	vst v63  }
0xc5: {  	_ =	swait.ge [sflag:s21], $0x4000  }
0xc6: {  	[sflag:s21] =	ssyncset.done $0x0  }
0xc7: {  	[sflag:s21] =	ssyncadd.s32 $0xFFFFC000  }
0xc8: {  	[tilespmem:s20], [sflag:$0x3] =	stream.linear.gather [spmem:s8], $0x4000, $0x38;
	[tilespmem:$0x1E000] =	vst v63  }
0xc9: {  	_ =	swait.ge [sflag:s21], $0x4000  }
0xca: {  	[sflag:s21] =	ssyncset.done $0x0  }
0xcb: {  	[sflag:s21] =	ssyncadd.s32 $0xFFFFC000  }
0xcc: {  	[hbm4b:s13+s3] =	stream.linear.scatter [tilespmem:s20], [sflag:$0x3], $0x4000, $0x38;
	[tilespmem:$0x1E000] =	vst v63  }
0xcd: {  	_ =	swait.ge [sflag:s21], $0x4000  }
0xce: {  	[sflag:s21] =	ssyncset.done $0x0  }
0xcf: {  	[sflag:s21] =	ssyncadd.s32 $0xFFFFC000  }
0xd0: {  	[tilespmem:s20], [sflag:$0x3] =	stream.linear.gather [spmem:s9], $0x4000, $0x38;
	[tilespmem:$0x1E000] =	vst v63  }
0xd1: {  	s28 =	sadd.s32 $0x1, s28;
	_ =	swait.ge [sflag:s21], $0x4000  }
0xd2: {  	p0 =	sne.s32 s28, s15;
	[sflag:s21] =	ssyncset.done $0x0  }
.Ltmp3:
0xd3: {  	[sflag:s21] =	ssyncadd.s32 $0xFFFFC000;
	(pc) =	sbr.rel @p0 .LBB2_1-.Ltmp3, $4  }
0xd4: {  	[hbm4b:s14+s3] =	stream.linear.scatter [tilespmem:s20], [sflag:$0x3], $0x4000, $0x38;
	[tilespmem:$0x1E000] =	vst v63  }
0xd5: {  	_ =	swait.ge [sflag:s21], $0x4000  }
0xd6: {  	[sflag:s21] =	ssyncset.done $0x0  }
0xd7: {  	[sflag:s21] =	ssyncadd.s32 $0xFFFFC000  }
0xd8: {  	_ =	sfence.sel $0x180000  }
0xd9: {  	[bflag:$0x0] =	sbarrier.arrive $0xFFFF  }
0xda: {  	_ =	strace $0x90000047  }
0xdb: {  	[bflag:$0x2] =	sbarrier.arrive $0xFFFF  }
0xdc: {  	p0 =	sne.s32 s2, $0x0;
	s0 =	rddreg [dreg:$0x3]  }
0xdd: {  	s0 =	sadd.s32 @!p0 $0x100000, s0  }
0xde: {  	[sflag:s0] =	ssyncadd.tile.s32 @!p0 $0x1;
	_ =	shalt  }
.Lfunc_end2:
_tile_overlayer_lowered:
.L_overlay_start_2:
0xdf: {  	(tag) =	ssettag $0x2  }
0xe0: {  	s0 =	rddreg [dreg:$0x0];
	s2 =	stileid.u32  }
0xe1: {  	s1 =	rddreg [dreg:$0x1];
	p0 =	sne.s32 s2, $0x0  }
0xe2: {  	s3 =	rddreg [dreg:$0x2];
	[bflag:$0x3] =	sbarrier.arrive $0xFFFF;
	s2 =	simm.s32 @!p0 $0x1C03  }
0xe3: {  	[timem:s3], [sflag:s2] =	dma.local @!p0 [hbm:s0], s1  }
0xe4: {  	s0 =	simm.s32 @!p0 $0x3  }
0xe5: {  	_ =	swait.ge @!p0 [sflag:s0], s1  }
0xe6: {  	s1 =	ssub.s32 @!p0 $0x0, s1;
	[sflag:s0] =	ssyncset.done @!p0 $0x0  }
0xe7: {  	[sflag:s0] =	ssyncadd.s32 @!p0 s1  }
0xe8: {  	[bflag:$0x3] =	sbarrier.arrive $0xFFFF  }
0xe9: {  	_ =	shalt  }

// kernel: kernel.13.cloned.1.call-start
scs
__scs_entry_jumppad:
0x0: {  	(pc) =	sbr.rel $0x88, $3  }
0x1: {  	(tag) =	ssettag $0x0;
	lr =	simm.s32 $0x1  }
0x2: {  	[smem:$0x3F99] =	sst lr;
	_ =	strace $0xD0000000  }
0x3: {  	_ = 	snop  }
0x4: {  	_ = 	snop  }
0x5: {  	_ = 	snop  }
0x6: {  	_ = 	snop  }
0x7: {  	_ = 	snop  }
__scs_overlays_trampoline_lowered:
0x8: {  	[smem:$0x3FA8] =	sst s0  }
0x9: {  	[smem:$0x3FA9] =	sst s1  }
0xa: {  	[smem:$0x3FAA] =	sst s2  }
0xb: {  	[smem:$0x3FAB] =	sst s3  }
0xc: {  	[smem:$0x3FAC] =	sst s4  }
0xd: {  	[smem:$0x3FAD] =	sst s5  }
0xe: {  	[smem:$0x3FAE] =	sst s6  }
0xf: {  	[smem:$0x3FAF] =	sst s7  }
0x10: {  	[smem:$0x3FB0] =	sst s8  }
0x11: {  	[smem:$0x3FB1] =	sst s9;
	s0 =	simm.s32 @!p0 $0x0  }
0x12: {  	s1 =	sld [smem:$0x3F97];
	s0 =	simm.s32 @p0 $0x1  }
0x13: {  	[smem:$0x3FB2] =	sst s0;
	s0 =	simm.s32 @!p1 $0x0  }
0x14: {  	s2 =	sld [smem:$0x3F96];
	s0 =	simm.s32 @p1 $0x1  }
0x15: {  	[smem:$0x3FB3] =	sst s0;
	s0 =	simm.s32 @!p2 $0x0  }
0x16: {  	s3 =	sld [smem:$0x3FDB];
	s0 =	simm.s32 @p2 $0x1  }
0x17: {  	s4 =	simm.s32 $0x1BF5;
	[smem:$0x3FB5] =	sst s0  }
0x18: {  	s0 =	sld [smem:$0x3F98];
	_ =	swait.ge [sflag:s4], $0x0  }
0x19: {  	s7 =	sld [smem:$0x3F99]  }
0x1a: {  	s8 =	sadd.s32 $0xFFFFE003, lr  }
0x1b: {  	s9 =	sadd.s32 $0xFFFFFEF7, lr;
	s5 =	simm.s32 $0xFFFFFFFF;
	p2 =	slt.u32 s8, $0xFFFFF086  }
0x1c: {  	p1 =	slt.u32 s9, $0xF7A;
	s5 =	simm.s32 @!p2 $0x0  }
0x1d: {  	s5 =	simm.s32 @p1 $0x1;
	p0 =	seq.s32 s7, s2  }
0x1e: {  	s7 =	smul.u32 @!p0 $0xF7A, s2;
	p2 =	seq.s32 @!p0 s5, $0x0  }
0x1f: {  	s9 =	smul.u32 $0xF7A, s1;
	s8 =	simm.s32 @!p0 $0x1BF5;
	p2 =	por !p2, p0  }
0x20: {  	[sflag:s8] =	ssyncset.s32 @!p0 $0xFFFFF086;
	s6 =	sadd.s32 @!p0 s3, s7;
	s7 =	simm.s32 @!p0 $0x108  }
0x21: {  	s3 =	sadd.s32 s3, s9;
	s6 =	sadd.s32 @!p0 $0x88, s6;
	s7 =	simm.s32 @p2 $0x1082  }
0x22: {  	[simem:s7], [sflag:s8] =	dma.local @!p0 [hbm:s6], $0xF7A  }
0x23: {  	s9 =	sor.u32 $0xD0000000, s2;
	s6 =	simm.s32 $0x108;
	_ =	swait.ge @!p0 [sflag:s8], $0x0  }
0x24: {  	s3 =	sadd.s32 $0x88, s3;
	s6 =	simm.s32 @!p1 $0x1082;
	[sflag:s4] =	ssyncset.s32 $0xFFFFF086  }
0x25: {  	[simem:s6], [sflag:s4] =	dma.local [hbm:s3], $0xF7A  }
0x26: {  	[smem:$0x3F99] =	sst s1;
	(tag) =	ssettag s2;
	_ =	strace s9  }
0x27: {  	s1 =	sld [smem:$0x3FA9]  }
0x28: {  	s2 =	sld [smem:$0x3FAA]  }
0x29: {  	s4 =	sld [smem:$0x3FAC]  }
0x2a: {  	p0 =	seq.s32 s5, $0x0;
	s5 =	sld [smem:$0x3FAD]  }
0x2b: {  	s6 =	sld [smem:$0x3FAE]  }
0x2c: {  	s7 =	sld [smem:$0x3FAF]  }
0x2d: {  	s3 =	simm.s32 $0x108;
	s8 =	sld [smem:$0x3FB0]  }
0x2e: {  	s3 =	simm.s32 @!p0 $0x1082;
	s9 =	sld [smem:$0x3FB1]  }
0x2f: {  	lr =	sadd.s32 s0, s3;
	s0 =	sld [smem:$0x3FA8]  }
0x30: {  	s3 =	sld [smem:$0x3FAB]  }
0x31: {  	[smem:$0x3FB4] =	sst s10  }
0x32: {  	s10 =	sld [smem:$0x3FB2];
	_ =	sdelay $0x3  }
0x33: {  	p0 =	seq.s32 s10, $0x1;
	s10 =	sld [smem:$0x3FB4];
	_ =	sdelay $0x3  }
0x34: {  	[smem:$0x3FB4] =	sst s10  }
0x35: {  	s10 =	sld [smem:$0x3FB3];
	_ =	sdelay $0x3  }
0x36: {  	p1 =	seq.s32 s10, $0x1;
	s10 =	sld [smem:$0x3FB4];
	_ =	sdelay $0x3  }
0x37: {  	[smem:$0x3FB4] =	sst s10  }
0x38: {  	s10 =	sld [smem:$0x3FB5]  }
0x39: {  	_ = 	snop;
	(pc) =	sbr.ind lr, $3  }
0x3a: {  	_ = 	snop  }
0x3b: {  	_ = 	snop  }
0x3c: {  	p2 =	seq.s32 s10, $0x1;
	s10 =	sld [smem:$0x3FB4]  }
0x3d: {  	_ =	shalt  }
0x3e: {  	_ =	shalt  }
0x3f: {  	_ =	shalt  }
0x40: {  	_ =	shalt  }
0x41: {  	_ =	shalt  }
0x42: {  	_ =	shalt  }
0x43: {  	_ =	shalt  }
0x44: {  	_ =	shalt  }
0x45: {  	_ =	shalt  }
0x46: {  	_ =	shalt  }
0x47: {  	_ =	shalt  }
0x48: {  	_ =	shalt  }
0x49: {  	_ =	shalt  }
0x4a: {  	_ =	shalt  }
0x4b: {  	_ =	shalt  }
0x4c: {  	_ =	shalt  }
0x4d: {  	_ =	shalt  }
0x4e: {  	_ =	shalt  }
0x4f: {  	_ =	shalt  }
0x50: {  	_ =	shalt  }
0x51: {  	_ =	shalt  }
0x52: {  	_ =	shalt  }
0x53: {  	_ =	shalt  }
0x54: {  	_ =	shalt  }
0x55: {  	_ =	shalt  }
0x56: {  	_ =	shalt  }
0x57: {  	_ =	shalt  }
0x58: {  	_ =	shalt  }
0x59: {  	_ =	shalt  }
0x5a: {  	_ =	shalt  }
0x5b: {  	_ =	shalt  }
0x5c: {  	_ =	shalt  }
0x5d: {  	_ =	shalt  }
0x5e: {  	_ =	shalt  }
0x5f: {  	_ =	shalt  }
0x60: {  	_ =	shalt  }
0x61: {  	_ =	shalt  }
0x62: {  	_ =	shalt  }
0x63: {  	_ =	shalt  }
0x64: {  	_ =	shalt  }
0x65: {  	_ =	shalt  }
0x66: {  	_ =	shalt  }
0x67: {  	_ =	shalt  }
0x68: {  	_ =	shalt  }
0x69: {  	_ =	shalt  }
0x6a: {  	_ =	shalt  }
0x6b: {  	_ =	shalt  }
0x6c: {  	_ =	shalt  }
0x6d: {  	_ =	shalt  }
0x6e: {  	_ =	shalt  }
0x6f: {  	_ =	shalt  }
0x70: {  	_ =	shalt  }
0x71: {  	_ =	shalt  }
0x72: {  	_ =	shalt  }
0x73: {  	_ =	shalt  }
0x74: {  	_ =	shalt  }
0x75: {  	_ =	shalt  }
0x76: {  	_ =	shalt  }
0x77: {  	_ =	shalt  }
0x78: {  	_ =	shalt  }
0x79: {  	_ =	shalt  }
0x7a: {  	_ =	shalt  }
0x7b: {  	_ =	shalt  }
0x7c: {  	_ =	shalt  }
0x7d: {  	_ =	shalt  }
0x7e: {  	_ =	shalt  }
0x7f: {  	_ =	shalt  }
0x80: {  	_ =	shalt  }
0x81: {  	_ =	shalt  }
0x82: {  	_ =	shalt  }
0x83: {  	_ =	shalt  }
0x84: {  	_ =	shalt  }
0x85: {  	_ =	shalt  }
0x86: {  	_ =	shalt  }
0x87: {  	_ =	shalt  }
.Lfunc_end0:
.L_simem_size_0:
called_computation.2_lowered:
.L_overlay_start_0:
0x88: {  	s2 =	sld [smem:$0x3FD9]  }
0x89: {  	s3 =	sld [smem:$0x3FFE];
	_ =	sdelay $0x1  }
0x8a: {  	s1 =	srdreg.scid  }
0x8b: {  	s0 =	sand.u32 $0x1, s1  }
0x8c: {  	s17 =	sshll.u32 s0, $0xA;
	s2 =	sadd.s32 s3, s2  }
0x8d: {  	s2 =	sadd.s32 s2, s17  }
0x8e: {  	[smem:$0x3FC0] =	sst s2  }
0x8f: {  	_ = 	snop  }
0x90: {  	s2 =	sld [smem:$0x3FD0];
	(tm) =	ssettm $0x1  }
0x91: {  	s18 =	sld [smem:$0x3FFB];
	_ =	sdelay $0x3  }
0x92: {  	_ =	strace s18  }
0x93: {  	s3 =	sld [smem:$0x3FFC];
	_ =	sdelay $0x3  }
0x94: {  	_ =	strace s3  }
0x95: {  	s3 =	sld [smem:$0x3FFD];
	_ =	sdelay $0x3  }
0x96: {  	_ =	strace s3  }
0x97: {  	_ =	strace $0x8FFFFFFF  }
0x98: {  	s19 =	sld [smem:$0x3FDB];
	_ =	sdelay $0x1  }
0x99: {  	s4 =	simm.s32 $_scs_section_size  }
0x9a: {  	s5 =	simm.s32 $_size__tile_overlayer_lowered;
	s6 =	simm.s32 $_tile_overlayer_lowered  }
0x9b: {  	s22 =	simm.s32 $0x1BFF;
	s21 =	sshll.u32 s6, $0x1;
	s3 =	sadd.s32 s4, s19  }
0x9c: {  	s7 =	simm.s32 $0x0;
	s20 =	sshll.u32 s5, $0x1;
	s5 =	sadd.s32 s21, s3  }
0x9d: {  	[timem:s7], [sflag:s22] =	dma.local [hbm:s5], s20  }
0x9e: {  	_ =	swait.ge [sflag:s22], s20  }
0x9f: {  	s4 =	ssub.s32 $0x0, s20;
	[sflag:s22] =	ssyncset.done $0x0  }
0xa0: {  	[sflag:s22] =	ssyncadd.s32 s4;
	_ =	sdelay $0x1  }
0xa1: {  	s23 =	simm.s32 $0x1B8B  }
0xa2: {  	_ =	swait.ge [sflag:s23], $0x1  }
0xa3: {  	[sflag:s23] =	ssyncset.done $0x0  }
0xa4: {  	s25 =	simm.s32 $0x1B8E;
	s24 =	sld [smem:$0x3FFE];
	[sflag:s23] =	ssyncadd.s32 $0xFFFFFFFF  }
0xa5: {  	s26 =	simm.s32 $execute0_lowered;
	[smem:$0x3FD2] =	sst s25  }
0xa6: {  	s5 =	sshll.u32 s26, $0x1;
	_ =	strace $0x8000004C;
	[dreg:$0x1] =	wrdreg $0xFFFFFFFF  }
0xa7: {  	s28 =	simm.s32 $_size_execute0_lowered;
	s3 =	sadd.s32 s3, s5;
	[dreg:$0x0] =	wrdreg $0x0  }
0xa8: {  	s5 =	sshll.u32 s28, $0x1;
	[dreg:$0x2] =	wrdreg s3  }
0xa9: {  	[dreg:$0x3] =	wrdreg s5  }
0xaa: {  	[dreg:$0x4] =	wrdreg $0xC0  }
0xab: {  	_ =	task [dreg:s7], $0x5FFFF  }
0xac: {  	[dreg:$0x1] =	wrdreg $0xFFFFFFFF  }
0xad: {  	[dreg:$0x0] =	wrdreg $0x60  }
0xae: {  	[dreg:$0x2] =	wrdreg s24  }
0xaf: {  	[dreg:$0x3] =	wrdreg s2  }
0xb0: {  	[dreg:$0x4] =	wrdreg $0xA0000  }
0xb1: {  	[dreg:$0x5] =	wrdreg $0x9  }
0xb2: {  	_ =	task.clear_ibuf [dreg:s7], $0x6FFFF;
	_ =	strace $0x9000004C  }
0xb3: {  	s29 =	simm.s32 $0x9;
	_ =	strace $0x8000004E  }
0xb4: {  	_ =	swait.ge [sflag:s29], $0x1  }
0xb5: {  	[sflag:s29] =	ssyncadd.s32 $0xFFFFFFFF  }
0xb6: {  	_ =	strace $0x9000004E  }
0xb7: {  	_ =	sfence  }
0xb8: {  	s30 =	sld [smem:$0x0];
	_ =	sdelay $0x2  }
0xb9: {  	s31 =	sshll.u32 s1, $0xD;
	s1 =	sshrl.u32 s1, $0x2  }
0xba: {  	s3 =	sand.u32 $0x4000, s31;
	s1 =	sadd.s32 s1, s30  }
0xbb: {  	s0 =	sor.u32 s3, s0;
	s1 =	sshll.u32 s1, $0x11  }
0xbc: {  	s0 =	sor.u32 s1, s0  }
0xbd: {  	s0 =	sadd.s32 $0x8F2B, s0  }
0xbe: {  	[sflag:s0] =	ssyncadd.remote.s32 $0x1  }
0xbf: {  	_ =	sfence.sel $0xFFFF  }
0xc0: {  	[dreg:$0x0] =	wrdreg $0xFFFFFFFF;
	(pc) =	sbr.abs _section_cstart, $3  }
0xc1: {  	[dreg:$0x1] =	wrdreg $0xFFFFFFFF  }
0xc2: {  	_ =	task.clear_ibuf [dreg:s7], $0x2FFFF;
	_ =	strace $0x9FFFFFFF  }
0xc3: {  	(tm) =	ssettm $0x7FFFFFFF  }
tec
execute0_lowered:
.L_overlay_start_1:
0x0: {  	(tag) =	ssettag $0x1  }
0x1: {  	s5 =	rddreg [dreg:$0x0]  }
0x2: {  	s19 =	rddreg [dreg:$0x1]  }
0x3: {  	s1 =	rddreg [dreg:$0x2];
	s3 =	simm.s32 $0x0  }
0x4: {  	s4 =	srdreg.scid;
	s2 =	stileid.u32;
	s21 =	simm.s32 $0x3  }
0x5: {  	s22 =	simm.s32 $0x1000;
	s23 =	simm.s32 $0x80;
	s24 =	simm.s32 $0x6000  }
0x6: {  	s25 =	simm.s32 $0x1;
	s26 =	simm.s32 $0x2;
	s28 =	simm.s32 $0x0  }
0x7: {  	[smem:$0x7FF] =	sst s3;
	s9 =	sand.u32 $0x1, s4;
	s6 =	smul.u32 $0x50000, s2  }
0x8: {  	s4 =	sadd.s32 $0xC400, s5;
	s10 =	smul.u32 $0x14000, s2;
	s18 =	sadd.s32 $0x2400, s5  }
0x9: {  	s14 =	sadd.s32 $0x34400, s5;
	_ =	strace $0x8000004D;
	s7 =	ssub.s32 $0x2, s9  }
0xa: {  	s16 =	smul.u32 $0x140000, s9;
	s20 =	sshll.u32 s9, $0x4;
	s29 =	sshrl.u32 s7, $0x1  }
0xb: {  	s30 =	sshrl.u32 s6, $0x2;
	s11 =	sadd.s32 $0x4000, s10;
	s12 =	sadd.s32 $0x8000, s10  }
0xc: {  	s13 =	sadd.s32 $0xC000, s10;
	s17 =	sadd.s32 $0x10000, s10;
	s20 =	sor.u32 s2, s20  }
0xd: {  	s15 =	ssub.s32 s7, s29;
	s5 =	sadd.s32 s30, s1;
	s6 =	sadd.s32 s11, s1  }
0xe: {  	s7 =	sadd.s32 s12, s1;
	s8 =	sadd.s32 s13, s1;
	s9 =	sadd.s32 s17, s1  }
0xf: {  	s10 =	sadd.s32 s10, s16;
	s20 =	smul.u32 $0x2800, s20;
	s11 =	sadd.s32 s16, s11  }
0x10: {  	s12 =	sadd.s32 s16, s12;
	s13 =	sadd.s32 s16, s13;
	s16 =	sadd.s32 s16, s17  }
0x11: {  	s10 =	sshrl.u32 s10, $0x3;
	s11 =	sshrl.u32 s11, $0x3;
	s12 =	sshrl.u32 s12, $0x3  }
0x12: {  	s13 =	sshrl.u32 s13, $0x3;
	s16 =	sshrl.u32 s16, $0x3;
	s15 =	smax.u32 s15, $0x1  }
0x13: {  	s10 =	sadd.s32 s14, s10;
	s11 =	sadd.s32 s14, s11;
	s12 =	sadd.s32 s14, s12  }
0x14: {  	s13 =	sadd.s32 s14, s13;
	s31 =	sshrl.u32 s20, $0x3;
	s14 =	sadd.s32 s14, s16  }
0x15: {  	s20 =	sadd.s32 $0x200, s31;
	s16 =	sadd.s32 s18, s31;
	s17 =	sadd.s32 s19, s31  }
0x16: {  	v0 =	vimm.f32 $0.0e+00;
	s18 =	sadd.s32 s18, s20;
	s19 =	sadd.s32 s19, s20;
	s20 =	simm.s32 $0x2000  }
.LBB2_1:
0x17: {  	s29 =	sand.u32 $0xFE00, s3  }
0x18: {  	s30 =	sand.u32 $0x70, s3;
	s31 =	sshrl.u32 s29, $0x2  }
0x19: {  	s29 =	simm.s32 $0x40;
	s31 =	sor.u32 s30, s31;
	s30 =	simm.s32 $0x0  }
.LBB2_2:
0x1a: {  	p0 =	sne.s32 s29, $0xFFC0  }
0x1b: {  	[tilespmem:s31+$0x2000] =	vst v0;
	s30 =	sadd.s32 $0x10, s30;
	s31 =	smov.u32 s29;
	s29 =	sadd.s32 $0x40, s29  }
.Ltmp0:
0x1c: {  	(pc) =	sbr.rel @p0 .LBB2_2-.Ltmp0, $4  }
0x1d: {  	_ = 	snop  }
0x1e: {  	s31 =	sand.u32 $0xFE00, s31  }
0x1f: {  	s0 =	sand.u32 $0x70, s30;
	s31 =	sshrl.u32 s31, $0x2  }
0x20: {  	s31 =	sor.u32 s0, s31  }
0x21: {  	[tilespmem:s31+$0x2000] =	vst v0  }
0x22: {  	[spmem:s5] =	stream.linear.scatter [tilespmem:s20], [sflag:$0x3], $0x4000, $0x38;
	[tilespmem:$0x1E000] =	vst v63  }
0x23: {  	_ =	swait.ge [sflag:s21], $0x4000  }
0x24: {  	[sflag:s21] =	ssyncset.done $0x0  }
0x25: {  	[sflag:s21] =	ssyncadd.s32 $0xFFFFC000  }
0x26: {  	[spmem:s6] =	stream.linear.scatter [tilespmem:s20], [sflag:$0x3], $0x4000, $0x38;
	[tilespmem:$0x1E000] =	vst v63  }
0x27: {  	_ =	swait.ge [sflag:s21], $0x4000  }
0x28: {  	[sflag:s21] =	ssyncset.done $0x0  }
0x29: {  	[sflag:s21] =	ssyncadd.s32 $0xFFFFC000  }
0x2a: {  	[spmem:s7] =	stream.linear.scatter [tilespmem:s20], [sflag:$0x3], $0x4000, $0x38;
	[tilespmem:$0x1E000] =	vst v63  }
0x2b: {  	_ =	swait.ge [sflag:s21], $0x4000  }
0x2c: {  	[sflag:s21] =	ssyncset.done $0x0  }
0x2d: {  	[sflag:s21] =	ssyncadd.s32 $0xFFFFC000  }
0x2e: {  	[spmem:s8] =	stream.linear.scatter [tilespmem:s20], [sflag:$0x3], $0x4000, $0x38;
	[tilespmem:$0x1E000] =	vst v63  }
0x2f: {  	_ =	swait.ge [sflag:s21], $0x4000  }
0x30: {  	[sflag:s21] =	ssyncset.done $0x0  }
0x31: {  	[sflag:s21] =	ssyncadd.s32 $0xFFFFC000  }
0x32: {  	[spmem:s9] =	stream.linear.scatter [tilespmem:s20], [sflag:$0x3], $0x4000, $0x38;
	[tilespmem:$0x1E000] =	vst v63  }
0x33: {  	_ =	swait.ge [sflag:s21], $0x4000  }
0x34: {  	[sflag:s21] =	ssyncset.done $0x0  }
0x35: {  	[sflag:s21] =	ssyncadd.s32 $0xFFFFC000  }
0x36: {  	s0 =	simm.s32 $0x0;
	[bflag:$0x0] =	sbarrier.arrive $0xFFFF  }
0x37: {  	[tilespmem:s0], [sflag:$0x3] =	stream.linear.gather [hbm4b:s16+s0], $0x1000, $0x38;
	[tilespmem:$0x1E000] =	vst v63  }
0x38: {  	_ =	swait.ge [sflag:s21], $0x1000  }
0x39: {  	[sflag:s21] =	ssyncset.done $0x0  }
0x3a: {  	[sflag:s21] =	ssyncadd.s32 $0xFFFFF000  }
0x3b: {  	[tilespmem:s22], [sflag:$0x3] =	stream.linear.gather [hbm4b:s17+s0], $0x1000, $0x38;
	[tilespmem:$0x1E000] =	vst v63  }
0x3c: {  	_ =	swait.ge [sflag:s21], $0x1000  }
0x3d: {  	[sflag:s21] =	ssyncset.done $0x0  }
0x3e: {  	s31 =	simm.s32 $0x0;
	[sflag:s21] =	ssyncadd.s32 $0xFFFFF000  }
0x3f: {  	[tilespmem:s20], [sflag:$0x1] =	stream.indirect.gather [hbm4b:s4+s23], $0x80, s31, s23, $0xb8;
	[tilespmem:$0x1E000] =	vst v63  }
0x40: {  	s31 =	simm.s32 $0x80  }
0x41: {  	[tilespmem:s24], [sflag:$0x2] =	stream.indirect.gather [hbm4b:s4+s23], $0x80, s31, s23, $0xb8;
	[tilespmem:$0x1E000] =	vst v63  }
0x42: {  	_ =	swait.ge [sflag:s25], $0x4000  }
0x43: {  	[sflag:s25] =	ssyncset.done $0x0  }
0x44: {  	s31 =	simm.s32 $0x1000;
	[sflag:s25] =	ssyncadd.s32 $0xFFFFC000  }
0x45: {  	[spmem:s1] =	stream.indirect.scatter.add.f32 [tilespmem:s20], [sflag:$0x3], $0x80, s31, s23, $0xb8;
	[tilespmem:$0x1E000] =	vst v63  }
0x46: {  	_ =	swait.ge [sflag:s21], $0x4000  }
0x47: {  	[sflag:s21] =	ssyncset.done $0x0  }
0x48: {  	[sflag:s21] =	ssyncadd.s32 $0xFFFFC000  }
0x49: {  	_ =	swait.ge [sflag:s26], $0x4000  }
0x4a: {  	[sflag:s26] =	ssyncset.done $0x0  }
0x4b: {  	s31 =	simm.s32 $0x1080;
	[sflag:s26] =	ssyncadd.s32 $0xFFFFC000  }
0x4c: {  	[spmem:s1] =	stream.indirect.scatter.add.f32 [tilespmem:s24], [sflag:$0x3], $0x80, s31, s23, $0xb8;
	[tilespmem:$0x1E000] =	vst v63  }
0x4d: {  	_ =	swait.ge [sflag:s21], $0x4000  }
0x4e: {  	s29 =	simm.s32 $0x400;
	s30 =	simm.s32 $0x800;
	[sflag:s21] =	ssyncset.done $0x0  }
.LBB2_4:
0x4f: {  	s0 =	sshra.s32 s29, $0x2  }
0x50: {  	[sflag:s21] =	ssyncadd.s32 $0xFFFFC000;
	s29 =	smov.u32 s30;
	s31 =	sadd.s32 $0x400, s30  }
0x51: {  	[tilespmem:s20], [sflag:$0x1] =	stream.indirect.gather [hbm4b:s4+s23], $0x80, s0, s23, $0xb8;
	[tilespmem:$0x1E000] =	vst v63  }
0x52: {  	p0 =	sne.s32 s30, $0x3C00;
	s30 =	sadd.s32 $0x80, s0  }
0x53: {  	[tilespmem:s24], [sflag:$0x2] =	stream.indirect.gather [hbm4b:s4+s23], $0x80, s30, s23, $0xb8;
	[tilespmem:$0x1E000] =	vst v63  }
0x54: {  	_ =	swait.ge [sflag:s25], $0x4000  }
0x55: {  	[sflag:s25] =	ssyncset.done $0x0  }
0x56: {  	s30 =	sadd.s32 $0x1000, s0;
	[sflag:s25] =	ssyncadd.s32 $0xFFFFC000  }
0x57: {  	[spmem:s1] =	stream.indirect.scatter.add.f32 [tilespmem:s20], [sflag:$0x3], $0x80, s30, s23, $0xb8;
	[tilespmem:$0x1E000] =	vst v63  }
0x58: {  	_ =	swait.ge [sflag:s21], $0x4000  }
0x59: {  	[sflag:s21] =	ssyncset.done $0x0  }
0x5a: {  	[sflag:s21] =	ssyncadd.s32 $0xFFFFC000  }
0x5b: {  	_ =	swait.ge [sflag:s26], $0x4000  }
.Ltmp1:
0x5c: {  	[sflag:s26] =	ssyncset.done $0x0;
	(pc) =	sbr.rel @p0 .LBB2_4-.Ltmp1, $4  }
0x5d: {  	s0 =	sadd.s32 $0x1080, s0;
	[sflag:s26] =	ssyncadd.s32 $0xFFFFC000  }
0x5e: {  	[spmem:s1] =	stream.indirect.scatter.add.f32 [tilespmem:s24], [sflag:$0x3], $0x80, s0, s23, $0xb8;
	[tilespmem:$0x1E000] =	vst v63  }
0x5f: {  	_ =	swait.ge [sflag:s21], $0x4000  }
0x60: {  	s30 =	smov.u32 s31;
	[sflag:s21] =	ssyncset.done $0x0  }
0x61: {  	s0 =	sshra.s32 s29, $0x2;
	[sflag:s21] =	ssyncadd.s32 $0xFFFFC000  }
0x62: {  	[tilespmem:s20], [sflag:$0x1] =	stream.indirect.gather [hbm4b:s4+s23], $0x80, s0, s23, $0xb8;
	[tilespmem:$0x1E000] =	vst v63  }
0x63: {  	s29 =	sadd.s32 $0x80, s0  }
0x64: {  	[tilespmem:s24], [sflag:$0x2] =	stream.indirect.gather [hbm4b:s4+s23], $0x80, s29, s23, $0xb8;
	[tilespmem:$0x1E000] =	vst v63  }
0x65: {  	_ =	swait.ge [sflag:s25], $0x4000  }
0x66: {  	[sflag:s25] =	ssyncset.done $0x0  }
0x67: {  	s29 =	sadd.s32 $0x1000, s0;
	[sflag:s25] =	ssyncadd.s32 $0xFFFFC000  }
0x68: {  	[spmem:s1] =	stream.indirect.scatter.add.f32 [tilespmem:s20], [sflag:$0x3], $0x80, s29, s23, $0xb8;
	[tilespmem:$0x1E000] =	vst v63  }
0x69: {  	_ =	swait.ge [sflag:s21], $0x4000  }
0x6a: {  	[sflag:s21] =	ssyncset.done $0x0  }
0x6b: {  	[sflag:s21] =	ssyncadd.s32 $0xFFFFC000  }
0x6c: {  	_ =	swait.ge [sflag:s26], $0x4000  }
0x6d: {  	[sflag:s26] =	ssyncset.done $0x0  }
0x6e: {  	s0 =	sadd.s32 $0x1080, s0;
	[sflag:s26] =	ssyncadd.s32 $0xFFFFC000  }
0x6f: {  	[spmem:s1] =	stream.indirect.scatter.add.f32 [tilespmem:s24], [sflag:$0x3], $0x80, s0, s23, $0xb8;
	[tilespmem:$0x1E000] =	vst v63  }
0x70: {  	_ =	swait.ge [sflag:s21], $0x4000  }
0x71: {  	[sflag:s21] =	ssyncset.done $0x0  }
0x72: {  	s31 =	simm.s32 $0x0;
	[sflag:s21] =	ssyncadd.s32 $0xFFFFC000  }
0x73: {  	[tilespmem:s31], [sflag:$0x3] =	stream.linear.gather [hbm4b:s18+s31], $0x1000, $0x38;
	[tilespmem:$0x1E000] =	vst v63  }
0x74: {  	_ =	swait.ge [sflag:s21], $0x1000  }
0x75: {  	[sflag:s21] =	ssyncset.done $0x0  }
0x76: {  	[sflag:s21] =	ssyncadd.s32 $0xFFFFF000  }
0x77: {  	[tilespmem:s22], [sflag:$0x3] =	stream.linear.gather [hbm4b:s19+s31], $0x1000, $0x38;
	[tilespmem:$0x1E000] =	vst v63  }
0x78: {  	_ =	swait.ge [sflag:s21], $0x1000  }
0x79: {  	[sflag:s21] =	ssyncset.done $0x0  }
0x7a: {  	s31 =	simm.s32 $0x0;
	[sflag:s21] =	ssyncadd.s32 $0xFFFFF000  }
0x7b: {  	[tilespmem:s20], [sflag:$0x1] =	stream.indirect.gather [hbm4b:s4+s23], $0x80, s31, s23, $0xb8;
	[tilespmem:$0x1E000] =	vst v63  }
0x7c: {  	s31 =	simm.s32 $0x80  }
0x7d: {  	[tilespmem:s24], [sflag:$0x2] =	stream.indirect.gather [hbm4b:s4+s23], $0x80, s31, s23, $0xb8;
	[tilespmem:$0x1E000] =	vst v63  }
0x7e: {  	_ =	swait.ge [sflag:s25], $0x4000  }
0x7f: {  	[sflag:s25] =	ssyncset.done $0x0  }
0x80: {  	s31 =	simm.s32 $0x1000;
	[sflag:s25] =	ssyncadd.s32 $0xFFFFC000  }
0x81: {  	[spmem:s1] =	stream.indirect.scatter.add.f32 [tilespmem:s20], [sflag:$0x3], $0x80, s31, s23, $0xb8;
	[tilespmem:$0x1E000] =	vst v63  }
0x82: {  	_ =	swait.ge [sflag:s21], $0x4000  }
0x83: {  	[sflag:s21] =	ssyncset.done $0x0  }
0x84: {  	[sflag:s21] =	ssyncadd.s32 $0xFFFFC000  }
0x85: {  	_ =	swait.ge [sflag:s26], $0x4000  }
0x86: {  	[sflag:s26] =	ssyncset.done $0x0  }
0x87: {  	s31 =	simm.s32 $0x1080;
	[sflag:s26] =	ssyncadd.s32 $0xFFFFC000  }
0x88: {  	[spmem:s1] =	stream.indirect.scatter.add.f32 [tilespmem:s24], [sflag:$0x3], $0x80, s31, s23, $0xb8;
	[tilespmem:$0x1E000] =	vst v63  }
0x89: {  	_ =	swait.ge [sflag:s21], $0x4000  }
0x8a: {  	s30 =	simm.s32 $0x800;
	s29 =	simm.s32 $0x400;
	[sflag:s21] =	ssyncset.done $0x0  }
.LBB2_6:
0x8b: {  	s0 =	sshra.s32 s29, $0x2  }
0x8c: {  	[sflag:s21] =	ssyncadd.s32 $0xFFFFC000;
	s29 =	smov.u32 s30;
	s31 =	sadd.s32 $0x400, s30  }
0x8d: {  	[tilespmem:s20], [sflag:$0x1] =	stream.indirect.gather [hbm4b:s4+s23], $0x80, s0, s23, $0xb8;
	[tilespmem:$0x1E000] =	vst v63  }
0x8e: {  	p0 =	sne.s32 s30, $0x3C00;
	s30 =	sadd.s32 $0x80, s0  }
0x8f: {  	[tilespmem:s24], [sflag:$0x2] =	stream.indirect.gather [hbm4b:s4+s23], $0x80, s30, s23, $0xb8;
	[tilespmem:$0x1E000] =	vst v63  }
0x90: {  	_ =	swait.ge [sflag:s25], $0x4000  }
0x91: {  	[sflag:s25] =	ssyncset.done $0x0  }
0x92: {  	s30 =	sadd.s32 $0x1000, s0;
	[sflag:s25] =	ssyncadd.s32 $0xFFFFC000  }
0x93: {  	[spmem:s1] =	stream.indirect.scatter.add.f32 [tilespmem:s20], [sflag:$0x3], $0x80, s30, s23, $0xb8;
	[tilespmem:$0x1E000] =	vst v63  }
0x94: {  	_ =	swait.ge [sflag:s21], $0x4000  }
0x95: {  	[sflag:s21] =	ssyncset.done $0x0  }
0x96: {  	[sflag:s21] =	ssyncadd.s32 $0xFFFFC000  }
0x97: {  	_ =	swait.ge [sflag:s26], $0x4000  }
.Ltmp2:
0x98: {  	[sflag:s26] =	ssyncset.done $0x0;
	(pc) =	sbr.rel @p0 .LBB2_6-.Ltmp2, $4  }
0x99: {  	s0 =	sadd.s32 $0x1080, s0;
	[sflag:s26] =	ssyncadd.s32 $0xFFFFC000  }
0x9a: {  	[spmem:s1] =	stream.indirect.scatter.add.f32 [tilespmem:s24], [sflag:$0x3], $0x80, s0, s23, $0xb8;
	[tilespmem:$0x1E000] =	vst v63  }
0x9b: {  	_ =	swait.ge [sflag:s21], $0x4000  }
0x9c: {  	s30 =	smov.u32 s31;
	[sflag:s21] =	ssyncset.done $0x0  }
0x9d: {  	s0 =	sshra.s32 s29, $0x2;
	[sflag:s21] =	ssyncadd.s32 $0xFFFFC000  }
0x9e: {  	[tilespmem:s20], [sflag:$0x1] =	stream.indirect.gather [hbm4b:s4+s23], $0x80, s0, s23, $0xb8;
	[tilespmem:$0x1E000] =	vst v63  }
0x9f: {  	s29 =	sadd.s32 $0x80, s0  }
0xa0: {  	[tilespmem:s24], [sflag:$0x2] =	stream.indirect.gather [hbm4b:s4+s23], $0x80, s29, s23, $0xb8;
	[tilespmem:$0x1E000] =	vst v63  }
0xa1: {  	_ =	swait.ge [sflag:s25], $0x4000  }
0xa2: {  	[sflag:s25] =	ssyncset.done $0x0  }
0xa3: {  	s31 =	sadd.s32 $0x1000, s0;
	[sflag:s25] =	ssyncadd.s32 $0xFFFFC000  }
0xa4: {  	[spmem:s1] =	stream.indirect.scatter.add.f32 [tilespmem:s20], [sflag:$0x3], $0x80, s31, s23, $0xb8;
	[tilespmem:$0x1E000] =	vst v63  }
0xa5: {  	_ =	swait.ge [sflag:s21], $0x4000  }
0xa6: {  	[sflag:s21] =	ssyncset.done $0x0  }
0xa7: {  	[sflag:s21] =	ssyncadd.s32 $0xFFFFC000  }
0xa8: {  	_ =	swait.ge [sflag:s26], $0x4000  }
0xa9: {  	[sflag:s26] =	ssyncset.done $0x0  }
0xaa: {  	s0 =	sadd.s32 $0x1080, s0;
	[sflag:s26] =	ssyncadd.s32 $0xFFFFC000  }
0xab: {  	[spmem:s1] =	stream.indirect.scatter.add.f32 [tilespmem:s24], [sflag:$0x3], $0x80, s0, s23, $0xb8;
	[tilespmem:$0x1E000] =	vst v63  }
0xac: {  	_ =	swait.ge [sflag:s21], $0x4000  }
0xad: {  	[sflag:s21] =	ssyncset.done $0x0  }
0xae: {  	[sflag:s21] =	ssyncadd.s32 $0xFFFFC000  }
0xaf: {  	[bflag:$0x0] =	sbarrier.arrive $0xFFFF  }
0xb0: {  	[tilespmem:s20], [sflag:$0x3] =	stream.linear.gather [spmem:s5], $0x4000, $0x38;
	[tilespmem:$0x1E000] =	vst v63  }
0xb1: {  	_ =	swait.ge [sflag:s21], $0x4000  }
0xb2: {  	[sflag:s21] =	ssyncset.done $0x0  }
0xb3: {  	[sflag:s21] =	ssyncadd.s32 $0xFFFFC000  }
0xb4: {  	[hbm4b:s10+s3] =	stream.linear.scatter [tilespmem:s20], [sflag:$0x3], $0x4000, $0x38;
	[tilespmem:$0x1E000] =	vst v63  }
0xb5: {  	_ =	swait.ge [sflag:s21], $0x4000  }
0xb6: {  	[sflag:s21] =	ssyncset.done $0x0  }
0xb7: {  	[sflag:s21] =	ssyncadd.s32 $0xFFFFC000  }
0xb8: {  	[tilespmem:s20], [sflag:$0x3] =	stream.linear.gather [spmem:s6], $0x4000, $0x38;
	[tilespmem:$0x1E000] =	vst v63  }
0xb9: {  	_ =	swait.ge [sflag:s21], $0x4000  }
0xba: {  	[sflag:s21] =	ssyncset.done $0x0  }
0xbb: {  	[sflag:s21] =	ssyncadd.s32 $0xFFFFC000  }
0xbc: {  	[hbm4b:s11+s3] =	stream.linear.scatter [tilespmem:s20], [sflag:$0x3], $0x4000, $0x38;
	[tilespmem:$0x1E000] =	vst v63  }
0xbd: {  	_ =	swait.ge [sflag:s21], $0x4000  }
0xbe: {  	[sflag:s21] =	ssyncset.done $0x0  }
0xbf: {  	[sflag:s21] =	ssyncadd.s32 $0xFFFFC000  }
0xc0: {  	[tilespmem:s20], [sflag:$0x3] =	stream.linear.gather [spmem:s7], $0x4000, $0x38;
	[tilespmem:$0x1E000] =	vst v63  }
0xc1: {  	_ =	swait.ge [sflag:s21], $0x4000  }
0xc2: {  	[sflag:s21] =	ssyncset.done $0x0  }
0xc3: {  	[sflag:s21] =	ssyncadd.s32 $0xFFFFC000  }
0xc4: {  	[hbm4b:s12+s3] =	stream.linear.scatter [tilespmem:s20], [sflag:$0x3], $0x4000, $0x38;
	[tilespmem:$0x1E000] =	vst v63  }
0xc5: {  	_ =	swait.ge [sflag:s21], $0x4000  }
0xc6: {  	[sflag:s21] =	ssyncset.done $0x0  }
0xc7: {  	[sflag:s21] =	ssyncadd.s32 $0xFFFFC000  }
0xc8: {  	[tilespmem:s20], [sflag:$0x3] =	stream.linear.gather [spmem:s8], $0x4000, $0x38;
	[tilespmem:$0x1E000] =	vst v63  }
0xc9: {  	_ =	swait.ge [sflag:s21], $0x4000  }
0xca: {  	[sflag:s21] =	ssyncset.done $0x0  }
0xcb: {  	[sflag:s21] =	ssyncadd.s32 $0xFFFFC000  }
0xcc: {  	[hbm4b:s13+s3] =	stream.linear.scatter [tilespmem:s20], [sflag:$0x3], $0x4000, $0x38;
	[tilespmem:$0x1E000] =	vst v63  }
0xcd: {  	_ =	swait.ge [sflag:s21], $0x4000  }
0xce: {  	[sflag:s21] =	ssyncset.done $0x0  }
0xcf: {  	[sflag:s21] =	ssyncadd.s32 $0xFFFFC000  }
0xd0: {  	[tilespmem:s20], [sflag:$0x3] =	stream.linear.gather [spmem:s9], $0x4000, $0x38;
	[tilespmem:$0x1E000] =	vst v63  }
0xd1: {  	s28 =	sadd.s32 $0x1, s28;
	_ =	swait.ge [sflag:s21], $0x4000  }
0xd2: {  	p0 =	sne.s32 s28, s15;
	[sflag:s21] =	ssyncset.done $0x0  }
.Ltmp3:
0xd3: {  	[sflag:s21] =	ssyncadd.s32 $0xFFFFC000;
	(pc) =	sbr.rel @p0 .LBB2_1-.Ltmp3, $4  }
0xd4: {  	[hbm4b:s14+s3] =	stream.linear.scatter [tilespmem:s20], [sflag:$0x3], $0x4000, $0x38;
	[tilespmem:$0x1E000] =	vst v63  }
0xd5: {  	_ =	swait.ge [sflag:s21], $0x4000  }
0xd6: {  	[sflag:s21] =	ssyncset.done $0x0  }
0xd7: {  	[sflag:s21] =	ssyncadd.s32 $0xFFFFC000  }
0xd8: {  	_ =	sfence.sel $0x180000  }
0xd9: {  	[bflag:$0x0] =	sbarrier.arrive $0xFFFF  }
0xda: {  	_ =	strace $0x9000004D  }
0xdb: {  	[bflag:$0x2] =	sbarrier.arrive $0xFFFF  }
0xdc: {  	p0 =	sne.s32 s2, $0x0;
	s0 =	rddreg [dreg:$0x3]  }
0xdd: {  	s0 =	sadd.s32 @!p0 $0x100000, s0  }
0xde: {  	[sflag:s0] =	ssyncadd.tile.s32 @!p0 $0x1;
	_ =	shalt  }
.Lfunc_end2:
_tile_overlayer_lowered:
.L_overlay_start_2:
0xdf: {  	(tag) =	ssettag $0x2  }
0xe0: {  	s0 =	rddreg [dreg:$0x0];
	s2 =	stileid.u32  }
0xe1: {  	s1 =	rddreg [dreg:$0x1];
	p0 =	sne.s32 s2, $0x0  }
0xe2: {  	s3 =	rddreg [dreg:$0x2];
	[bflag:$0x3] =	sbarrier.arrive $0xFFFF;
	s2 =	simm.s32 @!p0 $0x1C03  }
0xe3: {  	[timem:s3], [sflag:s2] =	dma.local @!p0 [hbm:s0], s1  }
0xe4: {  	s0 =	simm.s32 @!p0 $0x3  }
0xe5: {  	_ =	swait.ge @!p0 [sflag:s0], s1  }
0xe6: {  	s1 =	ssub.s32 @!p0 $0x0, s1;
	[sflag:s0] =	ssyncset.done @!p0 $0x0  }
0xe7: {  	[sflag:s0] =	ssyncadd.s32 @!p0 s1  }
0xe8: {  	[bflag:$0x3] =	sbarrier.arrive $0xFFFF  }
0xe9: {  	_ =	shalt  }

// kernel: kernel.7.cloned.1.call-start
scs
__scs_entry_jumppad:
0x0: {  	(pc) =	sbr.rel $0x88, $3  }
0x1: {  	(tag) =	ssettag $0x0;
	lr =	simm.s32 $0x1  }
0x2: {  	[smem:$0x3F99] =	sst lr;
	_ =	strace $0xD0000000  }
0x3: {  	_ = 	snop  }
0x4: {  	_ = 	snop  }
0x5: {  	_ = 	snop  }
0x6: {  	_ = 	snop  }
0x7: {  	_ = 	snop  }
__scs_overlays_trampoline_lowered:
0x8: {  	[smem:$0x3FA8] =	sst s0  }
0x9: {  	[smem:$0x3FA9] =	sst s1  }
0xa: {  	[smem:$0x3FAA] =	sst s2  }
0xb: {  	[smem:$0x3FAB] =	sst s3  }
0xc: {  	[smem:$0x3FAC] =	sst s4  }
0xd: {  	[smem:$0x3FAD] =	sst s5  }
0xe: {  	[smem:$0x3FAE] =	sst s6  }
0xf: {  	[smem:$0x3FAF] =	sst s7  }
0x10: {  	[smem:$0x3FB0] =	sst s8  }
0x11: {  	[smem:$0x3FB1] =	sst s9;
	s0 =	simm.s32 @!p0 $0x0  }
0x12: {  	s1 =	sld [smem:$0x3F97];
	s0 =	simm.s32 @p0 $0x1  }
0x13: {  	[smem:$0x3FB2] =	sst s0;
	s0 =	simm.s32 @!p1 $0x0  }
0x14: {  	s2 =	sld [smem:$0x3F96];
	s0 =	simm.s32 @p1 $0x1  }
0x15: {  	[smem:$0x3FB3] =	sst s0;
	s0 =	simm.s32 @!p2 $0x0  }
0x16: {  	s3 =	sld [smem:$0x3FDB];
	s0 =	simm.s32 @p2 $0x1  }
0x17: {  	s4 =	simm.s32 $0x1BF5;
	[smem:$0x3FB5] =	sst s0  }
0x18: {  	s0 =	sld [smem:$0x3F98];
	_ =	swait.ge [sflag:s4], $0x0  }
0x19: {  	s7 =	sld [smem:$0x3F99]  }
0x1a: {  	s8 =	sadd.s32 $0xFFFFE003, lr  }
0x1b: {  	s9 =	sadd.s32 $0xFFFFFEF7, lr;
	s5 =	simm.s32 $0xFFFFFFFF;
	p2 =	slt.u32 s8, $0xFFFFF086  }
0x1c: {  	p1 =	slt.u32 s9, $0xF7A;
	s5 =	simm.s32 @!p2 $0x0  }
0x1d: {  	s5 =	simm.s32 @p1 $0x1;
	p0 =	seq.s32 s7, s2  }
0x1e: {  	s7 =	smul.u32 @!p0 $0xF7A, s2;
	p2 =	seq.s32 @!p0 s5, $0x0  }
0x1f: {  	s9 =	smul.u32 $0xF7A, s1;
	s8 =	simm.s32 @!p0 $0x1BF5;
	p2 =	por !p2, p0  }
0x20: {  	[sflag:s8] =	ssyncset.s32 @!p0 $0xFFFFF086;
	s6 =	sadd.s32 @!p0 s3, s7;
	s7 =	simm.s32 @!p0 $0x108  }
0x21: {  	s3 =	sadd.s32 s3, s9;
	s6 =	sadd.s32 @!p0 $0x88, s6;
	s7 =	simm.s32 @p2 $0x1082  }
0x22: {  	[simem:s7], [sflag:s8] =	dma.local @!p0 [hbm:s6], $0xF7A  }
0x23: {  	s9 =	sor.u32 $0xD0000000, s2;
	s6 =	simm.s32 $0x108;
	_ =	swait.ge @!p0 [sflag:s8], $0x0  }
0x24: {  	s3 =	sadd.s32 $0x88, s3;
	s6 =	simm.s32 @!p1 $0x1082;
	[sflag:s4] =	ssyncset.s32 $0xFFFFF086  }
0x25: {  	[simem:s6], [sflag:s4] =	dma.local [hbm:s3], $0xF7A  }
0x26: {  	[smem:$0x3F99] =	sst s1;
	(tag) =	ssettag s2;
	_ =	strace s9  }
0x27: {  	s1 =	sld [smem:$0x3FA9]  }
0x28: {  	s2 =	sld [smem:$0x3FAA]  }
0x29: {  	s4 =	sld [smem:$0x3FAC]  }
0x2a: {  	p0 =	seq.s32 s5, $0x0;
	s5 =	sld [smem:$0x3FAD]  }
0x2b: {  	s6 =	sld [smem:$0x3FAE]  }
0x2c: {  	s7 =	sld [smem:$0x3FAF]  }
0x2d: {  	s3 =	simm.s32 $0x108;
	s8 =	sld [smem:$0x3FB0]  }
0x2e: {  	s3 =	simm.s32 @!p0 $0x1082;
	s9 =	sld [smem:$0x3FB1]  }
0x2f: {  	lr =	sadd.s32 s0, s3;
	s0 =	sld [smem:$0x3FA8]  }
0x30: {  	s3 =	sld [smem:$0x3FAB]  }
0x31: {  	[smem:$0x3FB4] =	sst s10  }
0x32: {  	s10 =	sld [smem:$0x3FB2];
	_ =	sdelay $0x3  }
0x33: {  	p0 =	seq.s32 s10, $0x1;
	s10 =	sld [smem:$0x3FB4];
	_ =	sdelay $0x3  }
0x34: {  	[smem:$0x3FB4] =	sst s10  }
0x35: {  	s10 =	sld [smem:$0x3FB3];
	_ =	sdelay $0x3  }
0x36: {  	p1 =	seq.s32 s10, $0x1;
	s10 =	sld [smem:$0x3FB4];
	_ =	sdelay $0x3  }
0x37: {  	[smem:$0x3FB4] =	sst s10  }
0x38: {  	s10 =	sld [smem:$0x3FB5]  }
0x39: {  	_ = 	snop;
	(pc) =	sbr.ind lr, $3  }
0x3a: {  	_ = 	snop  }
0x3b: {  	_ = 	snop  }
0x3c: {  	p2 =	seq.s32 s10, $0x1;
	s10 =	sld [smem:$0x3FB4]  }
0x3d: {  	_ =	shalt  }
0x3e: {  	_ =	shalt  }
0x3f: {  	_ =	shalt  }
0x40: {  	_ =	shalt  }
0x41: {  	_ =	shalt  }
0x42: {  	_ =	shalt  }
0x43: {  	_ =	shalt  }
0x44: {  	_ =	shalt  }
0x45: {  	_ =	shalt  }
0x46: {  	_ =	shalt  }
0x47: {  	_ =	shalt  }
0x48: {  	_ =	shalt  }
0x49: {  	_ =	shalt  }
0x4a: {  	_ =	shalt  }
0x4b: {  	_ =	shalt  }
0x4c: {  	_ =	shalt  }
0x4d: {  	_ =	shalt  }
0x4e: {  	_ =	shalt  }
0x4f: {  	_ =	shalt  }
0x50: {  	_ =	shalt  }
0x51: {  	_ =	shalt  }
0x52: {  	_ =	shalt  }
0x53: {  	_ =	shalt  }
0x54: {  	_ =	shalt  }
0x55: {  	_ =	shalt  }
0x56: {  	_ =	shalt  }
0x57: {  	_ =	shalt  }
0x58: {  	_ =	shalt  }
0x59: {  	_ =	shalt  }
0x5a: {  	_ =	shalt  }
0x5b: {  	_ =	shalt  }
0x5c: {  	_ =	shalt  }
0x5d: {  	_ =	shalt  }
0x5e: {  	_ =	shalt  }
0x5f: {  	_ =	shalt  }
0x60: {  	_ =	shalt  }
0x61: {  	_ =	shalt  }
0x62: {  	_ =	shalt  }
0x63: {  	_ =	shalt  }
0x64: {  	_ =	shalt  }
0x65: {  	_ =	shalt  }
0x66: {  	_ =	shalt  }
0x67: {  	_ =	shalt  }
0x68: {  	_ =	shalt  }
0x69: {  	_ =	shalt  }
0x6a: {  	_ =	shalt  }
0x6b: {  	_ =	shalt  }
0x6c: {  	_ =	shalt  }
0x6d: {  	_ =	shalt  }
0x6e: {  	_ =	shalt  }
0x6f: {  	_ =	shalt  }
0x70: {  	_ =	shalt  }
0x71: {  	_ =	shalt  }
0x72: {  	_ =	shalt  }
0x73: {  	_ =	shalt  }
0x74: {  	_ =	shalt  }
0x75: {  	_ =	shalt  }
0x76: {  	_ =	shalt  }
0x77: {  	_ =	shalt  }
0x78: {  	_ =	shalt  }
0x79: {  	_ =	shalt  }
0x7a: {  	_ =	shalt  }
0x7b: {  	_ =	shalt  }
0x7c: {  	_ =	shalt  }
0x7d: {  	_ =	shalt  }
0x7e: {  	_ =	shalt  }
0x7f: {  	_ =	shalt  }
0x80: {  	_ =	shalt  }
0x81: {  	_ =	shalt  }
0x82: {  	_ =	shalt  }
0x83: {  	_ =	shalt  }
0x84: {  	_ =	shalt  }
0x85: {  	_ =	shalt  }
0x86: {  	_ =	shalt  }
0x87: {  	_ =	shalt  }
.Lfunc_end0:
.L_simem_size_0:
called_computation_lowered:
.L_overlay_start_0:
0x88: {  	s2 =	sld [smem:$0x3FD9]  }
0x89: {  	s3 =	sld [smem:$0x3FFE];
	_ =	sdelay $0x1  }
0x8a: {  	s1 =	srdreg.scid  }
0x8b: {  	s0 =	sand.u32 $0x1, s1  }
0x8c: {  	s17 =	sshll.u32 s0, $0xA;
	s2 =	sadd.s32 s3, s2  }
0x8d: {  	s2 =	sadd.s32 s2, s17  }
0x8e: {  	[smem:$0x3FC0] =	sst s2  }
0x8f: {  	_ = 	snop  }
0x90: {  	s18 =	sld [smem:$0x3FD0];
	(tm) =	ssettm $0x1  }
0x91: {  	s19 =	sld [smem:$0x3FFB];
	_ =	sdelay $0x3  }
0x92: {  	_ =	strace s19  }
0x93: {  	s2 =	sld [smem:$0x3FFC];
	_ =	sdelay $0x3  }
0x94: {  	_ =	strace s2  }
0x95: {  	s2 =	sld [smem:$0x3FFD];
	_ =	sdelay $0x3  }
0x96: {  	_ =	strace s2  }
0x97: {  	_ =	strace $0x8FFFFFFF  }
0x98: {  	s20 =	sld [smem:$0x3FDB];
	_ =	sdelay $0x1  }
0x99: {  	s4 =	simm.s32 $_scs_section_size  }
0x9a: {  	s5 =	simm.s32 $_size__tile_overlayer_lowered;
	s6 =	simm.s32 $_tile_overlayer_lowered  }
0x9b: {  	s7 =	simm.s32 $0x1BFF;
	s21 =	sshll.u32 s6, $0x1;
	s4 =	sadd.s32 s4, s20  }
0x9c: {  	s22 =	simm.s32 $0x0;
	s5 =	sshll.u32 s5, $0x1;
	s6 =	sadd.s32 s21, s4  }
0x9d: {  	[timem:s22], [sflag:s7] =	dma.local [hbm:s6], s5  }
0x9e: {  	_ =	swait.ge [sflag:s7], s5  }
0x9f: {  	s5 =	ssub.s32 $0x0, s5;
	[sflag:s7] =	ssyncset.done $0x0  }
0xa0: {  	[sflag:s7] =	ssyncadd.s32 s5;
	_ =	sdelay $0x1  }
0xa1: {  	s23 =	simm.s32 $0x1B8B  }
0xa2: {  	_ =	swait.ge [sflag:s23], $0x1  }
0xa3: {  	[sflag:s23] =	ssyncset.done $0x0  }
0xa4: {  	[sflag:s23] =	ssyncadd.s32 $0xFFFFFFFF  }
0xa5: {  	s5 =	sld [smem:$0x0]  }
0xa6: {  	s6 =	sand.u32 $0xFFFFFFFE, s1  }
0xa7: {  	p0 =	sne.s32 s1, s6  }
0xa8: {  	s6 =	sshll.u32 @p0 s6, $0xE  }
0xa9: {  	s6 =	sadd.s32 @p0 $0x11B8D, s6;
	s7 =	sshll.u32 @p0 s5, $0x11  }
0xaa: {  	s6 =	sor.u32 @p0 s7, s6  }
0xab: {  	[sflag:s6] =	ssyncadd.remote.s32 @p0 $0x1;
	_ =	sdelay $0x1  }
0xac: {  	s6 =	simm.s32 @p0 $0x1B8D  }
0xad: {  	_ =	swait.eq @p0 [sflag:s6], $0x1  }
0xae: {  	[sflag:s6] =	ssyncadd.s32 @p0 $0xFFFFFFFF  }
0xaf: {  	s7 =	sshll.u32 @!p0 s1, $0xE  }
0xb0: {  	s7 =	sor.u32 @!p0 $0x4000, s7;
	s6 =	simm.s32 @!p0 $0x1B8D  }
0xb1: {  	s5 =	sshll.u32 @!p0 s5, $0x11;
	s7 =	sadd.s32 @!p0 $0x11B8D, s7;
	_ =	swait.eq @!p0 [sflag:s6], $0x1  }
0xb2: {  	s5 =	sor.u32 @!p0 s5, s7;
	[sflag:s6] =	ssyncadd.s32 @!p0 $0xFFFFFFFF  }
0xb3: {  	s25 =	simm.s32 $0x1B8E;
	s24 =	sld [smem:$0x3FFE];
	[sflag:s5] =	ssyncadd.remote.s32 @!p0 $0x1  }
0xb4: {  	s26 =	simm.s32 $execute0_lowered;
	[smem:$0x3FD2] =	sst s25  }
0xb5: {  	s6 =	sshll.u32 s26, $0x1;
	_ =	strace $0x80000049;
	[dreg:$0x1] =	wrdreg $0xFFFFFFFF  }
0xb6: {  	s28 =	simm.s32 $_size_execute0_lowered;
	s4 =	sadd.s32 s4, s6;
	[dreg:$0x0] =	wrdreg $0x0  }
0xb7: {  	s6 =	sshll.u32 s28, $0x1;
	[dreg:$0x2] =	wrdreg s4  }
0xb8: {  	[dreg:$0x3] =	wrdreg s6  }
0xb9: {  	[dreg:$0x4] =	wrdreg $0xC0  }
0xba: {  	_ =	task [dreg:s22], $0x5FFFF  }
0xbb: {  	[dreg:$0x1] =	wrdreg $0xFFFFFFFF  }
0xbc: {  	[dreg:$0x0] =	wrdreg $0x60  }
0xbd: {  	[dreg:$0x2] =	wrdreg s18  }
0xbe: {  	[dreg:$0x3] =	wrdreg s24  }
0xbf: {  	[dreg:$0x4] =	wrdreg $0x68000  }
0xc0: {  	[dreg:$0x5] =	wrdreg $0x9  }
0xc1: {  	_ =	task.clear_ibuf [dreg:s22], $0x6FFFF;
	_ =	strace $0x90000049  }
0xc2: {  	s29 =	simm.s32 $0x9;
	_ =	strace $0x8000004B  }
0xc3: {  	_ =	swait.ge [sflag:s29], $0x1  }
0xc4: {  	[sflag:s29] =	ssyncadd.s32 $0xFFFFFFFF  }
0xc5: {  	_ =	strace $0x9000004B  }
0xc6: {  	_ =	sfence  }
0xc7: {  	s30 =	sld [smem:$0x0];
	_ =	sdelay $0x2  }
0xc8: {  	s31 =	sshll.u32 s1, $0xD;
	s1 =	sshrl.u32 s1, $0x2  }
0xc9: {  	s4 =	sand.u32 $0x4000, s31;
	s1 =	sadd.s32 s1, s30  }
0xca: {  	s0 =	sor.u32 s4, s0;
	s1 =	sshll.u32 s1, $0x11  }
0xcb: {  	s0 =	sor.u32 s1, s0  }
0xcc: {  	s0 =	sadd.s32 $0x8F2B, s0  }
0xcd: {  	[sflag:s0] =	ssyncadd.remote.s32 $0x1  }
0xce: {  	_ =	sfence.sel $0xFFFF  }
0xcf: {  	[dreg:$0x0] =	wrdreg $0xFFFFFFFF;
	(pc) =	sbr.abs _section_cstart, $3  }
0xd0: {  	[dreg:$0x1] =	wrdreg $0xFFFFFFFF  }
0xd1: {  	_ =	task.clear_ibuf [dreg:s22], $0x2FFFF;
	_ =	strace $0x9FFFFFFF  }
0xd2: {  	(tm) =	ssettm $0x7FFFFFFF  }
0xd3: {  	_ =	shalt  }
tec
execute0_lowered:
.L_overlay_start_1:
0x0: {  	(tag) =	ssettag $0x1  }
0x1: {  	s9 =	rddreg [dreg:$0x0]  }
0x2: {  	s4 =	rddreg [dreg:$0x1]  }
0x3: {  	s1 =	rddreg [dreg:$0x2]  }
0x4: {  	s0 =	rddreg [dreg:$0x3];
	s3 =	simm.s32 $0x0;
	s5 =	srdreg.scid  }
0x5: {  	s2 =	stileid.u32;
	s19 =	simm.s32 $0x0;
	[smem:$0x7FF] =	sst s3  }
0x6: {  	s5 =	sand.u32 $0x1, s5;
	s7 =	smul.u32 $0x50000, s2;
	s14 =	sadd.s32 $0x84400, s4  }
0x7: {  	s8 =	smul.u32 $0x14000, s2;
	_ =	strace $0x8000004A;
	s6 =	ssub.s32 $0x2, s5  }
0x8: {  	s30 =	sshll.u32 s5, $0x4;
	s16 =	smul.u32 $0x140000, s5;
	s29 =	sshrl.u32 s6, $0x1  }
0x9: {  	s31 =	sshrl.u32 s7, $0x2;
	s10 =	sor.u32 s2, s30;
	s11 =	sadd.s32 $0x4000, s8  }
0xa: {  	s12 =	sadd.s32 $0x8000, s8;
	s13 =	sadd.s32 $0xC000, s8;
	s17 =	sadd.s32 $0x10000, s8  }
0xb: {  	s15 =	ssub.s32 s6, s29;
	s4 =	sadd.s32 s31, s1;
	s5 =	sadd.s32 s11, s1  }
0xc: {  	s6 =	sadd.s32 s12, s1;
	s7 =	sadd.s32 s13, s1;
	s10 =	smul.u32 $0x500, s10  }
0xd: {  	s18 =	sadd.s32 s8, s16;
	s8 =	sadd.s32 s17, s1;
	s11 =	sadd.s32 s16, s11  }
0xe: {  	s12 =	sadd.s32 s16, s12;
	s13 =	sadd.s32 s16, s13;
	s16 =	sadd.s32 s16, s17  }
0xf: {  	s17 =	simm.s32 $0x1;
	s18 =	sshrl.u32 s18, $0x3;
	s11 =	sshrl.u32 s11, $0x3  }
0x10: {  	s12 =	sshrl.u32 s12, $0x3;
	s13 =	sshrl.u32 s13, $0x3;
	s16 =	sshrl.u32 s16, $0x3  }
0x11: {  	s15 =	smax.u32 s15, $0x1;
	s9 =	sadd.s32 s9, s10;
	s10 =	sadd.s32 s14, s18  }
0x12: {  	s11 =	sadd.s32 s14, s11;
	s12 =	sadd.s32 s14, s12;
	s13 =	sadd.s32 s14, s13  }
0x13: {  	v0 =	vimm.f32 $0.0e+00;
	v1 =	vimm.f32 $1.000000000e+00;
	s14 =	sadd.s32 s14, s16;
	s16 =	simm.s32 $0x2800;
	s18 =	simm.s32 $0x80  }
.LBB2_1:
0x14: {  	s20 =	sand.u32 $0xFE00, s3  }
0x15: {  	s21 =	sand.u32 $0x70, s3;
	s22 =	sshrl.u32 s20, $0x2  }
0x16: {  	s20 =	simm.s32 $0x40;
	s22 =	sor.u32 s21, s22;
	s21 =	simm.s32 $0x0  }
.LBB2_2:
0x17: {  	p0 =	sne.s32 s20, $0xFFC0  }
0x18: {  	[tilespmem:s22+$0x2800] =	vst v0;
	s21 =	sadd.s32 $0x10, s21;
	s22 =	smov.u32 s20;
	s20 =	sadd.s32 $0x40, s20  }
.Ltmp0:
0x19: {  	(pc) =	sbr.rel @p0 .LBB2_2-.Ltmp0, $4  }
0x1a: {  	_ = 	snop  }
0x1b: {  	s22 =	sand.u32 $0xFE00, s22  }
0x1c: {  	s23 =	sand.u32 $0x70, s21;
	s22 =	sshrl.u32 s22, $0x2  }
0x1d: {  	s22 =	sor.u32 s23, s22  }
0x1e: {  	[tilespmem:s22+$0x2800] =	vst v0  }
0x1f: {  	[spmem:s4] =	stream.linear.scatter [tilespmem:s16], [sflag:$0x1], $0x4000, $0x38;
	[tilespmem:$0x1A800] =	vst v63  }
0x20: {  	_ =	swait.ge [sflag:s17], $0x4000  }
0x21: {  	[sflag:s17] =	ssyncset.done $0x0  }
0x22: {  	[sflag:s17] =	ssyncadd.s32 $0xFFFFC000  }
0x23: {  	[spmem:s5] =	stream.linear.scatter [tilespmem:s16], [sflag:$0x1], $0x4000, $0x38;
	[tilespmem:$0x1A800] =	vst v63  }
0x24: {  	_ =	swait.ge [sflag:s17], $0x4000  }
0x25: {  	[sflag:s17] =	ssyncset.done $0x0  }
0x26: {  	[sflag:s17] =	ssyncadd.s32 $0xFFFFC000  }
0x27: {  	[spmem:s6] =	stream.linear.scatter [tilespmem:s16], [sflag:$0x1], $0x4000, $0x38;
	[tilespmem:$0x1A800] =	vst v63  }
0x28: {  	_ =	swait.ge [sflag:s17], $0x4000  }
0x29: {  	[sflag:s17] =	ssyncset.done $0x0  }
0x2a: {  	[sflag:s17] =	ssyncadd.s32 $0xFFFFC000  }
0x2b: {  	[spmem:s7] =	stream.linear.scatter [tilespmem:s16], [sflag:$0x1], $0x4000, $0x38;
	[tilespmem:$0x1A800] =	vst v63  }
0x2c: {  	_ =	swait.ge [sflag:s17], $0x4000  }
0x2d: {  	[sflag:s17] =	ssyncset.done $0x0  }
0x2e: {  	s20 =	simm.s32 $0x0;
	[sflag:s17] =	ssyncadd.s32 $0xFFFFC000  }
0x2f: {  	[spmem:s8] =	stream.linear.scatter [tilespmem:s16], [sflag:$0x1], $0x4000, $0x38;
	[tilespmem:$0x1A800] =	vst v63  }
0x30: {  	s21 =	sand.u32 $0xFE00, s20;
	_ =	swait.ge [sflag:s17], $0x4000  }
0x31: {  	s31 =	sand.u32 $0x70, s20;
	s23 =	sshrl.u32 s21, $0x2;
	[sflag:s17] =	ssyncset.done $0x0  }
0x32: {  	s21 =	simm.s32 $0x40;
	s22 =	sor.u32 s31, s23;
	[sflag:s17] =	ssyncadd.s32 $0xFFFFC000  }
.LBB2_4:
0x33: {  	p0 =	sne.s32 s21, $0xFFC0  }
0x34: {  	[tilespmem:s22+$0x2800] =	vst v1;
	s20 =	sadd.s32 $0x10, s20;
	s22 =	smov.u32 s21;
	s21 =	sadd.s32 $0x40, s21  }
.Ltmp1:
0x35: {  	(pc) =	sbr.rel @p0 .LBB2_4-.Ltmp1, $4  }
0x36: {  	_ = 	snop  }
0x37: {  	s22 =	sand.u32 $0xFE00, s22  }
0x38: {  	s23 =	sand.u32 $0x70, s20;
	s22 =	sshrl.u32 s22, $0x2  }
0x39: {  	s22 =	sor.u32 s23, s22  }
0x3a: {  	[tilespmem:s22+$0x2800] =	vst v1;
	s20 =	simm.s32 $0x0  }
0x3b: {  	[tilespmem:s20], [sflag:$0x1] =	stream.linear.gather [hbm4b:s9+s20], $0x2800, $0x38;
	[tilespmem:$0x1A800] =	vst v63  }
0x3c: {  	_ =	swait.ge [sflag:s17], $0x2800  }
0x3d: {  	[sflag:s17] =	ssyncset.done $0x0  }
0x3e: {  	[sflag:s17] =	ssyncadd.s32 $0xFFFFD800  }
0x3f: {  	s31 =	simm.s32 $0x0;
	[bflag:$0x0] =	sbarrier.arrive $0xFFFF  }
0x40: {  	[spmem:s1] =	stream.indirect.scatter.add.f32 [tilespmem:s16], [sflag:$0x1], $0x80, s31, s18, $0xb8;
	[tilespmem:$0x1A800] =	vst v63  }
0x41: {  	_ =	swait.ge [sflag:s17], $0x4000  }
0x42: {  	s20 =	simm.s32 $0x200;
	[sflag:s17] =	ssyncset.done $0x0  }
.LBB2_6:
0x43: {  	s21 =	sshra.s32 s20, $0x2;
	[sflag:s17] =	ssyncadd.s32 $0xFFFFC000;
	p0 =	sne.s32 s20, $0x9E00  }
0x44: {  	[spmem:s1] =	stream.indirect.scatter.add.f32 [tilespmem:s16], [sflag:$0x1], $0x80, s21, s18, $0xb8;
	[tilespmem:$0x1A800] =	vst v63  }
.Ltmp2:
0x45: {  	_ = 	snop;
	(pc) =	sbr.rel @p0 .LBB2_6-.Ltmp2, $4  }
0x46: {  	_ = 	snop  }
0x47: {  	s20 =	sadd.s32 $0x200, s20  }
0x48: {  	_ =	swait.ge [sflag:s17], $0x4000  }
0x49: {  	[sflag:s17] =	ssyncset.done $0x0  }
0x4a: {  	[sflag:s17] =	ssyncadd.s32 $0xFFFFC000  }
0x4b: {  	[bflag:$0x0] =	sbarrier.arrive $0xFFFF  }
0x4c: {  	[tilespmem:s16], [sflag:$0x1] =	stream.linear.gather [spmem:s4], $0x4000, $0x38;
	[tilespmem:$0x1A800] =	vst v63  }
0x4d: {  	_ =	swait.ge [sflag:s17], $0x4000  }
0x4e: {  	[sflag:s17] =	ssyncset.done $0x0  }
0x4f: {  	[sflag:s17] =	ssyncadd.s32 $0xFFFFC000  }
0x50: {  	[hbm4b:s10+s3] =	stream.linear.scatter [tilespmem:s16], [sflag:$0x1], $0x4000, $0x38;
	[tilespmem:$0x1A800] =	vst v63  }
0x51: {  	_ =	swait.ge [sflag:s17], $0x4000  }
0x52: {  	[sflag:s17] =	ssyncset.done $0x0  }
0x53: {  	[sflag:s17] =	ssyncadd.s32 $0xFFFFC000  }
0x54: {  	[tilespmem:s16], [sflag:$0x1] =	stream.linear.gather [spmem:s5], $0x4000, $0x38;
	[tilespmem:$0x1A800] =	vst v63  }
0x55: {  	_ =	swait.ge [sflag:s17], $0x4000  }
0x56: {  	[sflag:s17] =	ssyncset.done $0x0  }
0x57: {  	[sflag:s17] =	ssyncadd.s32 $0xFFFFC000  }
0x58: {  	[hbm4b:s11+s3] =	stream.linear.scatter [tilespmem:s16], [sflag:$0x1], $0x4000, $0x38;
	[tilespmem:$0x1A800] =	vst v63  }
0x59: {  	_ =	swait.ge [sflag:s17], $0x4000  }
0x5a: {  	[sflag:s17] =	ssyncset.done $0x0  }
0x5b: {  	[sflag:s17] =	ssyncadd.s32 $0xFFFFC000  }
0x5c: {  	[tilespmem:s16], [sflag:$0x1] =	stream.linear.gather [spmem:s6], $0x4000, $0x38;
	[tilespmem:$0x1A800] =	vst v63  }
0x5d: {  	_ =	swait.ge [sflag:s17], $0x4000  }
0x5e: {  	[sflag:s17] =	ssyncset.done $0x0  }
0x5f: {  	[sflag:s17] =	ssyncadd.s32 $0xFFFFC000  }
0x60: {  	[hbm4b:s12+s3] =	stream.linear.scatter [tilespmem:s16], [sflag:$0x1], $0x4000, $0x38;
	[tilespmem:$0x1A800] =	vst v63  }
0x61: {  	_ =	swait.ge [sflag:s17], $0x4000  }
0x62: {  	[sflag:s17] =	ssyncset.done $0x0  }
0x63: {  	[sflag:s17] =	ssyncadd.s32 $0xFFFFC000  }
0x64: {  	[tilespmem:s16], [sflag:$0x1] =	stream.linear.gather [spmem:s7], $0x4000, $0x38;
	[tilespmem:$0x1A800] =	vst v63  }
0x65: {  	_ =	swait.ge [sflag:s17], $0x4000  }
0x66: {  	[sflag:s17] =	ssyncset.done $0x0  }
0x67: {  	[sflag:s17] =	ssyncadd.s32 $0xFFFFC000  }
0x68: {  	[hbm4b:s13+s3] =	stream.linear.scatter [tilespmem:s16], [sflag:$0x1], $0x4000, $0x38;
	[tilespmem:$0x1A800] =	vst v63  }
0x69: {  	_ =	swait.ge [sflag:s17], $0x4000  }
0x6a: {  	[sflag:s17] =	ssyncset.done $0x0  }
0x6b: {  	[sflag:s17] =	ssyncadd.s32 $0xFFFFC000  }
0x6c: {  	[tilespmem:s16], [sflag:$0x1] =	stream.linear.gather [spmem:s8], $0x4000, $0x38;
	[tilespmem:$0x1A800] =	vst v63  }
0x6d: {  	s19 =	sadd.s32 $0x1, s19;
	_ =	swait.ge [sflag:s17], $0x4000  }
0x6e: {  	p0 =	sne.s32 s19, s15;
	[sflag:s17] =	ssyncset.done $0x0  }
.Ltmp3:
0x6f: {  	[sflag:s17] =	ssyncadd.s32 $0xFFFFC000;
	(pc) =	sbr.rel @p0 .LBB2_1-.Ltmp3, $4  }
0x70: {  	[hbm4b:s14+s3] =	stream.linear.scatter [tilespmem:s16], [sflag:$0x1], $0x4000, $0x38;
	[tilespmem:$0x1A800] =	vst v63  }
0x71: {  	_ =	swait.ge [sflag:s17], $0x4000  }
0x72: {  	[sflag:s17] =	ssyncset.done $0x0  }
0x73: {  	[sflag:s17] =	ssyncadd.s32 $0xFFFFC000  }
0x74: {  	_ =	sfence.sel $0x180000  }
0x75: {  	[bflag:$0x0] =	sbarrier.arrive $0xFFFF  }
0x76: {  	p0 =	sne.s32 s2, $0x0;
	_ =	strace $0x9000004A  }
0x77: {  	s0 =	sadd.s32 @!p0 $0x100000, s0;
	[bflag:$0x2] =	sbarrier.arrive $0xFFFF  }
0x78: {  	[sflag:s0] =	ssyncadd.tile.s32 @!p0 $0x1;
	_ =	shalt  }
.Lfunc_end2:
_tile_overlayer_lowered:
.L_overlay_start_2:
0x79: {  	(tag) =	ssettag $0x2  }
0x7a: {  	s0 =	rddreg [dreg:$0x0];
	s2 =	stileid.u32  }
0x7b: {  	s1 =	rddreg [dreg:$0x1];
	p0 =	sne.s32 s2, $0x0  }
0x7c: {  	s3 =	rddreg [dreg:$0x2];
	[bflag:$0x3] =	sbarrier.arrive $0xFFFF;
	s2 =	simm.s32 @!p0 $0x1C01  }
0x7d: {  	[timem:s3], [sflag:s2] =	dma.local @!p0 [hbm:s0], s1  }
0x7e: {  	s0 =	simm.s32 @!p0 $0x1  }
0x7f: {  	_ =	swait.ge @!p0 [sflag:s0], s1  }
0x80: {  	s1 =	ssub.s32 @!p0 $0x0, s1;
	[sflag:s0] =	ssyncset.done @!p0 $0x0  }
0x81: {  	[sflag:s0] =	ssyncadd.s32 @!p0 s1  }
0x82: {  	[bflag:$0x3] =	sbarrier.arrive $0xFFFF  }
0x83: {  	_ =	shalt  }

</sc_bundles>
